<compile_context>
chip_gen: v7x
topology: tpu7x:2x2x1
jax: 0.10.2.dev20260603
libtpu: 0.0.44.dev20260713+nightly
codegen_flags: <defaults>
</compile_context>

<pallas_src>
import functools

import jax
import jax.numpy as jnp
from jax import lax
from jax.experimental import pallas as pl
from jax.experimental.pallas import tpu as pltpu
from jax.experimental.pallas import tpu_sc as plsc

WORD_DIM = 128
CHAR_DIM = 16
CHAR_VOCAB = 256
MAX_WORD_LEN = 16
CONV_WIDTHS = (2, 3, 4)
CONV_OUT = 64
POS_SLOTS = 16
CONV_COLS = len(CONV_WIDTHS) * POS_SLOTS * CONV_OUT


def _sc_gather(widx, cidx, word_table, char_table):
    N = widx.shape[0]
    info = plsc.get_sparse_core_info()
    NW = info.num_cores * info.num_subcores
    n_per = N // NW
    WCH = 80
    CW = 200
    n_w_iters = n_per // WCH
    n_c_chunks = n_per // CW
    row = CHAR_DIM * MAX_WORD_LEN
    mesh = plsc.VectorSubcoreMesh(core_axis_name="c", subcore_axis_name="s")

    @functools.partial(
        pl.kernel, mesh=mesh,
        out_type=[
            jax.ShapeDtypeStruct((N, WORD_DIM), jnp.float32),
            jax.ShapeDtypeStruct((2 * N * WORD_DIM,), jnp.float32),
        ],
        scratch_types=[
            pltpu.VMEM((n_per,), jnp.int32),
            pltpu.VMEM((WCH, WORD_DIM), jnp.float32),
            pltpu.VMEM((WCH, WORD_DIM), jnp.float32),
            pltpu.VMEM((CHAR_VOCAB * CHAR_DIM,), jnp.float32),
            pltpu.VMEM((n_per * MAX_WORD_LEN,), jnp.int32),
            pltpu.VMEM((CW * WORD_DIM,), jnp.float32),
            pltpu.VMEM((CW * WORD_DIM,), jnp.float32),
            pltpu.SemaphoreType.DMA,
            pltpu.SemaphoreType.DMA,
        ],
        compiler_params=pltpu.CompilerParams(needs_layout_passes=False),
    )
    def k(widx_hbm, cidx_hbm, wtab_hbm, ctab_hbm, wout_hbm, cout_hbm,
          widx_v, wrows0_v, wrows1_v, ctab_v, cidx_v, clo_v, chi_v,
          sem0, sem1):
        wid = lax.axis_index("s") * info.num_cores + lax.axis_index("c")
        wbase = wid * n_per

        pltpu.sync_copy(ctab_hbm, ctab_v)
        pltpu.sync_copy(widx_hbm.at[pl.ds(wbase, n_per)], widx_v)
        pltpu.sync_copy(
            cidx_hbm.at[pl.ds(wbase * MAX_WORD_LEN, n_per * MAX_WORD_LEN)],
            cidx_v)

        def _gather(j, rows_v, sem):
            pltpu.async_copy(
                wtab_hbm.at[widx_v.at[pl.ds(j * WCH, WCH)]], rows_v, sem)

        def _gwait(rows_v, sem):
            pltpu.make_async_copy(
                wtab_hbm.at[pl.ds(0, WCH)], rows_v, sem).wait()

        _gather(0, wrows0_v, sem0)
        n_pairs = n_w_iters // 2

        def wbody(p, carry):
            j0 = p * 2
            _gather(j0 + 1, wrows1_v, sem1)
            _gwait(wrows0_v, sem0)
            pltpu.sync_copy(wrows0_v,
                            wout_hbm.at[pl.ds(wbase + j0 * WCH, WCH)])

            @pl.when(p < n_pairs - 1)
            def _():
                _gather(j0 + 2, wrows0_v, sem0)

            _gwait(wrows1_v, sem1)
            pltpu.sync_copy(wrows1_v,
                            wout_hbm.at[pl.ds(wbase + (j0 + 1) * WCH, WCH)])
            return carry

        lax.fori_loop(0, n_pairs, wbody, 0)

        def cchunk(ch, carry):
            @plsc.parallel_loop(0, CW, 1, unroll=2)
            def cword(w):
                gw = ch * CW + w
                flat = cidx_v[pl.ds(gw * MAX_WORD_LEN, MAX_WORD_LEN)]
                for d in range(CHAR_DIM):
                    vals = plsc.load_gather(ctab_v, [flat + d])
                    if d < CHAR_DIM // 2:
                        clo_v[pl.ds(w * WORD_DIM + d * MAX_WORD_LEN,
                                    MAX_WORD_LEN)] = vals
                    else:
                        chi_v[pl.ds(w * WORD_DIM + (d - CHAR_DIM // 2) *
                                    MAX_WORD_LEN, MAX_WORD_LEN)] = vals
            base = (wbase + ch * CW) * WORD_DIM
            pltpu.sync_copy(clo_v, cout_hbm.at[pl.ds(base, CW * WORD_DIM)])
            pltpu.sync_copy(
                chi_v, cout_hbm.at[pl.ds(N * WORD_DIM + base, CW * WORD_DIM)])
            return carry

        lax.fori_loop(0, n_c_chunks, cchunk, 0)

    return k(widx, cidx, word_table, char_table.reshape(-1))


def _build_conv_matrix(k2, k3, k4):
    rows = CHAR_DIM * MAX_WORD_LEN
    Bm = jnp.zeros((rows, CONV_COLS), jnp.float32)
    for ki, W in enumerate((k2, k3, k4)):
        kw = W.shape[2]
        Wr = jnp.transpose(W, (2, 1, 0)).reshape(kw * CHAR_DIM, CONV_OUT)
        for t in range(MAX_WORD_LEN - kw + 1):
            Bm = lax.dynamic_update_slice(
                Bm, Wr, (t * CHAR_DIM, (ki * POS_SLOTS + t) * CONV_OUT))
    Bm = Bm.reshape(MAX_WORD_LEN, CHAR_DIM, CONV_COLS)
    Bm = jnp.transpose(Bm, (1, 0, 2)).reshape(rows, CONV_COLS)
    return Bm


def _tc_conv(w_flat, c2, Bmat, Bsz, S, blk_off=0, out_prev=None):
    N = w_flat.shape[0]
    RB = 16
    TN = RB * S
    OUT = WORD_DIM + len(CONV_WIDTHS) * CONV_OUT
    nblk = N // TN

    def body(w_ref, clo_ref, chi_ref, b_ref, o_ref):
        x1 = clo_ref[:].astype(jnp.bfloat16)
        x2 = chi_ref[:].astype(jnp.bfloat16)
        for ki in range(3):
            acc = None
            for j in range(4):
                lo = (ki * 4 + j) * 256
                y = (jnp.dot(x1, b_ref[0:WORD_DIM, lo:lo + 256],
                             preferred_element_type=jnp.float32) +
                     jnp.dot(x2, b_ref[WORD_DIM:2 * WORD_DIM, lo:lo + 256],
                             preferred_element_type=jnp.float32))
                acc = y if acc is None else jnp.maximum(acc, y)
            m = jnp.maximum(acc[:, 0:128], acc[:, 128:256])
            m = jnp.maximum(m[:, 0:64], m[:, 64:128])
            m = jnp.maximum(m, 0.0)
            c0 = WORD_DIM + ki * CONV_OUT
            o_ref[:, :, c0:c0 + CONV_OUT] = m.reshape(RB, S, CONV_OUT)
        o_ref[:, :, 0:WORD_DIM] = w_ref[:].reshape(RB, S, WORD_DIM)

    in_specs = [
        pl.BlockSpec((TN, WORD_DIM), lambda i: (i, 0)),
        pl.BlockSpec((TN, WORD_DIM), lambda i: (i, 0)),
        pl.BlockSpec((TN, WORD_DIM), lambda i, _n=nblk: (_n + i, 0)),
        pl.BlockSpec((2 * WORD_DIM, CONV_COLS), lambda i: (0, 0)),
    ]
    args = [w_flat, c2, c2, Bmat]
    kwargs = {}
    run_body = body
    if out_prev is not None:
        in_specs = [pl.BlockSpec((8, S, OUT), lambda i: (0, 0, 0))] + in_specs
        args = [out_prev] + args
        kwargs["input_output_aliases"] = {0: 0}

        def run_body(prev_ref, *refs):
            body(*refs)

    return pl.pallas_call(
        run_body,
        grid=(nblk,),
        in_specs=in_specs,
        out_specs=pl.BlockSpec((RB, S, OUT),
                               lambda i, _o=blk_off: (_o + i, 0, 0)),
        out_shape=jax.ShapeDtypeStruct((Bsz, S, OUT), jnp.float32),
        compiler_params=pltpu.CompilerParams(
            dimension_semantics=("arbitrary",),
        ),
        **kwargs,
    )(*args)


def kernel(word_input, character_input, word_table, char_table,
           kernel_2, kernel_3, kernel_4):
    Bsz, S = word_input.shape
    N = Bsz * S
    widx = word_input.reshape(N).astype(jnp.int32)
    cidx = (character_input.astype(jnp.int32) * CHAR_DIM).reshape(
        N * MAX_WORD_LEN)
    Bmat = _build_conv_matrix(kernel_2, kernel_3, kernel_4).astype(jnp.bfloat16)
    h = N // 2
    hb = Bsz // 2
    out = None
    for p in range(2):
        widx_h = lax.dynamic_slice_in_dim(widx, p * h, h)
        cidx_h = lax.dynamic_slice_in_dim(cidx, p * h * MAX_WORD_LEN,
                                          h * MAX_WORD_LEN)
        w_flat, c_rows = _sc_gather(widx_h, cidx_h, word_table, char_table)
        c2 = c_rows.reshape(2 * h, WORD_DIM)
        out = _tc_conv(w_flat, c2, Bmat, Bsz, S,
                       blk_off=p * (hb // 16), out_prev=out)
    return out

# --- scband reference (transcript-rebuilt; emitter-appended) ---
"""Pipeline reference for scband-embedding-22978075033956 (READ-ONLY COPY).

The authoritative reference and input builder live on the scoring server;
editing this copy changes nothing except your own understanding.
"""

import jax, jax.numpy as jnp
import numpy as np

WORD_VOCAB = 1000000
WORD_DIM = 128
CHAR_VOCAB = 256
CHAR_DIM = 16
MAX_WORD_LEN = 16
KERNELS = [(2, 64), (3, 64), (4, 64)]
B, S = 1024, 50


def setup_inputs(seed: int = 0) -> dict:
    key = jax.random.key(seed)
    ks = jax.random.split(key, 8)
    word_input = jax.random.randint(ks[0], (B, S), 0, WORD_VOCAB)
    character_input = jax.random.randint(ks[1], (B, S, MAX_WORD_LEN), 0, CHAR_VOCAB)
    word_table = jax.random.normal(ks[2], (WORD_VOCAB, WORD_DIM), dtype=jnp.float32)
    char_table = jax.random.uniform(ks[3], (CHAR_VOCAB, CHAR_DIM), dtype=jnp.float32, minval=-1.0, maxval=1.0)
    kernel_2 = jax.random.normal(ks[4], (KERNELS[0][1], CHAR_DIM, KERNELS[0][0]), dtype=jnp.float32) * 0.05
    kernel_3 = jax.random.normal(ks[5], (KERNELS[1][1], CHAR_DIM, KERNELS[1][0]), dtype=jnp.float32) * 0.05
    kernel_4 = jax.random.normal(ks[6], (KERNELS[2][1], CHAR_DIM, KERNELS[2][0]), dtype=jnp.float32) * 0.05
    return {
        'word_input': word_input,
        'character_input': character_input,
        'word_table': word_table,
        'char_table': char_table,
        'kernel_2': kernel_2,
        'kernel_3': kernel_3,
        'kernel_4': kernel_4,
    }


def _tdnn(char_emb, kernels):
    # char_emb: [B, S, L, char_dim] -> conv over char positions, max-pool over time
    b, s, l, d = char_emb.shape
    x = char_emb.reshape(b * s, l, d)
    x = jnp.transpose(x, (0, 2, 1))  # [N, char_dim, L]
    outs = []
    for k in kernels:
        y = jax.lax.conv_general_dilated(
            x, k, window_strides=(1,), padding='VALID',
            dimension_numbers=('NCH', 'OIH', 'NCH'))
        y = jax.nn.relu(y)
        outs.append(jnp.max(y, axis=2))
    out = jnp.concatenate(outs, axis=1)
    return out.reshape(b, s, -1)


def reference(word_input, character_input, word_table, char_table, kernel_2, kernel_3, kernel_4):
    batch_size, seq_len = word_input.shape
    # word embedding lookup (gather)
    w = jnp.take(word_table, word_input, axis=0)  # [B, S, WORD_DIM]
    # char embedding lookup (gather)
    ci = character_input.reshape(-1, MAX_WORD_LEN)
    c = jnp.take(char_table, ci, axis=0)  # [B*S, L, CHAR_DIM]
    c = c.reshape(batch_size, seq_len, MAX_WORD_LEN, CHAR_DIM)
    c = _tdnn(c, (kernel_2, kernel_3, kernel_4))  # [B, S, sum(out_dims)]
    return jnp.concatenate([w, c], axis=2)

if __name__ == "__main__":
    import jax
    _d = setup_inputs()
    print(jax.jit(kernel)(*tuple(_d.values())))

</pallas_src>

<mosaic_0001>
#map = affine_map<(d0, d1) -> (0)>
#map1 = affine_map<(d0, d1) -> (0, 0)>
module attributes {stable_mosaic.version = 14 : i64} {
  func.func @k(%arg0: i32, %arg1: i32, %arg2: memref<25600xi32, #tpu.memory_space<hbm>>, %arg3: memref<409600xi32, #tpu.memory_space<hbm>>, %arg4: memref<1000000x128xf32, #tpu.memory_space<hbm>>, %arg5: memref<4096xf32, #tpu.memory_space<hbm>>, %arg6: memref<25600x128xf32, #tpu.memory_space<hbm>>, %arg7: memref<6553600xf32, #tpu.memory_space<hbm>>, %arg8: memref<800xi32, #tpu.memory_space<vmem>>, %arg9: memref<80x128xf32, #tpu.memory_space<vmem>>, %arg10: memref<80x128xf32, #tpu.memory_space<vmem>>, %arg11: memref<4096xf32, #tpu.memory_space<vmem>>, %arg12: memref<12800xi32, #tpu.memory_space<vmem>>, %arg13: memref<25600xf32, #tpu.memory_space<vmem>>, %arg14: memref<25600xf32, #tpu.memory_space<vmem>>, %arg15: memref<!tpu.dma_semaphore, #tpu.memory_space<semaphore_mem>>, %arg16: memref<!tpu.dma_semaphore, #tpu.memory_space<semaphore_mem>>) attributes {dimension_semantics = [#tpu.dimension_semantics<core_parallel>, #tpu.dimension_semantics<subcore_parallel>], iteration_bounds = array<i64: 2, 16>, scalar_prefetch = 0 : i64, scratch_operands = 9 : i64, tpu.core_type = #tpu.core_type<sc_vector_subcore>, window_params = [{transform_indices = #map}, {transform_indices = #map}, {transform_indices = #map1}, {transform_indices = #map}, {transform_indices = #map1}, {transform_indices = #map}]} {
    %mul3A = arith.constant 2 : i32
    %mul3A_0 = arith.muli %arg1, %mul3A : i32
    %add3A = arith.addi %mul3A_0, %arg0 : i32
    %mul3A_1 = arith.constant 800 : i32
    %mul3A_2 = arith.muli %add3A, %mul3A_1 : i32
    "tpu.region"() ({
      %run_scoped3A = tpu.sem_alloc : memref<!tpu.dma_semaphore, #tpu.memory_space<semaphore_mem>>
      tpu.enqueue_dma source(%arg5 : memref<4096xf32, #tpu.memory_space<hbm>>) target(%arg11 : memref<4096xf32, #tpu.memory_space<vmem>>) target_semaphore(%run_scoped3A : memref<!tpu.dma_semaphore, #tpu.memory_space<semaphore_mem>>)
      tpu.wait_dma2 semaphore(%run_scoped3A : memref<!tpu.dma_semaphore, #tpu.memory_space<semaphore_mem>>) src(%arg5 : memref<4096xf32, #tpu.memory_space<hbm>>) dst(%arg11 : memref<4096xf32, #tpu.memory_space<vmem>>)
      tpu.yield
    }) : () -> ()
    "tpu.region"() ({
      %run_scoped3A = tpu.sem_alloc : memref<!tpu.dma_semaphore, #tpu.memory_space<semaphore_mem>>
      %dma_start3A_20 = tpu.memref_slice %arg2[%mul3A_2] : memref<25600xi32, #tpu.memory_space<hbm>> -> memref<800xi32, #tpu.memory_space<hbm>>
      %dma_start3A_21 = tpu.memref_slice %arg2[%mul3A_2] : memref<25600xi32, #tpu.memory_space<hbm>> -> memref<800xi32, #tpu.memory_space<hbm>>
      tpu.enqueue_dma source(%dma_start3A_21 : memref<800xi32, #tpu.memory_space<hbm>>) target(%arg8 : memref<800xi32, #tpu.memory_space<vmem>>) target_semaphore(%run_scoped3A : memref<!tpu.dma_semaphore, #tpu.memory_space<semaphore_mem>>)
      %dma_wait3A = tpu.memref_slice %arg2[%mul3A_2] : memref<25600xi32, #tpu.memory_space<hbm>> -> memref<800xi32, #tpu.memory_space<hbm>>
      %dma_wait3A_22 = tpu.memref_slice %arg2[%mul3A_2] : memref<25600xi32, #tpu.memory_space<hbm>> -> memref<800xi32, #tpu.memory_space<hbm>>
      tpu.wait_dma2 semaphore(%run_scoped3A : memref<!tpu.dma_semaphore, #tpu.memory_space<semaphore_mem>>) src(%dma_wait3A_22 : memref<800xi32, #tpu.memory_space<hbm>>) dst(%arg8 : memref<800xi32, #tpu.memory_space<vmem>>)
      tpu.yield
    }) : () -> ()
    %mul3A_3 = arith.constant 16 : i32
    %mul3A_4 = arith.muli %mul3A_2, %mul3A_3 : i32
    "tpu.region"() ({
      %run_scoped3A = tpu.sem_alloc : memref<!tpu.dma_semaphore, #tpu.memory_space<semaphore_mem>>
      %dma_start3A_20 = tpu.memref_slice %arg3[%mul3A_4] : memref<409600xi32, #tpu.memory_space<hbm>> -> memref<12800xi32, #tpu.memory_space<hbm>>
      %dma_start3A_21 = tpu.memref_slice %arg3[%mul3A_4] : memref<409600xi32, #tpu.memory_space<hbm>> -> memref<12800xi32, #tpu.memory_space<hbm>>
      tpu.enqueue_dma source(%dma_start3A_21 : memref<12800xi32, #tpu.memory_space<hbm>>) target(%arg12 : memref<12800xi32, #tpu.memory_space<vmem>>) target_semaphore(%run_scoped3A : memref<!tpu.dma_semaphore, #tpu.memory_space<semaphore_mem>>)
      %dma_wait3A = tpu.memref_slice %arg3[%mul3A_4] : memref<409600xi32, #tpu.memory_space<hbm>> -> memref<12800xi32, #tpu.memory_space<hbm>>
      %dma_wait3A_22 = tpu.memref_slice %arg3[%mul3A_4] : memref<409600xi32, #tpu.memory_space<hbm>> -> memref<12800xi32, #tpu.memory_space<hbm>>
      tpu.wait_dma2 semaphore(%run_scoped3A : memref<!tpu.dma_semaphore, #tpu.memory_space<semaphore_mem>>) src(%dma_wait3A_22 : memref<12800xi32, #tpu.memory_space<hbm>>) dst(%arg12 : memref<12800xi32, #tpu.memory_space<vmem>>)
      tpu.yield
    }) : () -> ()
    %dma_start3A = arith.constant 0 : i32
    %dma_start3A_5 = tpu.memref_slice %arg8[%dma_start3A] : memref<800xi32, #tpu.memory_space<vmem>> -> memref<80xi32, #tpu.memory_space<vmem>>
    %dma_start3A_6 = arith.constant 0 : i32
    %dma_start3A_7 = arith.constant 0 : i32
    %dma_start3A_8 = tpu.memref_slice %arg4[%dma_start3A_6, %dma_start3A_7] : memref<1000000x128xf32, #tpu.memory_space<hbm>> -> memref<1000000x128xf32, #tpu.memory_space<hbm>>
    tpu.enqueue_indirect_dma source(%dma_start3A_8 : memref<1000000x128xf32, #tpu.memory_space<hbm>>) target(%arg9 : memref<80x128xf32, #tpu.memory_space<vmem>>) offsets(%dma_start3A_5 : memref<80xi32, #tpu.memory_space<vmem>>) semaphore(%arg15 : memref<!tpu.dma_semaphore, #tpu.memory_space<semaphore_mem>>)
    %scan3A = arith.constant 0 : i32
    %scan3A_9 = arith.constant 0 : i32
    %scan3A_10 = arith.constant 5 : i32
    %scan3A_11 = arith.addi %scan3A_9, %scan3A_10 : i32
    %scan3A_12 = arith.constant 1 : i32
    scf.for %scan3A_20 = %scan3A_9 to %scan3A_11 step %scan3A_12  : i32 {
      %mul3A_21 = arith.constant 2 : i32
      %mul3A_22 = arith.muli %scan3A_20, %mul3A_21 : i32
      %add3A_23 = arith.constant 1 : i32
      %add3A_24 = arith.addi %mul3A_22, %add3A_23 : i32
      %mul3A_25 = arith.constant 80 : i32
      %mul3A_26 = arith.muli %add3A_24, %mul3A_25 : i32
      %dma_start3A_27 = tpu.memref_slice %arg8[%mul3A_26] : memref<800xi32, #tpu.memory_space<vmem>> -> memref<80xi32, #tpu.memory_space<vmem>>
      %dma_start3A_28 = arith.constant 0 : i32
      %dma_start3A_29 = arith.constant 0 : i32
      %dma_start3A_30 = tpu.memref_slice %arg4[%dma_start3A_28, %dma_start3A_29] : memref<1000000x128xf32, #tpu.memory_space<hbm>> -> memref<1000000x128xf32, #tpu.memory_space<hbm>>
      tpu.enqueue_indirect_dma source(%dma_start3A_30 : memref<1000000x128xf32, #tpu.memory_space<hbm>>) target(%arg10 : memref<80x128xf32, #tpu.memory_space<vmem>>) offsets(%dma_start3A_27 : memref<80xi32, #tpu.memory_space<vmem>>) semaphore(%arg16 : memref<!tpu.dma_semaphore, #tpu.memory_space<semaphore_mem>>)
      %dma_wait3A = arith.constant 0 : i32
      %dma_wait3A_31 = arith.constant 0 : i32
      %dma_wait3A_32 = tpu.memref_slice %arg4[%dma_wait3A, %dma_wait3A_31] : memref<1000000x128xf32, #tpu.memory_space<hbm>> -> memref<80x128xf32, #tpu.memory_space<hbm>>
      %dma_wait3A_33 = arith.constant 0 : i32
      %dma_wait3A_34 = arith.constant 0 : i32
      %dma_wait3A_35 = tpu.memref_slice %arg4[%dma_wait3A_33, %dma_wait3A_34] : memref<1000000x128xf32, #tpu.memory_space<hbm>> -> memref<80x128xf32, #tpu.memory_space<hbm>>
      tpu.wait_dma2 semaphore(%arg15 : memref<!tpu.dma_semaphore, #tpu.memory_space<semaphore_mem>>) src(%dma_wait3A_35 : memref<80x128xf32, #tpu.memory_space<hbm>>) dst(%arg9 : memref<80x128xf32, #tpu.memory_space<vmem>>)
      %mul3A_36 = arith.constant 80 : i32
      %mul3A_37 = arith.muli %mul3A_22, %mul3A_36 : i32
      %add3A_38 = arith.addi %mul3A_2, %mul3A_37 : i32
      "tpu.region"() ({
        %run_scoped3A = tpu.sem_alloc : memref<!tpu.dma_semaphore, #tpu.memory_space<semaphore_mem>>
        %dma_start3A_52 = arith.constant 0 : i32
        %dma_start3A_53 = tpu.memref_slice %arg6[%add3A_38, %dma_start3A_52] : memref<25600x128xf32, #tpu.memory_space<hbm>> -> memref<80x128xf32, #tpu.memory_space<hbm>>
        %dma_start3A_54 = arith.constant 0 : i32
        %dma_start3A_55 = tpu.memref_slice %arg6[%add3A_38, %dma_start3A_54] : memref<25600x128xf32, #tpu.memory_space<hbm>> -> memref<80x128xf32, #tpu.memory_space<hbm>>
        tpu.enqueue_dma source(%arg9 : memref<80x128xf32, #tpu.memory_space<vmem>>) target(%dma_start3A_55 : memref<80x128xf32, #tpu.memory_space<hbm>>) target_semaphore(%run_scoped3A : memref<!tpu.dma_semaphore, #tpu.memory_space<semaphore_mem>>)
        %dma_wait3A_56 = arith.constant 0 : i32
        %dma_wait3A_57 = tpu.memref_slice %arg6[%add3A_38, %dma_wait3A_56] : memref<25600x128xf32, #tpu.memory_space<hbm>> -> memref<80x128xf32, #tpu.memory_space<hbm>>
        %dma_wait3A_58 = arith.constant 0 : i32
        %dma_wait3A_59 = tpu.memref_slice %arg6[%add3A_38, %dma_wait3A_58] : memref<25600x128xf32, #tpu.memory_space<hbm>> -> memref<80x128xf32, #tpu.memory_space<hbm>>
        tpu.wait_dma2 semaphore(%run_scoped3A : memref<!tpu.dma_semaphore, #tpu.memory_space<semaphore_mem>>) src(%arg9 : memref<80x128xf32, #tpu.memory_space<vmem>>) dst(%dma_wait3A_59 : memref<80x128xf32, #tpu.memory_space<hbm>>)
        tpu.yield
      }) : () -> ()
      %lt3A = arith.constant 4 : i32
      %lt3A_39 = arith.cmpi slt, %scan3A_20, %lt3A : i32
      %convert_element_type3A = arith.extui %lt3A_39 : i1 to i32
      %cond3A = arith.constant 0 : i32
      %cond3A_40 = arith.cmpi ne, %convert_element_type3A, %cond3A : i32
      scf.if %cond3A_40 {
        %add3A_52 = arith.constant 2 : i32
        %add3A_53 = arith.addi %mul3A_22, %add3A_52 : i32
        %mul3A_54 = arith.constant 80 : i32
        %mul3A_55 = arith.muli %add3A_53, %mul3A_54 : i32
        %dma_start3A_56 = tpu.memref_slice %arg8[%mul3A_55] : memref<800xi32, #tpu.memory_space<vmem>> -> memref<80xi32, #tpu.memory_space<vmem>>
        %dma_start3A_57 = arith.constant 0 : i32
        %dma_start3A_58 = arith.constant 0 : i32
        %dma_start3A_59 = tpu.memref_slice %arg4[%dma_start3A_57, %dma_start3A_58] : memref<1000000x128xf32, #tpu.memory_space<hbm>> -> memref<1000000x128xf32, #tpu.memory_space<hbm>>
        tpu.enqueue_indirect_dma source(%dma_start3A_59 : memref<1000000x128xf32, #tpu.memory_space<hbm>>) target(%arg9 : memref<80x128xf32, #tpu.memory_space<vmem>>) offsets(%dma_start3A_56 : memref<80xi32, #tpu.memory_space<vmem>>) semaphore(%arg15 : memref<!tpu.dma_semaphore, #tpu.memory_space<semaphore_mem>>)
      } else {
      }
      %dma_wait3A_41 = arith.constant 0 : i32
      %dma_wait3A_42 = arith.constant 0 : i32
      %dma_wait3A_43 = tpu.memref_slice %arg4[%dma_wait3A_41, %dma_wait3A_42] : memref<1000000x128xf32, #tpu.memory_space<hbm>> -> memref<80x128xf32, #tpu.memory_space<hbm>>
      %dma_wait3A_44 = arith.constant 0 : i32
      %dma_wait3A_45 = arith.constant 0 : i32
      %dma_wait3A_46 = tpu.memref_slice %arg4[%dma_wait3A_44, %dma_wait3A_45] : memref<1000000x128xf32, #tpu.memory_space<hbm>> -> memref<80x128xf32, #tpu.memory_space<hbm>>
      tpu.wait_dma2 semaphore(%arg16 : memref<!tpu.dma_semaphore, #tpu.memory_space<semaphore_mem>>) src(%dma_wait3A_46 : memref<80x128xf32, #tpu.memory_space<hbm>>) dst(%arg10 : memref<80x128xf32, #tpu.memory_space<vmem>>)
      %add3A_47 = arith.constant 1 : i32
      %add3A_48 = arith.addi %mul3A_22, %add3A_47 : i32
      %mul3A_49 = arith.constant 80 : i32
      %mul3A_50 = arith.muli %add3A_48, %mul3A_49 : i32
      %add3A_51 = arith.addi %mul3A_2, %mul3A_50 : i32
      "tpu.region"() ({
        %run_scoped3A = tpu.sem_alloc : memref<!tpu.dma_semaphore, #tpu.memory_space<semaphore_mem>>
        %dma_start3A_52 = arith.constant 0 : i32
        %dma_start3A_53 = tpu.memref_slice %arg6[%add3A_51, %dma_start3A_52] : memref<25600x128xf32, #tpu.memory_space<hbm>> -> memref<80x128xf32, #tpu.memory_space<hbm>>
        %dma_start3A_54 = arith.constant 0 : i32
        %dma_start3A_55 = tpu.memref_slice %arg6[%add3A_51, %dma_start3A_54] : memref<25600x128xf32, #tpu.memory_space<hbm>> -> memref<80x128xf32, #tpu.memory_space<hbm>>
        tpu.enqueue_dma source(%arg10 : memref<80x128xf32, #tpu.memory_space<vmem>>) target(%dma_start3A_55 : memref<80x128xf32, #tpu.memory_space<hbm>>) target_semaphore(%run_scoped3A : memref<!tpu.dma_semaphore, #tpu.memory_space<semaphore_mem>>)
        %dma_wait3A_56 = arith.constant 0 : i32
        %dma_wait3A_57 = tpu.memref_slice %arg6[%add3A_51, %dma_wait3A_56] : memref<25600x128xf32, #tpu.memory_space<hbm>> -> memref<80x128xf32, #tpu.memory_space<hbm>>
        %dma_wait3A_58 = arith.constant 0 : i32
        %dma_wait3A_59 = tpu.memref_slice %arg6[%add3A_51, %dma_wait3A_58] : memref<25600x128xf32, #tpu.memory_space<hbm>> -> memref<80x128xf32, #tpu.memory_space<hbm>>
        tpu.wait_dma2 semaphore(%run_scoped3A : memref<!tpu.dma_semaphore, #tpu.memory_space<semaphore_mem>>) src(%arg10 : memref<80x128xf32, #tpu.memory_space<vmem>>) dst(%dma_wait3A_59 : memref<80x128xf32, #tpu.memory_space<hbm>>)
        tpu.yield
      }) : () -> ()
    }
    %scan3A_13 = arith.constant 5 : i32
    %scan3A_14 = arith.constant 0 : i32
    %scan3A_15 = arith.constant 0 : i32
    %scan3A_16 = arith.constant 4 : i32
    %scan3A_17 = arith.addi %scan3A_15, %scan3A_16 : i32
    %scan3A_18 = arith.constant 1 : i32
    scf.for %scan3A_20 = %scan3A_15 to %scan3A_17 step %scan3A_18  : i32 {
      %parallel_loop3A = arith.constant 0 : i32
      %parallel_loop3A_21 = arith.constant 200 : i32
      %parallel_loop3A_22 = arith.constant 1 : i32
      scf.for %parallel_loop3A_30 = %parallel_loop3A to %parallel_loop3A_21 step %parallel_loop3A_22  : i32 {
        %parallel_loop3A_31 = arith.constant 200 : i32
        %parallel_loop3A_32 = arith.muli %scan3A_20, %parallel_loop3A_31 : i32
        %parallel_loop3A_33 = arith.addi %parallel_loop3A_32, %parallel_loop3A_30 : i32
        %parallel_loop3A_34 = arith.constant 16 : i32
        %parallel_loop3A_35 = arith.muli %parallel_loop3A_33, %parallel_loop3A_34 : i32
        %parallel_loop3A_36 = arith.index_cast %parallel_loop3A_35 : i32 to index
        %parallel_loop3A_37 = tpu.vector_load %arg12[%parallel_loop3A_36] {strides = array<i32>} : memref<12800xi32, #tpu.memory_space<vmem>>, vector<16xi32>,
        %parallel_loop3A_38 = arith.constant 0 : i32
        %parallel_loop3A_39 = vector.broadcast %parallel_loop3A_38 : i32 to vector<16xi32>
        %parallel_loop3A_40 = arith.addi %parallel_loop3A_37, %parallel_loop3A_39 : vector<16xi32>
        %parallel_loop3A_41 = tpu.vector_load_idx %arg11[%parallel_loop3A_40] : memref<4096xf32, #tpu.memory_space<vmem>>[vector<16xi32>], vector<16xf32>,
        %parallel_loop3A_42 = arith.constant 128 : i32
        %parallel_loop3A_43 = arith.muli %parallel_loop3A_30, %parallel_loop3A_42 : i32
        %parallel_loop3A_44 = arith.constant 0 : i32
        %parallel_loop3A_45 = arith.addi %parallel_loop3A_43, %parallel_loop3A_44 : i32
        %parallel_loop3A_46 = arith.index_cast %parallel_loop3A_45 : i32 to index
        %parallel_loop3A_47 = tpu.vector_load %arg13[%parallel_loop3A_46] {strides = array<i32>} : memref<25600xf32, #tpu.memory_space<vmem>>, vector<16xf32>,
        tpu.vector_store %arg13[%parallel_loop3A_46], %parallel_loop3A_41 {strides = array<i32>} : memref<25600xf32, #tpu.memory_space<vmem>>, vector<16xf32>,
        %parallel_loop3A_48 = arith.constant 1 : i32
        %parallel_loop3A_49 = vector.broadcast %parallel_loop3A_48 : i32 to vector<16xi32>
        %parallel_loop3A_50 = arith.addi %parallel_loop3A_37, %parallel_loop3A_49 : vector<16xi32>
        %parallel_loop3A_51 = tpu.vector_load_idx %arg11[%parallel_loop3A_50] : memref<4096xf32, #tpu.memory_space<vmem>>[vector<16xi32>], vector<16xf32>,
        %parallel_loop3A_52 = arith.constant 128 : i32
        %parallel_loop3A_53 = arith.muli %parallel_loop3A_30, %parallel_loop3A_52 : i32
        %parallel_loop3A_54 = arith.constant 16 : i32
        %parallel_loop3A_55 = arith.addi %parallel_loop3A_53, %parallel_loop3A_54 : i32
        %parallel_loop3A_56 = arith.index_cast %parallel_loop3A_55 : i32 to index
        %parallel_loop3A_57 = tpu.vector_load %arg13[%parallel_loop3A_56] {strides = array<i32>} : memref<25600xf32, #tpu.memory_space<vmem>>, vector<16xf32>,
        tpu.vector_store %arg13[%parallel_loop3A_56], %parallel_loop3A_51 {strides = array<i32>} : memref<25600xf32, #tpu.memory_space<vmem>>, vector<16xf32>,
        %parallel_loop3A_58 = arith.constant 2 : i32
        %parallel_loop3A_59 = vector.broadcast %parallel_loop3A_58 : i32 to vector<16xi32>
        %parallel_loop3A_60 = arith.addi %parallel_loop3A_37, %parallel_loop3A_59 : vector<16xi32>
        %parallel_loop3A_61 = tpu.vector_load_idx %arg11[%parallel_loop3A_60] : memref<4096xf32, #tpu.memory_space<vmem>>[vector<16xi32>], vector<16xf32>,
        %parallel_loop3A_62 = arith.constant 128 : i32
        %parallel_loop3A_63 = arith.muli %parallel_loop3A_30, %parallel_loop3A_62 : i32
        %parallel_loop3A_64 = arith.constant 32 : i32
        %parallel_loop3A_65 = arith.addi %parallel_loop3A_63, %parallel_loop3A_64 : i32
        %parallel_loop3A_66 = arith.index_cast %parallel_loop3A_65 : i32 to index
        %parallel_loop3A_67 = tpu.vector_load %arg13[%parallel_loop3A_66] {strides = array<i32>} : memref<25600xf32, #tpu.memory_space<vmem>>, vector<16xf32>,
        tpu.vector_store %arg13[%parallel_loop3A_66], %parallel_loop3A_61 {strides = array<i32>} : memref<25600xf32, #tpu.memory_space<vmem>>, vector<16xf32>,
        %parallel_loop3A_68 = arith.constant 3 : i32
        %parallel_loop3A_69 = vector.broadcast %parallel_loop3A_68 : i32 to vector<16xi32>
        %parallel_loop3A_70 = arith.addi %parallel_loop3A_37, %parallel_loop3A_69 : vector<16xi32>
        %parallel_loop3A_71 = tpu.vector_load_idx %arg11[%parallel_loop3A_70] : memref<4096xf32, #tpu.memory_space<vmem>>[vector<16xi32>], vector<16xf32>,
        %parallel_loop3A_72 = arith.constant 128 : i32
        %parallel_loop3A_73 = arith.muli %parallel_loop3A_30, %parallel_loop3A_72 : i32
        %parallel_loop3A_74 = arith.constant 48 : i32
        %parallel_loop3A_75 = arith.addi %parallel_loop3A_73, %parallel_loop3A_74 : i32
        %parallel_loop3A_76 = arith.index_cast %parallel_loop3A_75 : i32 to index
        %parallel_loop3A_77 = tpu.vector_load %arg13[%parallel_loop3A_76] {strides = array<i32>} : memref<25600xf32, #tpu.memory_space<vmem>>, vector<16xf32>,
        tpu.vector_store %arg13[%parallel_loop3A_76], %parallel_loop3A_71 {strides = array<i32>} : memref<25600xf32, #tpu.memory_space<vmem>>, vector<16xf32>,
        %parallel_loop3A_78 = arith.constant 4 : i32
        %parallel_loop3A_79 = vector.broadcast %parallel_loop3A_78 : i32 to vector<16xi32>
        %parallel_loop3A_80 = arith.addi %parallel_loop3A_37, %parallel_loop3A_79 : vector<16xi32>
        %parallel_loop3A_81 = tpu.vector_load_idx %arg11[%parallel_loop3A_80] : memref<4096xf32, #tpu.memory_space<vmem>>[vector<16xi32>], vector<16xf32>,
        %parallel_loop3A_82 = arith.constant 128 : i32
        %parallel_loop3A_83 = arith.muli %parallel_loop3A_30, %parallel_loop3A_82 : i32
        %parallel_loop3A_84 = arith.constant 64 : i32
        %parallel_loop3A_85 = arith.addi %parallel_loop3A_83, %parallel_loop3A_84 : i32
        %parallel_loop3A_86 = arith.index_cast %parallel_loop3A_85 : i32 to index
        %parallel_loop3A_87 = tpu.vector_load %arg13[%parallel_loop3A_86] {strides = array<i32>} : memref<25600xf32, #tpu.memory_space<vmem>>, vector<16xf32>,
        tpu.vector_store %arg13[%parallel_loop3A_86], %parallel_loop3A_81 {strides = array<i32>} : memref<25600xf32, #tpu.memory_space<vmem>>, vector<16xf32>,
        %parallel_loop3A_88 = arith.constant 5 : i32
        %parallel_loop3A_89 = vector.broadcast %parallel_loop3A_88 : i32 to vector<16xi32>
        %parallel_loop3A_90 = arith.addi %parallel_loop3A_37, %parallel_loop3A_89 : vector<16xi32>
        %parallel_loop3A_91 = tpu.vector_load_idx %arg11[%parallel_loop3A_90] : memref<4096xf32, #tpu.memory_space<vmem>>[vector<16xi32>], vector<16xf32>,
        %parallel_loop3A_92 = arith.constant 128 : i32
        %parallel_loop3A_93 = arith.muli %parallel_loop3A_30, %parallel_loop3A_92 : i32
        %parallel_loop3A_94 = arith.constant 80 : i32
        %parallel_loop3A_95 = arith.addi %parallel_loop3A_93, %parallel_loop3A_94 : i32
        %parallel_loop3A_96 = arith.index_cast %parallel_loop3A_95 : i32 to index
        %parallel_loop3A_97 = tpu.vector_load %arg13[%parallel_loop3A_96] {strides = array<i32>} : memref<25600xf32, #tpu.memory_space<vmem>>, vector<16xf32>,
        tpu.vector_store %arg13[%parallel_loop3A_96], %parallel_loop3A_91 {strides = array<i32>} : memref<25600xf32, #tpu.memory_space<vmem>>, vector<16xf32>,
        %parallel_loop3A_98 = arith.constant 6 : i32
        %parallel_loop3A_99 = vector.broadcast %parallel_loop3A_98 : i32 to vector<16xi32>
        %parallel_loop3A_100 = arith.addi %parallel_loop3A_37, %parallel_loop3A_99 : vector<16xi32>
        %parallel_loop3A_101 = tpu.vector_load_idx %arg11[%parallel_loop3A_100] : memref<4096xf32, #tpu.memory_space<vmem>>[vector<16xi32>], vector<16xf32>,
        %parallel_loop3A_102 = arith.constant 128 : i32
        %parallel_loop3A_103 = arith.muli %parallel_loop3A_30, %parallel_loop3A_102 : i32
        %parallel_loop3A_104 = arith.constant 96 : i32
        %parallel_loop3A_105 = arith.addi %parallel_loop3A_103, %parallel_loop3A_104 : i32
        %parallel_loop3A_106 = arith.index_cast %parallel_loop3A_105 : i32 to index
        %parallel_loop3A_107 = tpu.vector_load %arg13[%parallel_loop3A_106] {strides = array<i32>} : memref<25600xf32, #tpu.memory_space<vmem>>, vector<16xf32>,
        tpu.vector_store %arg13[%parallel_loop3A_106], %parallel_loop3A_101 {strides = array<i32>} : memref<25600xf32, #tpu.memory_space<vmem>>, vector<16xf32>,
        %parallel_loop3A_108 = arith.constant 7 : i32
        %parallel_loop3A_109 = vector.broadcast %parallel_loop3A_108 : i32 to vector<16xi32>
        %parallel_loop3A_110 = arith.addi %parallel_loop3A_37, %parallel_loop3A_109 : vector<16xi32>
        %parallel_loop3A_111 = tpu.vector_load_idx %arg11[%parallel_loop3A_110] : memref<4096xf32, #tpu.memory_space<vmem>>[vector<16xi32>], vector<16xf32>,
        %parallel_loop3A_112 = arith.constant 128 : i32
        %parallel_loop3A_113 = arith.muli %parallel_loop3A_30, %parallel_loop3A_112 : i32
        %parallel_loop3A_114 = arith.constant 112 : i32
        %parallel_loop3A_115 = arith.addi %parallel_loop3A_113, %parallel_loop3A_114 : i32
        %parallel_loop3A_116 = arith.index_cast %parallel_loop3A_115 : i32 to index
        %parallel_loop3A_117 = tpu.vector_load %arg13[%parallel_loop3A_116] {strides = array<i32>} : memref<25600xf32, #tpu.memory_space<vmem>>, vector<16xf32>,
        tpu.vector_store %arg13[%parallel_loop3A_116], %parallel_loop3A_111 {strides = array<i32>} : memref<25600xf32, #tpu.memory_space<vmem>>, vector<16xf32>,
        %parallel_loop3A_118 = arith.constant 8 : i32
        %parallel_loop3A_119 = vector.broadcast %parallel_loop3A_118 : i32 to vector<16xi32>
        %parallel_loop3A_120 = arith.addi %parallel_loop3A_37, %parallel_loop3A_119 : vector<16xi32>
        %parallel_loop3A_121 = tpu.vector_load_idx %arg11[%parallel_loop3A_120] : memref<4096xf32, #tpu.memory_space<vmem>>[vector<16xi32>], vector<16xf32>,
        %parallel_loop3A_122 = arith.constant 128 : i32
        %parallel_loop3A_123 = arith.muli %parallel_loop3A_30, %parallel_loop3A_122 : i32
        %parallel_loop3A_124 = arith.constant 0 : i32
        %parallel_loop3A_125 = arith.addi %parallel_loop3A_123, %parallel_loop3A_124 : i32
        %parallel_loop3A_126 = arith.index_cast %parallel_loop3A_125 : i32 to index
        %parallel_loop3A_127 = tpu.vector_load %arg14[%parallel_loop3A_126] {strides = array<i32>} : memref<25600xf32, #tpu.memory_space<vmem>>, vector<16xf32>,
        tpu.vector_store %arg14[%parallel_loop3A_126], %parallel_loop3A_121 {strides = array<i32>} : memref<25600xf32, #tpu.memory_space<vmem>>, vector<16xf32>,
        %parallel_loop3A_128 = arith.constant 9 : i32
        %parallel_loop3A_129 = vector.broadcast %parallel_loop3A_128 : i32 to vector<16xi32>
        %parallel_loop3A_130 = arith.addi %parallel_loop3A_37, %parallel_loop3A_129 : vector<16xi32>
        %parallel_loop3A_131 = tpu.vector_load_idx %arg11[%parallel_loop3A_130] : memref<4096xf32, #tpu.memory_space<vmem>>[vector<16xi32>], vector<16xf32>,
        %parallel_loop3A_132 = arith.constant 128 : i32
        %parallel_loop3A_133 = arith.muli %parallel_loop3A_30, %parallel_loop3A_132 : i32
        %parallel_loop3A_134 = arith.constant 16 : i32
        %parallel_loop3A_135 = arith.addi %parallel_loop3A_133, %parallel_loop3A_134 : i32
        %parallel_loop3A_136 = arith.index_cast %parallel_loop3A_135 : i32 to index
        %parallel_loop3A_137 = tpu.vector_load %arg14[%parallel_loop3A_136] {strides = array<i32>} : memref<25600xf32, #tpu.memory_space<vmem>>, vector<16xf32>,
        tpu.vector_store %arg14[%parallel_loop3A_136], %parallel_loop3A_131 {strides = array<i32>} : memref<25600xf32, #tpu.memory_space<vmem>>, vector<16xf32>,
        %parallel_loop3A_138 = arith.constant 10 : i32
        %parallel_loop3A_139 = vector.broadcast %parallel_loop3A_138 : i32 to vector<16xi32>
        %parallel_loop3A_140 = arith.addi %parallel_loop3A_37, %parallel_loop3A_139 : vector<16xi32>
        %parallel_loop3A_141 = tpu.vector_load_idx %arg11[%parallel_loop3A_140] : memref<4096xf32, #tpu.memory_space<vmem>>[vector<16xi32>], vector<16xf32>,
        %parallel_loop3A_142 = arith.constant 128 : i32
        %parallel_loop3A_143 = arith.muli %parallel_loop3A_30, %parallel_loop3A_142 : i32
        %parallel_loop3A_144 = arith.constant 32 : i32
        %parallel_loop3A_145 = arith.addi %parallel_loop3A_143, %parallel_loop3A_144 : i32
        %parallel_loop3A_146 = arith.index_cast %parallel_loop3A_145 : i32 to index
        %parallel_loop3A_147 = tpu.vector_load %arg14[%parallel_loop3A_146] {strides = array<i32>} : memref<25600xf32, #tpu.memory_space<vmem>>, vector<16xf32>,
        tpu.vector_store %arg14[%parallel_loop3A_146], %parallel_loop3A_141 {strides = array<i32>} : memref<25600xf32, #tpu.memory_space<vmem>>, vector<16xf32>,
        %parallel_loop3A_148 = arith.constant 11 : i32
        %parallel_loop3A_149 = vector.broadcast %parallel_loop3A_148 : i32 to vector<16xi32>
        %parallel_loop3A_150 = arith.addi %parallel_loop3A_37, %parallel_loop3A_149 : vector<16xi32>
        %parallel_loop3A_151 = tpu.vector_load_idx %arg11[%parallel_loop3A_150] : memref<4096xf32, #tpu.memory_space<vmem>>[vector<16xi32>], vector<16xf32>,
        %parallel_loop3A_152 = arith.constant 128 : i32
        %parallel_loop3A_153 = arith.muli %parallel_loop3A_30, %parallel_loop3A_152 : i32
        %parallel_loop3A_154 = arith.constant 48 : i32
        %parallel_loop3A_155 = arith.addi %parallel_loop3A_153, %parallel_loop3A_154 : i32
        %parallel_loop3A_156 = arith.index_cast %parallel_loop3A_155 : i32 to index
        %parallel_loop3A_157 = tpu.vector_load %arg14[%parallel_loop3A_156] {strides = array<i32>} : memref<25600xf32, #tpu.memory_space<vmem>>, vector<16xf32>,
        tpu.vector_store %arg14[%parallel_loop3A_156], %parallel_loop3A_151 {strides = array<i32>} : memref<25600xf32, #tpu.memory_space<vmem>>, vector<16xf32>,
        %parallel_loop3A_158 = arith.constant 12 : i32
        %parallel_loop3A_159 = vector.broadcast %parallel_loop3A_158 : i32 to vector<16xi32>
        %parallel_loop3A_160 = arith.addi %parallel_loop3A_37, %parallel_loop3A_159 : vector<16xi32>
        %parallel_loop3A_161 = tpu.vector_load_idx %arg11[%parallel_loop3A_160] : memref<4096xf32, #tpu.memory_space<vmem>>[vector<16xi32>], vector<16xf32>,
        %parallel_loop3A_162 = arith.constant 128 : i32
        %parallel_loop3A_163 = arith.muli %parallel_loop3A_30, %parallel_loop3A_162 : i32
        %parallel_loop3A_164 = arith.constant 64 : i32
        %parallel_loop3A_165 = arith.addi %parallel_loop3A_163, %parallel_loop3A_164 : i32
        %parallel_loop3A_166 = arith.index_cast %parallel_loop3A_165 : i32 to index
        %parallel_loop3A_167 = tpu.vector_load %arg14[%parallel_loop3A_166] {strides = array<i32>} : memref<25600xf32, #tpu.memory_space<vmem>>, vector<16xf32>,
        tpu.vector_store %arg14[%parallel_loop3A_166], %parallel_loop3A_161 {strides = array<i32>} : memref<25600xf32, #tpu.memory_space<vmem>>, vector<16xf32>,
        %parallel_loop3A_168 = arith.constant 13 : i32
        %parallel_loop3A_169 = vector.broadcast %parallel_loop3A_168 : i32 to vector<16xi32>
        %parallel_loop3A_170 = arith.addi %parallel_loop3A_37, %parallel_loop3A_169 : vector<16xi32>
        %parallel_loop3A_171 = tpu.vector_load_idx %arg11[%parallel_loop3A_170] : memref<4096xf32, #tpu.memory_space<vmem>>[vector<16xi32>], vector<16xf32>,
        %parallel_loop3A_172 = arith.constant 128 : i32
        %parallel_loop3A_173 = arith.muli %parallel_loop3A_30, %parallel_loop3A_172 : i32
        %parallel_loop3A_174 = arith.constant 80 : i32
        %parallel_loop3A_175 = arith.addi %parallel_loop3A_173, %parallel_loop3A_174 : i32
        %parallel_loop3A_176 = arith.index_cast %parallel_loop3A_175 : i32 to index
        %parallel_loop3A_177 = tpu.vector_load %arg14[%parallel_loop3A_176] {strides = array<i32>} : memref<25600xf32, #tpu.memory_space<vmem>>, vector<16xf32>,
        tpu.vector_store %arg14[%parallel_loop3A_176], %parallel_loop3A_171 {strides = array<i32>} : memref<25600xf32, #tpu.memory_space<vmem>>, vector<16xf32>,
        %parallel_loop3A_178 = arith.constant 14 : i32
        %parallel_loop3A_179 = vector.broadcast %parallel_loop3A_178 : i32 to vector<16xi32>
        %parallel_loop3A_180 = arith.addi %parallel_loop3A_37, %parallel_loop3A_179 : vector<16xi32>
        %parallel_loop3A_181 = tpu.vector_load_idx %arg11[%parallel_loop3A_180] : memref<4096xf32, #tpu.memory_space<vmem>>[vector<16xi32>], vector<16xf32>,
        %parallel_loop3A_182 = arith.constant 128 : i32
        %parallel_loop3A_183 = arith.muli %parallel_loop3A_30, %parallel_loop3A_182 : i32
        %parallel_loop3A_184 = arith.constant 96 : i32
        %parallel_loop3A_185 = arith.addi %parallel_loop3A_183, %parallel_loop3A_184 : i32
        %parallel_loop3A_186 = arith.index_cast %parallel_loop3A_185 : i32 to index
        %parallel_loop3A_187 = tpu.vector_load %arg14[%parallel_loop3A_186] {strides = array<i32>} : memref<25600xf32, #tpu.memory_space<vmem>>, vector<16xf32>,
        tpu.vector_store %arg14[%parallel_loop3A_186], %parallel_loop3A_181 {strides = array<i32>} : memref<25600xf32, #tpu.memory_space<vmem>>, vector<16xf32>,
        %parallel_loop3A_188 = arith.constant 15 : i32
        %parallel_loop3A_189 = vector.broadcast %parallel_loop3A_188 : i32 to vector<16xi32>
        %parallel_loop3A_190 = arith.addi %parallel_loop3A_37, %parallel_loop3A_189 : vector<16xi32>
        %parallel_loop3A_191 = tpu.vector_load_idx %arg11[%parallel_loop3A_190] : memref<4096xf32, #tpu.memory_space<vmem>>[vector<16xi32>], vector<16xf32>,
        %parallel_loop3A_192 = arith.constant 128 : i32
        %parallel_loop3A_193 = arith.muli %parallel_loop3A_30, %parallel_loop3A_192 : i32
        %parallel_loop3A_194 = arith.constant 112 : i32
        %parallel_loop3A_195 = arith.addi %parallel_loop3A_193, %parallel_loop3A_194 : i32
        %parallel_loop3A_196 = arith.index_cast %parallel_loop3A_195 : i32 to index
        %parallel_loop3A_197 = tpu.vector_load %arg14[%parallel_loop3A_196] {strides = array<i32>} : memref<25600xf32, #tpu.memory_space<vmem>>, vector<16xf32>,
        tpu.vector_store %arg14[%parallel_loop3A_196], %parallel_loop3A_191 {strides = array<i32>} : memref<25600xf32, #tpu.memory_space<vmem>>, vector<16xf32>,
      } {sc.loop_unroll_factor = 2 : i64, sc.parallel_access}
      %mul3A_23 = arith.constant 200 : i32
      %mul3A_24 = arith.muli %scan3A_20, %mul3A_23 : i32
      %add3A_25 = arith.addi %mul3A_2, %mul3A_24 : i32
      %mul3A_26 = arith.constant 128 : i32
      %mul3A_27 = arith.muli %add3A_25, %mul3A_26 : i32
      "tpu.region"() ({
        %run_scoped3A = tpu.sem_alloc : memref<!tpu.dma_semaphore, #tpu.memory_space<semaphore_mem>>
        %dma_start3A_30 = tpu.memref_slice %arg7[%mul3A_27] : memref<6553600xf32, #tpu.memory_space<hbm>> -> memref<25600xf32, #tpu.memory_space<hbm>>
        %dma_start3A_31 = tpu.memref_slice %arg7[%mul3A_27] : memref<6553600xf32, #tpu.memory_space<hbm>> -> memref<25600xf32, #tpu.memory_space<hbm>>
        tpu.enqueue_dma source(%arg13 : memref<25600xf32, #tpu.memory_space<vmem>>) target(%dma_start3A_31 : memref<25600xf32, #tpu.memory_space<hbm>>) target_semaphore(%run_scoped3A : memref<!tpu.dma_semaphore, #tpu.memory_space<semaphore_mem>>)
        %dma_wait3A = tpu.memref_slice %arg7[%mul3A_27] : memref<6553600xf32, #tpu.memory_space<hbm>> -> memref<25600xf32, #tpu.memory_space<hbm>>
        %dma_wait3A_32 = tpu.memref_slice %arg7[%mul3A_27] : memref<6553600xf32, #tpu.memory_space<hbm>> -> memref<25600xf32, #tpu.memory_space<hbm>>
        tpu.wait_dma2 semaphore(%run_scoped3A : memref<!tpu.dma_semaphore, #tpu.memory_space<semaphore_mem>>) src(%arg13 : memref<25600xf32, #tpu.memory_space<vmem>>) dst(%dma_wait3A_32 : memref<25600xf32, #tpu.memory_space<hbm>>)
        tpu.yield
      }) : () -> ()
      %add3A_28 = arith.constant 3276800 : i32
      %add3A_29 = arith.addi %add3A_28, %mul3A_27 : i32
      "tpu.region"() ({
        %run_scoped3A = tpu.sem_alloc : memref<!tpu.dma_semaphore, #tpu.memory_space<semaphore_mem>>
        %dma_start3A_30 = tpu.memref_slice %arg7[%add3A_29] : memref<6553600xf32, #tpu.memory_space<hbm>> -> memref<25600xf32, #tpu.memory_space<hbm>>
        %dma_start3A_31 = tpu.memref_slice %arg7[%add3A_29] : memref<6553600xf32, #tpu.memory_space<hbm>> -> memref<25600xf32, #tpu.memory_space<hbm>>
        tpu.enqueue_dma source(%arg14 : memref<25600xf32, #tpu.memory_space<vmem>>) target(%dma_start3A_31 : memref<25600xf32, #tpu.memory_space<hbm>>) target_semaphore(%run_scoped3A : memref<!tpu.dma_semaphore, #tpu.memory_space<semaphore_mem>>)
        %dma_wait3A = tpu.memref_slice %arg7[%add3A_29] : memref<6553600xf32, #tpu.memory_space<hbm>> -> memref<25600xf32, #tpu.memory_space<hbm>>
        %dma_wait3A_32 = tpu.memref_slice %arg7[%add3A_29] : memref<6553600xf32, #tpu.memory_space<hbm>> -> memref<25600xf32, #tpu.memory_space<hbm>>
        tpu.wait_dma2 semaphore(%run_scoped3A : memref<!tpu.dma_semaphore, #tpu.memory_space<semaphore_mem>>) src(%arg14 : memref<25600xf32, #tpu.memory_space<vmem>>) dst(%dma_wait3A_32 : memref<25600xf32, #tpu.memory_space<hbm>>)
        tpu.yield
      }) : () -> ()
    }
    %scan3A_19 = arith.constant 4 : i32
    return
  }
}

#map = affine_map<(d0, d1) -> (0)>
#map1 = affine_map<(d0, d1) -> (0, 0)>
module attributes {stable_mosaic.version = 14 : i64} {
  func.func @k(%arg0: i32, %arg1: i32, %arg2: memref<25600xi32, #tpu.memory_space<hbm>>, %arg3: memref<409600xi32, #tpu.memory_space<hbm>>, %arg4: memref<1000000x128xf32, #tpu.memory_space<hbm>>, %arg5: memref<4096xf32, #tpu.memory_space<hbm>>, %arg6: memref<25600x128xf32, #tpu.memory_space<hbm>>, %arg7: memref<6553600xf32, #tpu.memory_space<hbm>>, %arg8: memref<800xi32, #tpu.memory_space<vmem>>, %arg9: memref<80x128xf32, #tpu.memory_space<vmem>>, %arg10: memref<80x128xf32, #tpu.memory_space<vmem>>, %arg11: memref<4096xf32, #tpu.memory_space<vmem>>, %arg12: memref<12800xi32, #tpu.memory_space<vmem>>, %arg13: memref<25600xf32, #tpu.memory_space<vmem>>, %arg14: memref<25600xf32, #tpu.memory_space<vmem>>, %arg15: memref<!tpu.dma_semaphore, #tpu.memory_space<semaphore_mem>>, %arg16: memref<!tpu.dma_semaphore, #tpu.memory_space<semaphore_mem>>) attributes {dimension_semantics = [#tpu.dimension_semantics<core_parallel>, #tpu.dimension_semantics<subcore_parallel>], iteration_bounds = array<i64: 2, 16>, scalar_prefetch = 0 : i64, scratch_operands = 9 : i64, tpu.core_type = #tpu.core_type<sc_vector_subcore>, window_params = [{transform_indices = #map}, {transform_indices = #map}, {transform_indices = #map1}, {transform_indices = #map}, {transform_indices = #map1}, {transform_indices = #map}]} {
    %mul3A = arith.constant 2 : i32
    %mul3A_0 = arith.muli %arg1, %mul3A : i32
    %add3A = arith.addi %mul3A_0, %arg0 : i32
    %mul3A_1 = arith.constant 800 : i32
    %mul3A_2 = arith.muli %add3A, %mul3A_1 : i32
    "tpu.region"() ({
      %run_scoped3A = tpu.sem_alloc : memref<!tpu.dma_semaphore, #tpu.memory_space<semaphore_mem>>
      tpu.enqueue_dma source(%arg5 : memref<4096xf32, #tpu.memory_space<hbm>>) target(%arg11 : memref<4096xf32, #tpu.memory_space<vmem>>) target_semaphore(%run_scoped3A : memref<!tpu.dma_semaphore, #tpu.memory_space<semaphore_mem>>)
      tpu.wait_dma2 semaphore(%run_scoped3A : memref<!tpu.dma_semaphore, #tpu.memory_space<semaphore_mem>>) src(%arg5 : memref<4096xf32, #tpu.memory_space<hbm>>) dst(%arg11 : memref<4096xf32, #tpu.memory_space<vmem>>)
      tpu.yield
    }) : () -> ()
    "tpu.region"() ({
      %run_scoped3A = tpu.sem_alloc : memref<!tpu.dma_semaphore, #tpu.memory_space<semaphore_mem>>
      %dma_start3A_20 = tpu.memref_slice %arg2[%mul3A_2] : memref<25600xi32, #tpu.memory_space<hbm>> -> memref<800xi32, #tpu.memory_space<hbm>>
      %dma_start3A_21 = tpu.memref_slice %arg2[%mul3A_2] : memref<25600xi32, #tpu.memory_space<hbm>> -> memref<800xi32, #tpu.memory_space<hbm>>
      tpu.enqueue_dma source(%dma_start3A_21 : memref<800xi32, #tpu.memory_space<hbm>>) target(%arg8 : memref<800xi32, #tpu.memory_space<vmem>>) target_semaphore(%run_scoped3A : memref<!tpu.dma_semaphore, #tpu.memory_space<semaphore_mem>>)
      %dma_wait3A = tpu.memref_slice %arg2[%mul3A_2] : memref<25600xi32, #tpu.memory_space<hbm>> -> memref<800xi32, #tpu.memory_space<hbm>>
      %dma_wait3A_22 = tpu.memref_slice %arg2[%mul3A_2] : memref<25600xi32, #tpu.memory_space<hbm>> -> memref<800xi32, #tpu.memory_space<hbm>>
      tpu.wait_dma2 semaphore(%run_scoped3A : memref<!tpu.dma_semaphore, #tpu.memory_space<semaphore_mem>>) src(%dma_wait3A_22 : memref<800xi32, #tpu.memory_space<hbm>>) dst(%arg8 : memref<800xi32, #tpu.memory_space<vmem>>)
      tpu.yield
    }) : () -> ()
    %mul3A_3 = arith.constant 16 : i32
    %mul3A_4 = arith.muli %mul3A_2, %mul3A_3 : i32
    "tpu.region"() ({
      %run_scoped3A = tpu.sem_alloc : memref<!tpu.dma_semaphore, #tpu.memory_space<semaphore_mem>>
      %dma_start3A_20 = tpu.memref_slice %arg3[%mul3A_4] : memref<409600xi32, #tpu.memory_space<hbm>> -> memref<12800xi32, #tpu.memory_space<hbm>>
      %dma_start3A_21 = tpu.memref_slice %arg3[%mul3A_4] : memref<409600xi32, #tpu.memory_space<hbm>> -> memref<12800xi32, #tpu.memory_space<hbm>>
      tpu.enqueue_dma source(%dma_start3A_21 : memref<12800xi32, #tpu.memory_space<hbm>>) target(%arg12 : memref<12800xi32, #tpu.memory_space<vmem>>) target_semaphore(%run_scoped3A : memref<!tpu.dma_semaphore, #tpu.memory_space<semaphore_mem>>)
      %dma_wait3A = tpu.memref_slice %arg3[%mul3A_4] : memref<409600xi32, #tpu.memory_space<hbm>> -> memref<12800xi32, #tpu.memory_space<hbm>>
      %dma_wait3A_22 = tpu.memref_slice %arg3[%mul3A_4] : memref<409600xi32, #tpu.memory_space<hbm>> -> memref<12800xi32, #tpu.memory_space<hbm>>
      tpu.wait_dma2 semaphore(%run_scoped3A : memref<!tpu.dma_semaphore, #tpu.memory_space<semaphore_mem>>) src(%dma_wait3A_22 : memref<12800xi32, #tpu.memory_space<hbm>>) dst(%arg12 : memref<12800xi32, #tpu.memory_space<vmem>>)
      tpu.yield
    }) : () -> ()
    %dma_start3A = arith.constant 0 : i32
    %dma_start3A_5 = tpu.memref_slice %arg8[%dma_start3A] : memref<800xi32, #tpu.memory_space<vmem>> -> memref<80xi32, #tpu.memory_space<vmem>>
    %dma_start3A_6 = arith.constant 0 : i32
    %dma_start3A_7 = arith.constant 0 : i32
    %dma_start3A_8 = tpu.memref_slice %arg4[%dma_start3A_6, %dma_start3A_7] : memref<1000000x128xf32, #tpu.memory_space<hbm>> -> memref<1000000x128xf32, #tpu.memory_space<hbm>>
    tpu.enqueue_indirect_dma source(%dma_start3A_8 : memref<1000000x128xf32, #tpu.memory_space<hbm>>) target(%arg9 : memref<80x128xf32, #tpu.memory_space<vmem>>) offsets(%dma_start3A_5 : memref<80xi32, #tpu.memory_space<vmem>>) semaphore(%arg15 : memref<!tpu.dma_semaphore, #tpu.memory_space<semaphore_mem>>)
    %scan3A = arith.constant 0 : i32
    %scan3A_9 = arith.constant 0 : i32
    %scan3A_10 = arith.constant 5 : i32
    %scan3A_11 = arith.addi %scan3A_9, %scan3A_10 : i32
    %scan3A_12 = arith.constant 1 : i32
    scf.for %scan3A_20 = %scan3A_9 to %scan3A_11 step %scan3A_12  : i32 {
      %mul3A_21 = arith.constant 2 : i32
      %mul3A_22 = arith.muli %scan3A_20, %mul3A_21 : i32
      %add3A_23 = arith.constant 1 : i32
      %add3A_24 = arith.addi %mul3A_22, %add3A_23 : i32
      %mul3A_25 = arith.constant 80 : i32
      %mul3A_26 = arith.muli %add3A_24, %mul3A_25 : i32
      %dma_start3A_27 = tpu.memref_slice %arg8[%mul3A_26] : memref<800xi32, #tpu.memory_space<vmem>> -> memref<80xi32, #tpu.memory_space<vmem>>
      %dma_start3A_28 = arith.constant 0 : i32
      %dma_start3A_29 = arith.constant 0 : i32
      %dma_start3A_30 = tpu.memref_slice %arg4[%dma_start3A_28, %dma_start3A_29] : memref<1000000x128xf32, #tpu.memory_space<hbm>> -> memref<1000000x128xf32, #tpu.memory_space<hbm>>
      tpu.enqueue_indirect_dma source(%dma_start3A_30 : memref<1000000x128xf32, #tpu.memory_space<hbm>>) target(%arg10 : memref<80x128xf32, #tpu.memory_space<vmem>>) offsets(%dma_start3A_27 : memref<80xi32, #tpu.memory_space<vmem>>) semaphore(%arg16 : memref<!tpu.dma_semaphore, #tpu.memory_space<semaphore_mem>>)
      %dma_wait3A = arith.constant 0 : i32
      %dma_wait3A_31 = arith.constant 0 : i32
      %dma_wait3A_32 = tpu.memref_slice %arg4[%dma_wait3A, %dma_wait3A_31] : memref<1000000x128xf32, #tpu.memory_space<hbm>> -> memref<80x128xf32, #tpu.memory_space<hbm>>
      %dma_wait3A_33 = arith.constant 0 : i32
      %dma_wait3A_34 = arith.constant 0 : i32
      %dma_wait3A_35 = tpu.memref_slice %arg4[%dma_wait3A_33, %dma_wait3A_34] : memref<1000000x128xf32, #tpu.memory_space<hbm>> -> memref<80x128xf32, #tpu.memory_space<hbm>>
      tpu.wait_dma2 semaphore(%arg15 : memref<!tpu.dma_semaphore, #tpu.memory_space<semaphore_mem>>) src(%dma_wait3A_35 : memref<80x128xf32, #tpu.memory_space<hbm>>) dst(%arg9 : memref<80x128xf32, #tpu.memory_space<vmem>>)
      %mul3A_36 = arith.constant 80 : i32
      %mul3A_37 = arith.muli %mul3A_22, %mul3A_36 : i32
      %add3A_38 = arith.addi %mul3A_2, %mul3A_37 : i32
      "tpu.region"() ({
        %run_scoped3A = tpu.sem_alloc : memref<!tpu.dma_semaphore, #tpu.memory_space<semaphore_mem>>
        %dma_start3A_52 = arith.constant 0 : i32
        %dma_start3A_53 = tpu.memref_slice %arg6[%add3A_38, %dma_start3A_52] : memref<25600x128xf32, #tpu.memory_space<hbm>> -> memref<80x128xf32, #tpu.memory_space<hbm>>
        %dma_start3A_54 = arith.constant 0 : i32
        %dma_start3A_55 = tpu.memref_slice %arg6[%add3A_38, %dma_start3A_54] : memref<25600x128xf32, #tpu.memory_space<hbm>> -> memref<80x128xf32, #tpu.memory_space<hbm>>
        tpu.enqueue_dma source(%arg9 : memref<80x128xf32, #tpu.memory_space<vmem>>) target(%dma_start3A_55 : memref<80x128xf32, #tpu.memory_space<hbm>>) target_semaphore(%run_scoped3A : memref<!tpu.dma_semaphore, #tpu.memory_space<semaphore_mem>>)
        %dma_wait3A_56 = arith.constant 0 : i32
        %dma_wait3A_57 = tpu.memref_slice %arg6[%add3A_38, %dma_wait3A_56] : memref<25600x128xf32, #tpu.memory_space<hbm>> -> memref<80x128xf32, #tpu.memory_space<hbm>>
        %dma_wait3A_58 = arith.constant 0 : i32
        %dma_wait3A_59 = tpu.memref_slice %arg6[%add3A_38, %dma_wait3A_58] : memref<25600x128xf32, #tpu.memory_space<hbm>> -> memref<80x128xf32, #tpu.memory_space<hbm>>
        tpu.wait_dma2 semaphore(%run_scoped3A : memref<!tpu.dma_semaphore, #tpu.memory_space<semaphore_mem>>) src(%arg9 : memref<80x128xf32, #tpu.memory_space<vmem>>) dst(%dma_wait3A_59 : memref<80x128xf32, #tpu.memory_space<hbm>>)
        tpu.yield
      }) : () -> ()
      %lt3A = arith.constant 4 : i32
      %lt3A_39 = arith.cmpi slt, %scan3A_20, %lt3A : i32
      %convert_element_type3A = arith.extui %lt3A_39 : i1 to i32
      %cond3A = arith.constant 0 : i32
      %cond3A_40 = arith.cmpi ne, %convert_element_type3A, %cond3A : i32
      scf.if %cond3A_40 {
        %add3A_52 = arith.constant 2 : i32
        %add3A_53 = arith.addi %mul3A_22, %add3A_52 : i32
        %mul3A_54 = arith.constant 80 : i32
        %mul3A_55 = arith.muli %add3A_53, %mul3A_54 : i32
        %dma_start3A_56 = tpu.memref_slice %arg8[%mul3A_55] : memref<800xi32, #tpu.memory_space<vmem>> -> memref<80xi32, #tpu.memory_space<vmem>>
        %dma_start3A_57 = arith.constant 0 : i32
        %dma_start3A_58 = arith.constant 0 : i32
        %dma_start3A_59 = tpu.memref_slice %arg4[%dma_start3A_57, %dma_start3A_58] : memref<1000000x128xf32, #tpu.memory_space<hbm>> -> memref<1000000x128xf32, #tpu.memory_space<hbm>>
        tpu.enqueue_indirect_dma source(%dma_start3A_59 : memref<1000000x128xf32, #tpu.memory_space<hbm>>) target(%arg9 : memref<80x128xf32, #tpu.memory_space<vmem>>) offsets(%dma_start3A_56 : memref<80xi32, #tpu.memory_space<vmem>>) semaphore(%arg15 : memref<!tpu.dma_semaphore, #tpu.memory_space<semaphore_mem>>)
      } else {
      }
      %dma_wait3A_41 = arith.constant 0 : i32
      %dma_wait3A_42 = arith.constant 0 : i32
      %dma_wait3A_43 = tpu.memref_slice %arg4[%dma_wait3A_41, %dma_wait3A_42] : memref<1000000x128xf32, #tpu.memory_space<hbm>> -> memref<80x128xf32, #tpu.memory_space<hbm>>
      %dma_wait3A_44 = arith.constant 0 : i32
      %dma_wait3A_45 = arith.constant 0 : i32
      %dma_wait3A_46 = tpu.memref_slice %arg4[%dma_wait3A_44, %dma_wait3A_45] : memref<1000000x128xf32, #tpu.memory_space<hbm>> -> memref<80x128xf32, #tpu.memory_space<hbm>>
      tpu.wait_dma2 semaphore(%arg16 : memref<!tpu.dma_semaphore, #tpu.memory_space<semaphore_mem>>) src(%dma_wait3A_46 : memref<80x128xf32, #tpu.memory_space<hbm>>) dst(%arg10 : memref<80x128xf32, #tpu.memory_space<vmem>>)
      %add3A_47 = arith.constant 1 : i32
      %add3A_48 = arith.addi %mul3A_22, %add3A_47 : i32
      %mul3A_49 = arith.constant 80 : i32
      %mul3A_50 = arith.muli %add3A_48, %mul3A_49 : i32
      %add3A_51 = arith.addi %mul3A_2, %mul3A_50 : i32
      "tpu.region"() ({
        %run_scoped3A = tpu.sem_alloc : memref<!tpu.dma_semaphore, #tpu.memory_space<semaphore_mem>>
        %dma_start3A_52 = arith.constant 0 : i32
        %dma_start3A_53 = tpu.memref_slice %arg6[%add3A_51, %dma_start3A_52] : memref<25600x128xf32, #tpu.memory_space<hbm>> -> memref<80x128xf32, #tpu.memory_space<hbm>>
        %dma_start3A_54 = arith.constant 0 : i32
        %dma_start3A_55 = tpu.memref_slice %arg6[%add3A_51, %dma_start3A_54] : memref<25600x128xf32, #tpu.memory_space<hbm>> -> memref<80x128xf32, #tpu.memory_space<hbm>>
        tpu.enqueue_dma source(%arg10 : memref<80x128xf32, #tpu.memory_space<vmem>>) target(%dma_start3A_55 : memref<80x128xf32, #tpu.memory_space<hbm>>) target_semaphore(%run_scoped3A : memref<!tpu.dma_semaphore, #tpu.memory_space<semaphore_mem>>)
        %dma_wait3A_56 = arith.constant 0 : i32
        %dma_wait3A_57 = tpu.memref_slice %arg6[%add3A_51, %dma_wait3A_56] : memref<25600x128xf32, #tpu.memory_space<hbm>> -> memref<80x128xf32, #tpu.memory_space<hbm>>
        %dma_wait3A_58 = arith.constant 0 : i32
        %dma_wait3A_59 = tpu.memref_slice %arg6[%add3A_51, %dma_wait3A_58] : memref<25600x128xf32, #tpu.memory_space<hbm>> -> memref<80x128xf32, #tpu.memory_space<hbm>>
        tpu.wait_dma2 semaphore(%run_scoped3A : memref<!tpu.dma_semaphore, #tpu.memory_space<semaphore_mem>>) src(%arg10 : memref<80x128xf32, #tpu.memory_space<vmem>>) dst(%dma_wait3A_59 : memref<80x128xf32, #tpu.memory_space<hbm>>)
        tpu.yield
      }) : () -> ()
    }
    %scan3A_13 = arith.constant 5 : i32
    %scan3A_14 = arith.constant 0 : i32
    %scan3A_15 = arith.constant 0 : i32
    %scan3A_16 = arith.constant 4 : i32
    %scan3A_17 = arith.addi %scan3A_15, %scan3A_16 : i32
    %scan3A_18 = arith.constant 1 : i32
    scf.for %scan3A_20 = %scan3A_15 to %scan3A_17 step %scan3A_18  : i32 {
      %parallel_loop3A = arith.constant 0 : i32
      %parallel_loop3A_21 = arith.constant 200 : i32
      %parallel_loop3A_22 = arith.constant 1 : i32
      scf.for %parallel_loop3A_30 = %parallel_loop3A to %parallel_loop3A_21 step %parallel_loop3A_22  : i32 {
        %parallel_loop3A_31 = arith.constant 200 : i32
        %parallel_loop3A_32 = arith.muli %scan3A_20, %parallel_loop3A_31 : i32
        %parallel_loop3A_33 = arith.addi %parallel_loop3A_32, %parallel_loop3A_30 : i32
        %parallel_loop3A_34 = arith.constant 16 : i32
        %parallel_loop3A_35 = arith.muli %parallel_loop3A_33, %parallel_loop3A_34 : i32
        %parallel_loop3A_36 = arith.index_cast %parallel_loop3A_35 : i32 to index
        %parallel_loop3A_37 = tpu.vector_load %arg12[%parallel_loop3A_36] {strides = array<i32>} : memref<12800xi32, #tpu.memory_space<vmem>>, vector<16xi32>,
        %parallel_loop3A_38 = arith.constant 0 : i32
        %parallel_loop3A_39 = vector.broadcast %parallel_loop3A_38 : i32 to vector<16xi32>
        %parallel_loop3A_40 = arith.addi %parallel_loop3A_37, %parallel_loop3A_39 : vector<16xi32>
        %parallel_loop3A_41 = tpu.vector_load_idx %arg11[%parallel_loop3A_40] : memref<4096xf32, #tpu.memory_space<vmem>>[vector<16xi32>], vector<16xf32>,
        %parallel_loop3A_42 = arith.constant 128 : i32
        %parallel_loop3A_43 = arith.muli %parallel_loop3A_30, %parallel_loop3A_42 : i32
        %parallel_loop3A_44 = arith.constant 0 : i32
        %parallel_loop3A_45 = arith.addi %parallel_loop3A_43, %parallel_loop3A_44 : i32
        %parallel_loop3A_46 = arith.index_cast %parallel_loop3A_45 : i32 to index
        %parallel_loop3A_47 = tpu.vector_load %arg13[%parallel_loop3A_46] {strides = array<i32>} : memref<25600xf32, #tpu.memory_space<vmem>>, vector<16xf32>,
        tpu.vector_store %arg13[%parallel_loop3A_46], %parallel_loop3A_41 {strides = array<i32>} : memref<25600xf32, #tpu.memory_space<vmem>>, vector<16xf32>,
        %parallel_loop3A_48 = arith.constant 1 : i32
        %parallel_loop3A_49 = vector.broadcast %parallel_loop3A_48 : i32 to vector<16xi32>
        %parallel_loop3A_50 = arith.addi %parallel_loop3A_37, %parallel_loop3A_49 : vector<16xi32>
        %parallel_loop3A_51 = tpu.vector_load_idx %arg11[%parallel_loop3A_50] : memref<4096xf32, #tpu.memory_space<vmem>>[vector<16xi32>], vector<16xf32>,
        %parallel_loop3A_52 = arith.constant 128 : i32
        %parallel_loop3A_53 = arith.muli %parallel_loop3A_30, %parallel_loop3A_52 : i32
        %parallel_loop3A_54 = arith.constant 16 : i32
        %parallel_loop3A_55 = arith.addi %parallel_loop3A_53, %parallel_loop3A_54 : i32
        %parallel_loop3A_56 = arith.index_cast %parallel_loop3A_55 : i32 to index
        %parallel_loop3A_57 = tpu.vector_load %arg13[%parallel_loop3A_56] {strides = array<i32>} : memref<25600xf32, #tpu.memory_space<vmem>>, vector<16xf32>,
        tpu.vector_store %arg13[%parallel_loop3A_56], %parallel_loop3A_51 {strides = array<i32>} : memref<25600xf32, #tpu.memory_space<vmem>>, vector<16xf32>,
        %parallel_loop3A_58 = arith.constant 2 : i32
        %parallel_loop3A_59 = vector.broadcast %parallel_loop3A_58 : i32 to vector<16xi32>
        %parallel_loop3A_60 = arith.addi %parallel_loop3A_37, %parallel_loop3A_59 : vector<16xi32>
        %parallel_loop3A_61 = tpu.vector_load_idx %arg11[%parallel_loop3A_60] : memref<4096xf32, #tpu.memory_space<vmem>>[vector<16xi32>], vector<16xf32>,
        %parallel_loop3A_62 = arith.constant 128 : i32
        %parallel_loop3A_63 = arith.muli %parallel_loop3A_30, %parallel_loop3A_62 : i32
        %parallel_loop3A_64 = arith.constant 32 : i32
        %parallel_loop3A_65 = arith.addi %parallel_loop3A_63, %parallel_loop3A_64 : i32
        %parallel_loop3A_66 = arith.index_cast %parallel_loop3A_65 : i32 to index
        %parallel_loop3A_67 = tpu.vector_load %arg13[%parallel_loop3A_66] {strides = array<i32>} : memref<25600xf32, #tpu.memory_space<vmem>>, vector<16xf32>,
        tpu.vector_store %arg13[%parallel_loop3A_66], %parallel_loop3A_61 {strides = array<i32>} : memref<25600xf32, #tpu.memory_space<vmem>>, vector<16xf32>,
        %parallel_loop3A_68 = arith.constant 3 : i32
        %parallel_loop3A_69 = vector.broadcast %parallel_loop3A_68 : i32 to vector<16xi32>
        %parallel_loop3A_70 = arith.addi %parallel_loop3A_37, %parallel_loop3A_69 : vector<16xi32>
        %parallel_loop3A_71 = tpu.vector_load_idx %arg11[%parallel_loop3A_70] : memref<4096xf32, #tpu.memory_space<vmem>>[vector<16xi32>], vector<16xf32>,
        %parallel_loop3A_72 = arith.constant 128 : i32
        %parallel_loop3A_73 = arith.muli %parallel_loop3A_30, %parallel_loop3A_72 : i32
        %parallel_loop3A_74 = arith.constant 48 : i32
        %parallel_loop3A_75 = arith.addi %parallel_loop3A_73, %parallel_loop3A_74 : i32
        %parallel_loop3A_76 = arith.index_cast %parallel_loop3A_75 : i32 to index
        %parallel_loop3A_77 = tpu.vector_load %arg13[%parallel_loop3A_76] {strides = array<i32>} : memref<25600xf32, #tpu.memory_space<vmem>>, vector<16xf32>,
        tpu.vector_store %arg13[%parallel_loop3A_76], %parallel_loop3A_71 {strides = array<i32>} : memref<25600xf32, #tpu.memory_space<vmem>>, vector<16xf32>,
        %parallel_loop3A_78 = arith.constant 4 : i32
        %parallel_loop3A_79 = vector.broadcast %parallel_loop3A_78 : i32 to vector<16xi32>
        %parallel_loop3A_80 = arith.addi %parallel_loop3A_37, %parallel_loop3A_79 : vector<16xi32>
        %parallel_loop3A_81 = tpu.vector_load_idx %arg11[%parallel_loop3A_80] : memref<4096xf32, #tpu.memory_space<vmem>>[vector<16xi32>], vector<16xf32>,
        %parallel_loop3A_82 = arith.constant 128 : i32
        %parallel_loop3A_83 = arith.muli %parallel_loop3A_30, %parallel_loop3A_82 : i32
        %parallel_loop3A_84 = arith.constant 64 : i32
        %parallel_loop3A_85 = arith.addi %parallel_loop3A_83, %parallel_loop3A_84 : i32
        %parallel_loop3A_86 = arith.index_cast %parallel_loop3A_85 : i32 to index
        %parallel_loop3A_87 = tpu.vector_load %arg13[%parallel_loop3A_86] {strides = array<i32>} : memref<25600xf32, #tpu.memory_space<vmem>>, vector<16xf32>,
        tpu.vector_store %arg13[%parallel_loop3A_86], %parallel_loop3A_81 {strides = array<i32>} : memref<25600xf32, #tpu.memory_space<vmem>>, vector<16xf32>,
        %parallel_loop3A_88 = arith.constant 5 : i32
        %parallel_loop3A_89 = vector.broadcast %parallel_loop3A_88 : i32 to vector<16xi32>
        %parallel_loop3A_90 = arith.addi %parallel_loop3A_37, %parallel_loop3A_89 : vector<16xi32>
        %parallel_loop3A_91 = tpu.vector_load_idx %arg11[%parallel_loop3A_90] : memref<4096xf32, #tpu.memory_space<vmem>>[vector<16xi32>], vector<16xf32>,
        %parallel_loop3A_92 = arith.constant 128 : i32
        %parallel_loop3A_93 = arith.muli %parallel_loop3A_30, %parallel_loop3A_92 : i32
        %parallel_loop3A_94 = arith.constant 80 : i32
        %parallel_loop3A_95 = arith.addi %parallel_loop3A_93, %parallel_loop3A_94 : i32
        %parallel_loop3A_96 = arith.index_cast %parallel_loop3A_95 : i32 to index
        %parallel_loop3A_97 = tpu.vector_load %arg13[%parallel_loop3A_96] {strides = array<i32>} : memref<25600xf32, #tpu.memory_space<vmem>>, vector<16xf32>,
        tpu.vector_store %arg13[%parallel_loop3A_96], %parallel_loop3A_91 {strides = array<i32>} : memref<25600xf32, #tpu.memory_space<vmem>>, vector<16xf32>,
        %parallel_loop3A_98 = arith.constant 6 : i32
        %parallel_loop3A_99 = vector.broadcast %parallel_loop3A_98 : i32 to vector<16xi32>
        %parallel_loop3A_100 = arith.addi %parallel_loop3A_37, %parallel_loop3A_99 : vector<16xi32>
        %parallel_loop3A_101 = tpu.vector_load_idx %arg11[%parallel_loop3A_100] : memref<4096xf32, #tpu.memory_space<vmem>>[vector<16xi32>], vector<16xf32>,
        %parallel_loop3A_102 = arith.constant 128 : i32
        %parallel_loop3A_103 = arith.muli %parallel_loop3A_30, %parallel_loop3A_102 : i32
        %parallel_loop3A_104 = arith.constant 96 : i32
        %parallel_loop3A_105 = arith.addi %parallel_loop3A_103, %parallel_loop3A_104 : i32
        %parallel_loop3A_106 = arith.index_cast %parallel_loop3A_105 : i32 to index
        %parallel_loop3A_107 = tpu.vector_load %arg13[%parallel_loop3A_106] {strides = array<i32>} : memref<25600xf32, #tpu.memory_space<vmem>>, vector<16xf32>,
        tpu.vector_store %arg13[%parallel_loop3A_106], %parallel_loop3A_101 {strides = array<i32>} : memref<25600xf32, #tpu.memory_space<vmem>>, vector<16xf32>,
        %parallel_loop3A_108 = arith.constant 7 : i32
        %parallel_loop3A_109 = vector.broadcast %parallel_loop3A_108 : i32 to vector<16xi32>
        %parallel_loop3A_110 = arith.addi %parallel_loop3A_37, %parallel_loop3A_109 : vector<16xi32>
        %parallel_loop3A_111 = tpu.vector_load_idx %arg11[%parallel_loop3A_110] : memref<4096xf32, #tpu.memory_space<vmem>>[vector<16xi32>], vector<16xf32>,
        %parallel_loop3A_112 = arith.constant 128 : i32
        %parallel_loop3A_113 = arith.muli %parallel_loop3A_30, %parallel_loop3A_112 : i32
        %parallel_loop3A_114 = arith.constant 112 : i32
        %parallel_loop3A_115 = arith.addi %parallel_loop3A_113, %parallel_loop3A_114 : i32
        %parallel_loop3A_116 = arith.index_cast %parallel_loop3A_115 : i32 to index
        %parallel_loop3A_117 = tpu.vector_load %arg13[%parallel_loop3A_116] {strides = array<i32>} : memref<25600xf32, #tpu.memory_space<vmem>>, vector<16xf32>,
        tpu.vector_store %arg13[%parallel_loop3A_116], %parallel_loop3A_111 {strides = array<i32>} : memref<25600xf32, #tpu.memory_space<vmem>>, vector<16xf32>,
        %parallel_loop3A_118 = arith.constant 8 : i32
        %parallel_loop3A_119 = vector.broadcast %parallel_loop3A_118 : i32 to vector<16xi32>
        %parallel_loop3A_120 = arith.addi %parallel_loop3A_37, %parallel_loop3A_119 : vector<16xi32>
        %parallel_loop3A_121 = tpu.vector_load_idx %arg11[%parallel_loop3A_120] : memref<4096xf32, #tpu.memory_space<vmem>>[vector<16xi32>], vector<16xf32>,
        %parallel_loop3A_122 = arith.constant 128 : i32
        %parallel_loop3A_123 = arith.muli %parallel_loop3A_30, %parallel_loop3A_122 : i32
        %parallel_loop3A_124 = arith.constant 0 : i32
        %parallel_loop3A_125 = arith.addi %parallel_loop3A_123, %parallel_loop3A_124 : i32
        %parallel_loop3A_126 = arith.index_cast %parallel_loop3A_125 : i32 to index
        %parallel_loop3A_127 = tpu.vector_load %arg14[%parallel_loop3A_126] {strides = array<i32>} : memref<25600xf32, #tpu.memory_space<vmem>>, vector<16xf32>,
        tpu.vector_store %arg14[%parallel_loop3A_126], %parallel_loop3A_121 {strides = array<i32>} : memref<25600xf32, #tpu.memory_space<vmem>>, vector<16xf32>,
        %parallel_loop3A_128 = arith.constant 9 : i32
        %parallel_loop3A_129 = vector.broadcast %parallel_loop3A_128 : i32 to vector<16xi32>
        %parallel_loop3A_130 = arith.addi %parallel_loop3A_37, %parallel_loop3A_129 : vector<16xi32>
        %parallel_loop3A_131 = tpu.vector_load_idx %arg11[%parallel_loop3A_130] : memref<4096xf32, #tpu.memory_space<vmem>>[vector<16xi32>], vector<16xf32>,
        %parallel_loop3A_132 = arith.constant 128 : i32
        %parallel_loop3A_133 = arith.muli %parallel_loop3A_30, %parallel_loop3A_132 : i32
        %parallel_loop3A_134 = arith.constant 16 : i32
        %parallel_loop3A_135 = arith.addi %parallel_loop3A_133, %parallel_loop3A_134 : i32
        %parallel_loop3A_136 = arith.index_cast %parallel_loop3A_135 : i32 to index
        %parallel_loop3A_137 = tpu.vector_load %arg14[%parallel_loop3A_136] {strides = array<i32>} : memref<25600xf32, #tpu.memory_space<vmem>>, vector<16xf32>,
        tpu.vector_store %arg14[%parallel_loop3A_136], %parallel_loop3A_131 {strides = array<i32>} : memref<25600xf32, #tpu.memory_space<vmem>>, vector<16xf32>,
        %parallel_loop3A_138 = arith.constant 10 : i32
        %parallel_loop3A_139 = vector.broadcast %parallel_loop3A_138 : i32 to vector<16xi32>
        %parallel_loop3A_140 = arith.addi %parallel_loop3A_37, %parallel_loop3A_139 : vector<16xi32>
        %parallel_loop3A_141 = tpu.vector_load_idx %arg11[%parallel_loop3A_140] : memref<4096xf32, #tpu.memory_space<vmem>>[vector<16xi32>], vector<16xf32>,
        %parallel_loop3A_142 = arith.constant 128 : i32
        %parallel_loop3A_143 = arith.muli %parallel_loop3A_30, %parallel_loop3A_142 : i32
        %parallel_loop3A_144 = arith.constant 32 : i32
        %parallel_loop3A_145 = arith.addi %parallel_loop3A_143, %parallel_loop3A_144 : i32
        %parallel_loop3A_146 = arith.index_cast %parallel_loop3A_145 : i32 to index
        %parallel_loop3A_147 = tpu.vector_load %arg14[%parallel_loop3A_146] {strides = array<i32>} : memref<25600xf32, #tpu.memory_space<vmem>>, vector<16xf32>,
        tpu.vector_store %arg14[%parallel_loop3A_146], %parallel_loop3A_141 {strides = array<i32>} : memref<25600xf32, #tpu.memory_space<vmem>>, vector<16xf32>,
        %parallel_loop3A_148 = arith.constant 11 : i32
        %parallel_loop3A_149 = vector.broadcast %parallel_loop3A_148 : i32 to vector<16xi32>
        %parallel_loop3A_150 = arith.addi %parallel_loop3A_37, %parallel_loop3A_149 : vector<16xi32>
        %parallel_loop3A_151 = tpu.vector_load_idx %arg11[%parallel_loop3A_150] : memref<4096xf32, #tpu.memory_space<vmem>>[vector<16xi32>], vector<16xf32>,
        %parallel_loop3A_152 = arith.constant 128 : i32
        %parallel_loop3A_153 = arith.muli %parallel_loop3A_30, %parallel_loop3A_152 : i32
        %parallel_loop3A_154 = arith.constant 48 : i32
        %parallel_loop3A_155 = arith.addi %parallel_loop3A_153, %parallel_loop3A_154 : i32
        %parallel_loop3A_156 = arith.index_cast %parallel_loop3A_155 : i32 to index
        %parallel_loop3A_157 = tpu.vector_load %arg14[%parallel_loop3A_156] {strides = array<i32>} : memref<25600xf32, #tpu.memory_space<vmem>>, vector<16xf32>,
        tpu.vector_store %arg14[%parallel_loop3A_156], %parallel_loop3A_151 {strides = array<i32>} : memref<25600xf32, #tpu.memory_space<vmem>>, vector<16xf32>,
        %parallel_loop3A_158 = arith.constant 12 : i32
        %parallel_loop3A_159 = vector.broadcast %parallel_loop3A_158 : i32 to vector<16xi32>
        %parallel_loop3A_160 = arith.addi %parallel_loop3A_37, %parallel_loop3A_159 : vector<16xi32>
        %parallel_loop3A_161 = tpu.vector_load_idx %arg11[%parallel_loop3A_160] : memref<4096xf32, #tpu.memory_space<vmem>>[vector<16xi32>], vector<16xf32>,
        %parallel_loop3A_162 = arith.constant 128 : i32
        %parallel_loop3A_163 = arith.muli %parallel_loop3A_30, %parallel_loop3A_162 : i32
        %parallel_loop3A_164 = arith.constant 64 : i32
        %parallel_loop3A_165 = arith.addi %parallel_loop3A_163, %parallel_loop3A_164 : i32
        %parallel_loop3A_166 = arith.index_cast %parallel_loop3A_165 : i32 to index
        %parallel_loop3A_167 = tpu.vector_load %arg14[%parallel_loop3A_166] {strides = array<i32>} : memref<25600xf32, #tpu.memory_space<vmem>>, vector<16xf32>,
        tpu.vector_store %arg14[%parallel_loop3A_166], %parallel_loop3A_161 {strides = array<i32>} : memref<25600xf32, #tpu.memory_space<vmem>>, vector<16xf32>,
        %parallel_loop3A_168 = arith.constant 13 : i32
        %parallel_loop3A_169 = vector.broadcast %parallel_loop3A_168 : i32 to vector<16xi32>
        %parallel_loop3A_170 = arith.addi %parallel_loop3A_37, %parallel_loop3A_169 : vector<16xi32>
        %parallel_loop3A_171 = tpu.vector_load_idx %arg11[%parallel_loop3A_170] : memref<4096xf32, #tpu.memory_space<vmem>>[vector<16xi32>], vector<16xf32>,
        %parallel_loop3A_172 = arith.constant 128 : i32
        %parallel_loop3A_173 = arith.muli %parallel_loop3A_30, %parallel_loop3A_172 : i32
        %parallel_loop3A_174 = arith.constant 80 : i32
        %parallel_loop3A_175 = arith.addi %parallel_loop3A_173, %parallel_loop3A_174 : i32
        %parallel_loop3A_176 = arith.index_cast %parallel_loop3A_175 : i32 to index
        %parallel_loop3A_177 = tpu.vector_load %arg14[%parallel_loop3A_176] {strides = array<i32>} : memref<25600xf32, #tpu.memory_space<vmem>>, vector<16xf32>,
        tpu.vector_store %arg14[%parallel_loop3A_176], %parallel_loop3A_171 {strides = array<i32>} : memref<25600xf32, #tpu.memory_space<vmem>>, vector<16xf32>,
        %parallel_loop3A_178 = arith.constant 14 : i32
        %parallel_loop3A_179 = vector.broadcast %parallel_loop3A_178 : i32 to vector<16xi32>
        %parallel_loop3A_180 = arith.addi %parallel_loop3A_37, %parallel_loop3A_179 : vector<16xi32>
        %parallel_loop3A_181 = tpu.vector_load_idx %arg11[%parallel_loop3A_180] : memref<4096xf32, #tpu.memory_space<vmem>>[vector<16xi32>], vector<16xf32>,
        %parallel_loop3A_182 = arith.constant 128 : i32
        %parallel_loop3A_183 = arith.muli %parallel_loop3A_30, %parallel_loop3A_182 : i32
        %parallel_loop3A_184 = arith.constant 96 : i32
        %parallel_loop3A_185 = arith.addi %parallel_loop3A_183, %parallel_loop3A_184 : i32
        %parallel_loop3A_186 = arith.index_cast %parallel_loop3A_185 : i32 to index
        %parallel_loop3A_187 = tpu.vector_load %arg14[%parallel_loop3A_186] {strides = array<i32>} : memref<25600xf32, #tpu.memory_space<vmem>>, vector<16xf32>,
        tpu.vector_store %arg14[%parallel_loop3A_186], %parallel_loop3A_181 {strides = array<i32>} : memref<25600xf32, #tpu.memory_space<vmem>>, vector<16xf32>,
        %parallel_loop3A_188 = arith.constant 15 : i32
        %parallel_loop3A_189 = vector.broadcast %parallel_loop3A_188 : i32 to vector<16xi32>
        %parallel_loop3A_190 = arith.addi %parallel_loop3A_37, %parallel_loop3A_189 : vector<16xi32>
        %parallel_loop3A_191 = tpu.vector_load_idx %arg11[%parallel_loop3A_190] : memref<4096xf32, #tpu.memory_space<vmem>>[vector<16xi32>], vector<16xf32>,
        %parallel_loop3A_192 = arith.constant 128 : i32
        %parallel_loop3A_193 = arith.muli %parallel_loop3A_30, %parallel_loop3A_192 : i32
        %parallel_loop3A_194 = arith.constant 112 : i32
        %parallel_loop3A_195 = arith.addi %parallel_loop3A_193, %parallel_loop3A_194 : i32
        %parallel_loop3A_196 = arith.index_cast %parallel_loop3A_195 : i32 to index
        %parallel_loop3A_197 = tpu.vector_load %arg14[%parallel_loop3A_196] {strides = array<i32>} : memref<25600xf32, #tpu.memory_space<vmem>>, vector<16xf32>,
        tpu.vector_store %arg14[%parallel_loop3A_196], %parallel_loop3A_191 {strides = array<i32>} : memref<25600xf32, #tpu.memory_space<vmem>>, vector<16xf32>,
      } {sc.loop_unroll_factor = 2 : i64, sc.parallel_access}
      %mul3A_23 = arith.constant 200 : i32
      %mul3A_24 = arith.muli %scan3A_20, %mul3A_23 : i32
      %add3A_25 = arith.addi %mul3A_2, %mul3A_24 : i32
      %mul3A_26 = arith.constant 128 : i32
      %mul3A_27 = arith.muli %add3A_25, %mul3A_26 : i32
      "tpu.region"() ({
        %run_scoped3A = tpu.sem_alloc : memref<!tpu.dma_semaphore, #tpu.memory_space<semaphore_mem>>
        %dma_start3A_30 = tpu.memref_slice %arg7[%mul3A_27] : memref<6553600xf32, #tpu.memory_space<hbm>> -> memref<25600xf32, #tpu.memory_space<hbm>>
        %dma_start3A_31 = tpu.memref_slice %arg7[%mul3A_27] : memref<6553600xf32, #tpu.memory_space<hbm>> -> memref<25600xf32, #tpu.memory_space<hbm>>
        tpu.enqueue_dma source(%arg13 : memref<25600xf32, #tpu.memory_space<vmem>>) target(%dma_start3A_31 : memref<25600xf32, #tpu.memory_space<hbm>>) target_semaphore(%run_scoped3A : memref<!tpu.dma_semaphore, #tpu.memory_space<semaphore_mem>>)
        %dma_wait3A = tpu.memref_slice %arg7[%mul3A_27] : memref<6553600xf32, #tpu.memory_space<hbm>> -> memref<25600xf32, #tpu.memory_space<hbm>>
        %dma_wait3A_32 = tpu.memref_slice %arg7[%mul3A_27] : memref<6553600xf32, #tpu.memory_space<hbm>> -> memref<25600xf32, #tpu.memory_space<hbm>>
        tpu.wait_dma2 semaphore(%run_scoped3A : memref<!tpu.dma_semaphore, #tpu.memory_space<semaphore_mem>>) src(%arg13 : memref<25600xf32, #tpu.memory_space<vmem>>) dst(%dma_wait3A_32 : memref<25600xf32, #tpu.memory_space<hbm>>)
        tpu.yield
      }) : () -> ()
      %add3A_28 = arith.constant 3276800 : i32
      %add3A_29 = arith.addi %add3A_28, %mul3A_27 : i32
      "tpu.region"() ({
        %run_scoped3A = tpu.sem_alloc : memref<!tpu.dma_semaphore, #tpu.memory_space<semaphore_mem>>
        %dma_start3A_30 = tpu.memref_slice %arg7[%add3A_29] : memref<6553600xf32, #tpu.memory_space<hbm>> -> memref<25600xf32, #tpu.memory_space<hbm>>
        %dma_start3A_31 = tpu.memref_slice %arg7[%add3A_29] : memref<6553600xf32, #tpu.memory_space<hbm>> -> memref<25600xf32, #tpu.memory_space<hbm>>
        tpu.enqueue_dma source(%arg14 : memref<25600xf32, #tpu.memory_space<vmem>>) target(%dma_start3A_31 : memref<25600xf32, #tpu.memory_space<hbm>>) target_semaphore(%run_scoped3A : memref<!tpu.dma_semaphore, #tpu.memory_space<semaphore_mem>>)
        %dma_wait3A = tpu.memref_slice %arg7[%add3A_29] : memref<6553600xf32, #tpu.memory_space<hbm>> -> memref<25600xf32, #tpu.memory_space<hbm>>
        %dma_wait3A_32 = tpu.memref_slice %arg7[%add3A_29] : memref<6553600xf32, #tpu.memory_space<hbm>> -> memref<25600xf32, #tpu.memory_space<hbm>>
        tpu.wait_dma2 semaphore(%run_scoped3A : memref<!tpu.dma_semaphore, #tpu.memory_space<semaphore_mem>>) src(%arg14 : memref<25600xf32, #tpu.memory_space<vmem>>) dst(%dma_wait3A_32 : memref<25600xf32, #tpu.memory_space<hbm>>)
        tpu.yield
      }) : () -> ()
    }
    %scan3A_19 = arith.constant 4 : i32
    return
  }
}

module attributes {stable_mosaic.version = 14 : i64} {
  func.func @body(%arg0: i32, %arg1: memref<800x128xf32, #tpu.memory_space<vmem>>, %arg2: memref<800x128xf32, #tpu.memory_space<vmem>>, %arg3: memref<800x128xf32, #tpu.memory_space<vmem>>, %arg4: memref<256x3072xbf16, #tpu.memory_space<vmem>>, %arg5: memref<16x50x320xf32, #tpu.memory_space<vmem>>) attributes {dimension_semantics = [#tpu.dimension_semantics<arbitrary>], iteration_bounds = array<i64: 32>, scalar_prefetch = 0 : i64, scratch_operands = 0 : i64, tpu.core_type = #tpu.core_type<tc>, window_params = [{transform_indices = @transform_0, window_bounds = array<i64: 800, 128>}, {transform_indices = @transform_1, window_bounds = array<i64: 800, 128>}, {transform_indices = @transform_2, window_bounds = array<i64: 800, 128>}, {pipeline_mode = #tpu.pipeline_mode<synchronous>, transform_indices = @transform_3, window_bounds = array<i64: 256, 3072>}, {transform_indices = @transform_4, window_bounds = array<i64: 16, 50, 320>}]} {
    %get3A = arith.constant 0 : index
    %get3A_0 = arith.constant 0 : index
    %get3A_1 = vector.load %arg2[%get3A, %get3A_0] : memref<800x128xf32, #tpu.memory_space<vmem>>, vector<800x128xf32>
    %convert_element_type3A = arith.truncf %get3A_1 : vector<800x128xf32> to vector<800x128xbf16>
    %get3A_2 = arith.constant 0 : index
    %get3A_3 = arith.constant 0 : index
    %get3A_4 = vector.load %arg3[%get3A_2, %get3A_3] : memref<800x128xf32, #tpu.memory_space<vmem>>, vector<800x128xf32>
    %convert_element_type3A_5 = arith.truncf %get3A_4 : vector<800x128xf32> to vector<800x128xbf16>
    %get3A_6 = arith.constant 0 : index
    %get3A_7 = arith.constant 0 : index
    %get3A_8 = vector.load %arg4[%get3A_6, %get3A_7] : memref<256x3072xbf16, #tpu.memory_space<vmem>>, vector<128x256xbf16>
    %dot_general3A = arith.constant dense<0.000000e+00> : vector<800x256xf32>
    %dot_general3A_9 = tpu.matmul %convert_element_type3A, %get3A_8, %dot_general3A {dimension_numbers = #tpu.dot_dimension_numbers<[1], [0], [0], [1], [0, 0, 1, 1], [], []>, transpose_lhs_hint = false} : vector<800x128xbf16>, vector<128x256xbf16>, vector<800x256xf32> -> vector<800x256xf32>
    %get3A_10 = arith.constant 128 : index
    %get3A_11 = arith.constant 0 : index
    %get3A_12 = vector.load %arg4[%get3A_10, %get3A_11] : memref<256x3072xbf16, #tpu.memory_space<vmem>>, vector<128x256xbf16>
    %dot_general3A_13 = arith.constant dense<0.000000e+00> : vector<800x256xf32>
    %dot_general3A_14 = tpu.matmul %convert_element_type3A_5, %get3A_12, %dot_general3A_13 {dimension_numbers = #tpu.dot_dimension_numbers<[1], [0], [0], [1], [0, 0, 1, 1], [], []>, transpose_lhs_hint = false} : vector<800x128xbf16>, vector<128x256xbf16>, vector<800x256xf32> -> vector<800x256xf32>
    %add3A = arith.addf %dot_general3A_9, %dot_general3A_14 : vector<800x256xf32>
    %get3A_15 = arith.constant 0 : index
    %get3A_16 = arith.constant 256 : index
    %get3A_17 = vector.load %arg4[%get3A_15, %get3A_16] : memref<256x3072xbf16, #tpu.memory_space<vmem>>, vector<128x256xbf16>
    %dot_general3A_18 = arith.constant dense<0.000000e+00> : vector<800x256xf32>
    %dot_general3A_19 = tpu.matmul %convert_element_type3A, %get3A_17, %dot_general3A_18 {dimension_numbers = #tpu.dot_dimension_numbers<[1], [0], [0], [1], [0, 0, 1, 1], [], []>, transpose_lhs_hint = false} : vector<800x128xbf16>, vector<128x256xbf16>, vector<800x256xf32> -> vector<800x256xf32>
    %get3A_20 = arith.constant 128 : index
    %get3A_21 = arith.constant 256 : index
    %get3A_22 = vector.load %arg4[%get3A_20, %get3A_21] : memref<256x3072xbf16, #tpu.memory_space<vmem>>, vector<128x256xbf16>
    %dot_general3A_23 = arith.constant dense<0.000000e+00> : vector<800x256xf32>
    %dot_general3A_24 = tpu.matmul %convert_element_type3A_5, %get3A_22, %dot_general3A_23 {dimension_numbers = #tpu.dot_dimension_numbers<[1], [0], [0], [1], [0, 0, 1, 1], [], []>, transpose_lhs_hint = false} : vector<800x128xbf16>, vector<128x256xbf16>, vector<800x256xf32> -> vector<800x256xf32>
    %add3A_25 = arith.addf %dot_general3A_19, %dot_general3A_24 : vector<800x256xf32>
    %max3A = arith.maximumf %add3A, %add3A_25 : vector<800x256xf32>
    %get3A_26 = arith.constant 0 : index
    %get3A_27 = arith.constant 512 : index
    %get3A_28 = vector.load %arg4[%get3A_26, %get3A_27] : memref<256x3072xbf16, #tpu.memory_space<vmem>>, vector<128x256xbf16>
    %dot_general3A_29 = arith.constant dense<0.000000e+00> : vector<800x256xf32>
    %dot_general3A_30 = tpu.matmul %convert_element_type3A, %get3A_28, %dot_general3A_29 {dimension_numbers = #tpu.dot_dimension_numbers<[1], [0], [0], [1], [0, 0, 1, 1], [], []>, transpose_lhs_hint = false} : vector<800x128xbf16>, vector<128x256xbf16>, vector<800x256xf32> -> vector<800x256xf32>
    %get3A_31 = arith.constant 128 : index
    %get3A_32 = arith.constant 512 : index
    %get3A_33 = vector.load %arg4[%get3A_31, %get3A_32] : memref<256x3072xbf16, #tpu.memory_space<vmem>>, vector<128x256xbf16>
    %dot_general3A_34 = arith.constant dense<0.000000e+00> : vector<800x256xf32>
    %dot_general3A_35 = tpu.matmul %convert_element_type3A_5, %get3A_33, %dot_general3A_34 {dimension_numbers = #tpu.dot_dimension_numbers<[1], [0], [0], [1], [0, 0, 1, 1], [], []>, transpose_lhs_hint = false} : vector<800x128xbf16>, vector<128x256xbf16>, vector<800x256xf32> -> vector<800x256xf32>
    %add3A_36 = arith.addf %dot_general3A_30, %dot_general3A_35 : vector<800x256xf32>
    %max3A_37 = arith.maximumf %max3A, %add3A_36 : vector<800x256xf32>
    %get3A_38 = arith.constant 0 : index
    %get3A_39 = arith.constant 768 : index
    %get3A_40 = vector.load %arg4[%get3A_38, %get3A_39] : memref<256x3072xbf16, #tpu.memory_space<vmem>>, vector<128x256xbf16>
    %dot_general3A_41 = arith.constant dense<0.000000e+00> : vector<800x256xf32>
    %dot_general3A_42 = tpu.matmul %convert_element_type3A, %get3A_40, %dot_general3A_41 {dimension_numbers = #tpu.dot_dimension_numbers<[1], [0], [0], [1], [0, 0, 1, 1], [], []>, transpose_lhs_hint = false} : vector<800x128xbf16>, vector<128x256xbf16>, vector<800x256xf32> -> vector<800x256xf32>
    %get3A_43 = arith.constant 128 : index
    %get3A_44 = arith.constant 768 : index
    %get3A_45 = vector.load %arg4[%get3A_43, %get3A_44] : memref<256x3072xbf16, #tpu.memory_space<vmem>>, vector<128x256xbf16>
    %dot_general3A_46 = arith.constant dense<0.000000e+00> : vector<800x256xf32>
    %dot_general3A_47 = tpu.matmul %convert_element_type3A_5, %get3A_45, %dot_general3A_46 {dimension_numbers = #tpu.dot_dimension_numbers<[1], [0], [0], [1], [0, 0, 1, 1], [], []>, transpose_lhs_hint = false} : vector<800x128xbf16>, vector<128x256xbf16>, vector<800x256xf32> -> vector<800x256xf32>
    %add3A_48 = arith.addf %dot_general3A_42, %dot_general3A_47 : vector<800x256xf32>
    %max3A_49 = arith.maximumf %max3A_37, %add3A_48 : vector<800x256xf32>
    %slice3A = vector.extract_strided_slice %max3A_49 {offsets = [0, 0], sizes = [800, 128], strides = [1, 1]} : vector<800x256xf32> to vector<800x128xf32>
    %slice3A_50 = vector.extract_strided_slice %max3A_49 {offsets = [0, 128], sizes = [800, 128], strides = [1, 1]} : vector<800x256xf32> to vector<800x128xf32>
    %max3A_51 = arith.maximumf %slice3A, %slice3A_50 : vector<800x128xf32>
    %slice3A_52 = vector.extract_strided_slice %max3A_51 {offsets = [0, 0], sizes = [800, 64], strides = [1, 1]} : vector<800x128xf32> to vector<800x64xf32>
    %slice3A_53 = vector.extract_strided_slice %max3A_51 {offsets = [0, 64], sizes = [800, 64], strides = [1, 1]} : vector<800x128xf32> to vector<800x64xf32>
    %max3A_54 = arith.maximumf %slice3A_52, %slice3A_53 : vector<800x64xf32>
    %max3A_55 = arith.constant 0.000000e+00 : f32
    %max3A_56 = vector.broadcast %max3A_55 : f32 to vector<800x64xf32>
    %max3A_57 = arith.maximumf %max3A_54, %max3A_56 : vector<800x64xf32>
    %reshape3A = vector.shape_cast %max3A_57 : vector<800x64xf32> to vector<16x50x64xf32>
    %swap3A = arith.constant 0 : index
    %swap3A_58 = arith.constant 0 : index
    %swap3A_59 = arith.constant 128 : index
    %swap3A_60 = vector.load %arg5[%swap3A, %swap3A_58, %swap3A_59] : memref<16x50x320xf32, #tpu.memory_space<vmem>>, vector<16x50x64xf32>
    tpu.vector_store %arg5[%swap3A, %swap3A_58, %swap3A_59], %reshape3A {strides = array<i32>} : memref<16x50x320xf32, #tpu.memory_space<vmem>>, vector<16x50x64xf32>,
    %get3A_61 = arith.constant 0 : index
    %get3A_62 = arith.constant 1024 : index
    %get3A_63 = vector.load %arg4[%get3A_61, %get3A_62] : memref<256x3072xbf16, #tpu.memory_space<vmem>>, vector<128x256xbf16>
    %dot_general3A_64 = arith.constant dense<0.000000e+00> : vector<800x256xf32>
    %dot_general3A_65 = tpu.matmul %convert_element_type3A, %get3A_63, %dot_general3A_64 {dimension_numbers = #tpu.dot_dimension_numbers<[1], [0], [0], [1], [0, 0, 1, 1], [], []>, transpose_lhs_hint = false} : vector<800x128xbf16>, vector<128x256xbf16>, vector<800x256xf32> -> vector<800x256xf32>
    %get3A_66 = arith.constant 128 : index
    %get3A_67 = arith.constant 1024 : index
    %get3A_68 = vector.load %arg4[%get3A_66, %get3A_67] : memref<256x3072xbf16, #tpu.memory_space<vmem>>, vector<128x256xbf16>
    %dot_general3A_69 = arith.constant dense<0.000000e+00> : vector<800x256xf32>
    %dot_general3A_70 = tpu.matmul %convert_element_type3A_5, %get3A_68, %dot_general3A_69 {dimension_numbers = #tpu.dot_dimension_numbers<[1], [0], [0], [1], [0, 0, 1, 1], [], []>, transpose_lhs_hint = false} : vector<800x128xbf16>, vector<128x256xbf16>, vector<800x256xf32> -> vector<800x256xf32>
    %add3A_71 = arith.addf %dot_general3A_65, %dot_general3A_70 : vector<800x256xf32>
    %get3A_72 = arith.constant 0 : index
    %get3A_73 = arith.constant 1280 : index
    %get3A_74 = vector.load %arg4[%get3A_72, %get3A_73] : memref<256x3072xbf16, #tpu.memory_space<vmem>>, vector<128x256xbf16>
    %dot_general3A_75 = arith.constant dense<0.000000e+00> : vector<800x256xf32>
    %dot_general3A_76 = tpu.matmul %convert_element_type3A, %get3A_74, %dot_general3A_75 {dimension_numbers = #tpu.dot_dimension_numbers<[1], [0], [0], [1], [0, 0, 1, 1], [], []>, transpose_lhs_hint = false} : vector<800x128xbf16>, vector<128x256xbf16>, vector<800x256xf32> -> vector<800x256xf32>
    %get3A_77 = arith.constant 128 : index
    %get3A_78 = arith.constant 1280 : index
    %get3A_79 = vector.load %arg4[%get3A_77, %get3A_78] : memref<256x3072xbf16, #tpu.memory_space<vmem>>, vector<128x256xbf16>
    %dot_general3A_80 = arith.constant dense<0.000000e+00> : vector<800x256xf32>
    %dot_general3A_81 = tpu.matmul %convert_element_type3A_5, %get3A_79, %dot_general3A_80 {dimension_numbers = #tpu.dot_dimension_numbers<[1], [0], [0], [1], [0, 0, 1, 1], [], []>, transpose_lhs_hint = false} : vector<800x128xbf16>, vector<128x256xbf16>, vector<800x256xf32> -> vector<800x256xf32>
    %add3A_82 = arith.addf %dot_general3A_76, %dot_general3A_81 : vector<800x256xf32>
    %max3A_83 = arith.maximumf %add3A_71, %add3A_82 : vector<800x256xf32>
    %get3A_84 = arith.constant 0 : index
    %get3A_85 = arith.constant 1536 : index
    %get3A_86 = vector.load %arg4[%get3A_84, %get3A_85] : memref<256x3072xbf16, #tpu.memory_space<vmem>>, vector<128x256xbf16>
    %dot_general3A_87 = arith.constant dense<0.000000e+00> : vector<800x256xf32>
    %dot_general3A_88 = tpu.matmul %convert_element_type3A, %get3A_86, %dot_general3A_87 {dimension_numbers = #tpu.dot_dimension_numbers<[1], [0], [0], [1], [0, 0, 1, 1], [], []>, transpose_lhs_hint = false} : vector<800x128xbf16>, vector<128x256xbf16>, vector<800x256xf32> -> vector<800x256xf32>
    %get3A_89 = arith.constant 128 : index
    %get3A_90 = arith.constant 1536 : index
    %get3A_91 = vector.load %arg4[%get3A_89, %get3A_90] : memref<256x3072xbf16, #tpu.memory_space<vmem>>, vector<128x256xbf16>
    %dot_general3A_92 = arith.constant dense<0.000000e+00> : vector<800x256xf32>
    %dot_general3A_93 = tpu.matmul %convert_element_type3A_5, %get3A_91, %dot_general3A_92 {dimension_numbers = #tpu.dot_dimension_numbers<[1], [0], [0], [1], [0, 0, 1, 1], [], []>, transpose_lhs_hint = false} : vector<800x128xbf16>, vector<128x256xbf16>, vector<800x256xf32> -> vector<800x256xf32>
    %add3A_94 = arith.addf %dot_general3A_88, %dot_general3A_93 : vector<800x256xf32>
    %max3A_95 = arith.maximumf %max3A_83, %add3A_94 : vector<800x256xf32>
    %get3A_96 = arith.constant 0 : index
    %get3A_97 = arith.constant 1792 : index
    %get3A_98 = vector.load %arg4[%get3A_96, %get3A_97] : memref<256x3072xbf16, #tpu.memory_space<vmem>>, vector<128x256xbf16>
    %dot_general3A_99 = arith.constant dense<0.000000e+00> : vector<800x256xf32>
    %dot_general3A_100 = tpu.matmul %convert_element_type3A, %get3A_98, %dot_general3A_99 {dimension_numbers = #tpu.dot_dimension_numbers<[1], [0], [0], [1], [0, 0, 1, 1], [], []>, transpose_lhs_hint = false} : vector<800x128xbf16>, vector<128x256xbf16>, vector<800x256xf32> -> vector<800x256xf32>
    %get3A_101 = arith.constant 128 : index
    %get3A_102 = arith.constant 1792 : index
    %get3A_103 = vector.load %arg4[%get3A_101, %get3A_102] : memref<256x3072xbf16, #tpu.memory_space<vmem>>, vector<128x256xbf16>
    %dot_general3A_104 = arith.constant dense<0.000000e+00> : vector<800x256xf32>
    %dot_general3A_105 = tpu.matmul %convert_element_type3A_5, %get3A_103, %dot_general3A_104 {dimension_numbers = #tpu.dot_dimension_numbers<[1], [0], [0], [1], [0, 0, 1, 1], [], []>, transpose_lhs_hint = false} : vector<800x128xbf16>, vector<128x256xbf16>, vector<800x256xf32> -> vector<800x256xf32>
    %add3A_106 = arith.addf %dot_general3A_100, %dot_general3A_105 : vector<800x256xf32>
    %max3A_107 = arith.maximumf %max3A_95, %add3A_106 : vector<800x256xf32>
    %slice3A_108 = vector.extract_strided_slice %max3A_107 {offsets = [0, 0], sizes = [800, 128], strides = [1, 1]} : vector<800x256xf32> to vector<800x128xf32>
    %slice3A_109 = vector.extract_strided_slice %max3A_107 {offsets = [0, 128], sizes = [800, 128], strides = [1, 1]} : vector<800x256xf32> to vector<800x128xf32>
    %max3A_110 = arith.maximumf %slice3A_108, %slice3A_109 : vector<800x128xf32>
    %slice3A_111 = vector.extract_strided_slice %max3A_110 {offsets = [0, 0], sizes = [800, 64], strides = [1, 1]} : vector<800x128xf32> to vector<800x64xf32>
    %slice3A_112 = vector.extract_strided_slice %max3A_110 {offsets = [0, 64], sizes = [800, 64], strides = [1, 1]} : vector<800x128xf32> to vector<800x64xf32>
    %max3A_113 = arith.maximumf %slice3A_111, %slice3A_112 : vector<800x64xf32>
    %max3A_114 = arith.constant 0.000000e+00 : f32
    %max3A_115 = vector.broadcast %max3A_114 : f32 to vector<800x64xf32>
    %max3A_116 = arith.maximumf %max3A_113, %max3A_115 : vector<800x64xf32>
    %reshape3A_117 = vector.shape_cast %max3A_116 : vector<800x64xf32> to vector<16x50x64xf32>
    %swap3A_118 = arith.constant 0 : index
    %swap3A_119 = arith.constant 0 : index
    %swap3A_120 = arith.constant 192 : index
    %swap3A_121 = vector.load %arg5[%swap3A_118, %swap3A_119, %swap3A_120] : memref<16x50x320xf32, #tpu.memory_space<vmem>>, vector<16x50x64xf32>
    tpu.vector_store %arg5[%swap3A_118, %swap3A_119, %swap3A_120], %reshape3A_117 {strides = array<i32>} : memref<16x50x320xf32, #tpu.memory_space<vmem>>, vector<16x50x64xf32>,
    %get3A_122 = arith.constant 0 : index
    %get3A_123 = arith.constant 2048 : index
    %get3A_124 = vector.load %arg4[%get3A_122, %get3A_123] : memref<256x3072xbf16, #tpu.memory_space<vmem>>, vector<128x256xbf16>
    %dot_general3A_125 = arith.constant dense<0.000000e+00> : vector<800x256xf32>
    %dot_general3A_126 = tpu.matmul %convert_element_type3A, %get3A_124, %dot_general3A_125 {dimension_numbers = #tpu.dot_dimension_numbers<[1], [0], [0], [1], [0, 0, 1, 1], [], []>, transpose_lhs_hint = false} : vector<800x128xbf16>, vector<128x256xbf16>, vector<800x256xf32> -> vector<800x256xf32>
    %get3A_127 = arith.constant 128 : index
    %get3A_128 = arith.constant 2048 : index
    %get3A_129 = vector.load %arg4[%get3A_127, %get3A_128] : memref<256x3072xbf16, #tpu.memory_space<vmem>>, vector<128x256xbf16>
    %dot_general3A_130 = arith.constant dense<0.000000e+00> : vector<800x256xf32>
    %dot_general3A_131 = tpu.matmul %convert_element_type3A_5, %get3A_129, %dot_general3A_130 {dimension_numbers = #tpu.dot_dimension_numbers<[1], [0], [0], [1], [0, 0, 1, 1], [], []>, transpose_lhs_hint = false} : vector<800x128xbf16>, vector<128x256xbf16>, vector<800x256xf32> -> vector<800x256xf32>
    %add3A_132 = arith.addf %dot_general3A_126, %dot_general3A_131 : vector<800x256xf32>
    %get3A_133 = arith.constant 0 : index
    %get3A_134 = arith.constant 2304 : index
    %get3A_135 = vector.load %arg4[%get3A_133, %get3A_134] : memref<256x3072xbf16, #tpu.memory_space<vmem>>, vector<128x256xbf16>
    %dot_general3A_136 = arith.constant dense<0.000000e+00> : vector<800x256xf32>
    %dot_general3A_137 = tpu.matmul %convert_element_type3A, %get3A_135, %dot_general3A_136 {dimension_numbers = #tpu.dot_dimension_numbers<[1], [0], [0], [1], [0, 0, 1, 1], [], []>, transpose_lhs_hint = false} : vector<800x128xbf16>, vector<128x256xbf16>, vector<800x256xf32> -> vector<800x256xf32>
    %get3A_138 = arith.constant 128 : index
    %get3A_139 = arith.constant 2304 : index
    %get3A_140 = vector.load %arg4[%get3A_138, %get3A_139] : memref<256x3072xbf16, #tpu.memory_space<vmem>>, vector<128x256xbf16>
    %dot_general3A_141 = arith.constant dense<0.000000e+00> : vector<800x256xf32>
    %dot_general3A_142 = tpu.matmul %convert_element_type3A_5, %get3A_140, %dot_general3A_141 {dimension_numbers = #tpu.dot_dimension_numbers<[1], [0], [0], [1], [0, 0, 1, 1], [], []>, transpose_lhs_hint = false} : vector<800x128xbf16>, vector<128x256xbf16>, vector<800x256xf32> -> vector<800x256xf32>
    %add3A_143 = arith.addf %dot_general3A_137, %dot_general3A_142 : vector<800x256xf32>
    %max3A_144 = arith.maximumf %add3A_132, %add3A_143 : vector<800x256xf32>
    %get3A_145 = arith.constant 0 : index
    %get3A_146 = arith.constant 2560 : index
    %get3A_147 = vector.load %arg4[%get3A_145, %get3A_146] : memref<256x3072xbf16, #tpu.memory_space<vmem>>, vector<128x256xbf16>
    %dot_general3A_148 = arith.constant dense<0.000000e+00> : vector<800x256xf32>
    %dot_general3A_149 = tpu.matmul %convert_element_type3A, %get3A_147, %dot_general3A_148 {dimension_numbers = #tpu.dot_dimension_numbers<[1], [0], [0], [1], [0, 0, 1, 1], [], []>, transpose_lhs_hint = false} : vector<800x128xbf16>, vector<128x256xbf16>, vector<800x256xf32> -> vector<800x256xf32>
    %get3A_150 = arith.constant 128 : index
    %get3A_151 = arith.constant 2560 : index
    %get3A_152 = vector.load %arg4[%get3A_150, %get3A_151] : memref<256x3072xbf16, #tpu.memory_space<vmem>>, vector<128x256xbf16>
    %dot_general3A_153 = arith.constant dense<0.000000e+00> : vector<800x256xf32>
    %dot_general3A_154 = tpu.matmul %convert_element_type3A_5, %get3A_152, %dot_general3A_153 {dimension_numbers = #tpu.dot_dimension_numbers<[1], [0], [0], [1], [0, 0, 1, 1], [], []>, transpose_lhs_hint = false} : vector<800x128xbf16>, vector<128x256xbf16>, vector<800x256xf32> -> vector<800x256xf32>
    %add3A_155 = arith.addf %dot_general3A_149, %dot_general3A_154 : vector<800x256xf32>
    %max3A_156 = arith.maximumf %max3A_144, %add3A_155 : vector<800x256xf32>
    %get3A_157 = arith.constant 0 : index
    %get3A_158 = arith.constant 2816 : index
    %get3A_159 = vector.load %arg4[%get3A_157, %get3A_158] : memref<256x3072xbf16, #tpu.memory_space<vmem>>, vector<128x256xbf16>
    %dot_general3A_160 = arith.constant dense<0.000000e+00> : vector<800x256xf32>
    %dot_general3A_161 = tpu.matmul %convert_element_type3A, %get3A_159, %dot_general3A_160 {dimension_numbers = #tpu.dot_dimension_numbers<[1], [0], [0], [1], [0, 0, 1, 1], [], []>, transpose_lhs_hint = false} : vector<800x128xbf16>, vector<128x256xbf16>, vector<800x256xf32> -> vector<800x256xf32>
    %get3A_162 = arith.constant 128 : index
    %get3A_163 = arith.constant 2816 : index
    %get3A_164 = vector.load %arg4[%get3A_162, %get3A_163] : memref<256x3072xbf16, #tpu.memory_space<vmem>>, vector<128x256xbf16>
    %dot_general3A_165 = arith.constant dense<0.000000e+00> : vector<800x256xf32>
    %dot_general3A_166 = tpu.matmul %convert_element_type3A_5, %get3A_164, %dot_general3A_165 {dimension_numbers = #tpu.dot_dimension_numbers<[1], [0], [0], [1], [0, 0, 1, 1], [], []>, transpose_lhs_hint = false} : vector<800x128xbf16>, vector<128x256xbf16>, vector<800x256xf32> -> vector<800x256xf32>
    %add3A_167 = arith.addf %dot_general3A_161, %dot_general3A_166 : vector<800x256xf32>
    %max3A_168 = arith.maximumf %max3A_156, %add3A_167 : vector<800x256xf32>
    %slice3A_169 = vector.extract_strided_slice %max3A_168 {offsets = [0, 0], sizes = [800, 128], strides = [1, 1]} : vector<800x256xf32> to vector<800x128xf32>
    %slice3A_170 = vector.extract_strided_slice %max3A_168 {offsets = [0, 128], sizes = [800, 128], strides = [1, 1]} : vector<800x256xf32> to vector<800x128xf32>
    %max3A_171 = arith.maximumf %slice3A_169, %slice3A_170 : vector<800x128xf32>
    %slice3A_172 = vector.extract_strided_slice %max3A_171 {offsets = [0, 0], sizes = [800, 64], strides = [1, 1]} : vector<800x128xf32> to vector<800x64xf32>
    %slice3A_173 = vector.extract_strided_slice %max3A_171 {offsets = [0, 64], sizes = [800, 64], strides = [1, 1]} : vector<800x128xf32> to vector<800x64xf32>
    %max3A_174 = arith.maximumf %slice3A_172, %slice3A_173 : vector<800x64xf32>
    %max3A_175 = arith.constant 0.000000e+00 : f32
    %max3A_176 = vector.broadcast %max3A_175 : f32 to vector<800x64xf32>
    %max3A_177 = arith.maximumf %max3A_174, %max3A_176 : vector<800x64xf32>
    %reshape3A_178 = vector.shape_cast %max3A_177 : vector<800x64xf32> to vector<16x50x64xf32>
    %swap3A_179 = arith.constant 0 : index
    %swap3A_180 = arith.constant 0 : index
    %swap3A_181 = arith.constant 256 : index
    %swap3A_182 = vector.load %arg5[%swap3A_179, %swap3A_180, %swap3A_181] : memref<16x50x320xf32, #tpu.memory_space<vmem>>, vector<16x50x64xf32>
    tpu.vector_store %arg5[%swap3A_179, %swap3A_180, %swap3A_181], %reshape3A_178 {strides = array<i32>} : memref<16x50x320xf32, #tpu.memory_space<vmem>>, vector<16x50x64xf32>,
    %get3A_183 = arith.constant 0 : index
    %get3A_184 = arith.constant 0 : index
    %get3A_185 = vector.load %arg1[%get3A_183, %get3A_184] : memref<800x128xf32, #tpu.memory_space<vmem>>, vector<800x128xf32>
    %reshape3A_186 = vector.shape_cast %get3A_185 : vector<800x128xf32> to vector<16x50x128xf32>
    %swap3A_187 = arith.constant 0 : index
    %swap3A_188 = arith.constant 0 : index
    %swap3A_189 = arith.constant 0 : index
    %swap3A_190 = vector.load %arg5[%swap3A_187, %swap3A_188, %swap3A_189] : memref<16x50x320xf32, #tpu.memory_space<vmem>>, vector<16x50x128xf32>
    tpu.vector_store %arg5[%swap3A_187, %swap3A_188, %swap3A_189], %reshape3A_186 {strides = array<i32>} : memref<16x50x320xf32, #tpu.memory_space<vmem>>, vector<16x50x128xf32>,
    return
  }
  func.func @transform_0(%arg0: i32) -> (i32, i32) {
    %c0_i32 = arith.constant 0 : i32
    %c0_i32_0 = arith.constant 0 : i32
    return %arg0, %c0_i32 : i32, i32
  }
  func.func @transform_1(%arg0: i32) -> (i32, i32) {
    %c0_i32 = arith.constant 0 : i32
    %c0_i32_0 = arith.constant 0 : i32
    return %arg0, %c0_i32 : i32, i32
  }
  func.func @transform_2(%arg0: i32) -> (i32, i32) {
    %add3A = arith.constant 32 : i32
    %add3A_0 = arith.addi %add3A, %arg0 : i32
    %c0_i32 = arith.constant 0 : i32
    %c0_i32_1 = arith.constant 0 : i32
    return %add3A_0, %c0_i32 : i32, i32
  }
  func.func @transform_3(%arg0: i32) -> (i32, i32) {
    %c0_i32 = arith.constant 0 : i32
    %c0_i32_0 = arith.constant 0 : i32
    %c0_i32_1 = arith.constant 0 : i32
    return %c0_i32, %c0_i32_0 : i32, i32
  }
  func.func @transform_4(%arg0: i32) -> (i32, i32, i32) {
    %add3A = arith.constant 0 : i32
    %add3A_0 = arith.addi %add3A, %arg0 : i32
    %c0_i32 = arith.constant 0 : i32
    %c0_i32_1 = arith.constant 0 : i32
    %c0_i32_2 = arith.constant 0 : i32
    return %add3A_0, %c0_i32, %c0_i32_1 : i32, i32, i32
  }
}

module attributes {stable_mosaic.version = 14 : i64} {
  func.func @run_body(%arg0: i32, %arg1: memref<8x50x320xf32, #tpu.memory_space<vmem>>, %arg2: memref<800x128xf32, #tpu.memory_space<vmem>>, %arg3: memref<800x128xf32, #tpu.memory_space<vmem>>, %arg4: memref<800x128xf32, #tpu.memory_space<vmem>>, %arg5: memref<256x3072xbf16, #tpu.memory_space<vmem>>, %arg6: memref<16x50x320xf32, #tpu.memory_space<vmem>>) attributes {dimension_semantics = [#tpu.dimension_semantics<arbitrary>], iteration_bounds = array<i64: 32>, scalar_prefetch = 0 : i64, scratch_operands = 0 : i64, tpu.core_type = #tpu.core_type<tc>, window_params = [{transform_indices = @transform_0, window_bounds = array<i64: 8, 50, 320>}, {transform_indices = @transform_1, window_bounds = array<i64: 800, 128>}, {transform_indices = @transform_2, window_bounds = array<i64: 800, 128>}, {transform_indices = @transform_3, window_bounds = array<i64: 800, 128>}, {pipeline_mode = #tpu.pipeline_mode<synchronous>, transform_indices = @transform_4, window_bounds = array<i64: 256, 3072>}, {transform_indices = @transform_5, window_bounds = array<i64: 16, 50, 320>}]} {
    %get3A = arith.constant 0 : index
    %get3A_0 = arith.constant 0 : index
    %get3A_1 = vector.load %arg3[%get3A, %get3A_0] : memref<800x128xf32, #tpu.memory_space<vmem>>, vector<800x128xf32>
    %convert_element_type3A = arith.truncf %get3A_1 : vector<800x128xf32> to vector<800x128xbf16>
    %get3A_2 = arith.constant 0 : index
    %get3A_3 = arith.constant 0 : index
    %get3A_4 = vector.load %arg4[%get3A_2, %get3A_3] : memref<800x128xf32, #tpu.memory_space<vmem>>, vector<800x128xf32>
    %convert_element_type3A_5 = arith.truncf %get3A_4 : vector<800x128xf32> to vector<800x128xbf16>
    %get3A_6 = arith.constant 0 : index
    %get3A_7 = arith.constant 0 : index
    %get3A_8 = vector.load %arg5[%get3A_6, %get3A_7] : memref<256x3072xbf16, #tpu.memory_space<vmem>>, vector<128x256xbf16>
    %dot_general3A = arith.constant dense<0.000000e+00> : vector<800x256xf32>
    %dot_general3A_9 = tpu.matmul %convert_element_type3A, %get3A_8, %dot_general3A {dimension_numbers = #tpu.dot_dimension_numbers<[1], [0], [0], [1], [0, 0, 1, 1], [], []>, transpose_lhs_hint = false} : vector<800x128xbf16>, vector<128x256xbf16>, vector<800x256xf32> -> vector<800x256xf32>
    %get3A_10 = arith.constant 128 : index
    %get3A_11 = arith.constant 0 : index
    %get3A_12 = vector.load %arg5[%get3A_10, %get3A_11] : memref<256x3072xbf16, #tpu.memory_space<vmem>>, vector<128x256xbf16>
    %dot_general3A_13 = arith.constant dense<0.000000e+00> : vector<800x256xf32>
    %dot_general3A_14 = tpu.matmul %convert_element_type3A_5, %get3A_12, %dot_general3A_13 {dimension_numbers = #tpu.dot_dimension_numbers<[1], [0], [0], [1], [0, 0, 1, 1], [], []>, transpose_lhs_hint = false} : vector<800x128xbf16>, vector<128x256xbf16>, vector<800x256xf32> -> vector<800x256xf32>
    %add3A = arith.addf %dot_general3A_9, %dot_general3A_14 : vector<800x256xf32>
    %get3A_15 = arith.constant 0 : index
    %get3A_16 = arith.constant 256 : index
    %get3A_17 = vector.load %arg5[%get3A_15, %get3A_16] : memref<256x3072xbf16, #tpu.memory_space<vmem>>, vector<128x256xbf16>
    %dot_general3A_18 = arith.constant dense<0.000000e+00> : vector<800x256xf32>
    %dot_general3A_19 = tpu.matmul %convert_element_type3A, %get3A_17, %dot_general3A_18 {dimension_numbers = #tpu.dot_dimension_numbers<[1], [0], [0], [1], [0, 0, 1, 1], [], []>, transpose_lhs_hint = false} : vector<800x128xbf16>, vector<128x256xbf16>, vector<800x256xf32> -> vector<800x256xf32>
    %get3A_20 = arith.constant 128 : index
    %get3A_21 = arith.constant 256 : index
    %get3A_22 = vector.load %arg5[%get3A_20, %get3A_21] : memref<256x3072xbf16, #tpu.memory_space<vmem>>, vector<128x256xbf16>
    %dot_general3A_23 = arith.constant dense<0.000000e+00> : vector<800x256xf32>
    %dot_general3A_24 = tpu.matmul %convert_element_type3A_5, %get3A_22, %dot_general3A_23 {dimension_numbers = #tpu.dot_dimension_numbers<[1], [0], [0], [1], [0, 0, 1, 1], [], []>, transpose_lhs_hint = false} : vector<800x128xbf16>, vector<128x256xbf16>, vector<800x256xf32> -> vector<800x256xf32>
    %add3A_25 = arith.addf %dot_general3A_19, %dot_general3A_24 : vector<800x256xf32>
    %max3A = arith.maximumf %add3A, %add3A_25 : vector<800x256xf32>
    %get3A_26 = arith.constant 0 : index
    %get3A_27 = arith.constant 512 : index
    %get3A_28 = vector.load %arg5[%get3A_26, %get3A_27] : memref<256x3072xbf16, #tpu.memory_space<vmem>>, vector<128x256xbf16>
    %dot_general3A_29 = arith.constant dense<0.000000e+00> : vector<800x256xf32>
    %dot_general3A_30 = tpu.matmul %convert_element_type3A, %get3A_28, %dot_general3A_29 {dimension_numbers = #tpu.dot_dimension_numbers<[1], [0], [0], [1], [0, 0, 1, 1], [], []>, transpose_lhs_hint = false} : vector<800x128xbf16>, vector<128x256xbf16>, vector<800x256xf32> -> vector<800x256xf32>
    %get3A_31 = arith.constant 128 : index
    %get3A_32 = arith.constant 512 : index
    %get3A_33 = vector.load %arg5[%get3A_31, %get3A_32] : memref<256x3072xbf16, #tpu.memory_space<vmem>>, vector<128x256xbf16>
    %dot_general3A_34 = arith.constant dense<0.000000e+00> : vector<800x256xf32>
    %dot_general3A_35 = tpu.matmul %convert_element_type3A_5, %get3A_33, %dot_general3A_34 {dimension_numbers = #tpu.dot_dimension_numbers<[1], [0], [0], [1], [0, 0, 1, 1], [], []>, transpose_lhs_hint = false} : vector<800x128xbf16>, vector<128x256xbf16>, vector<800x256xf32> -> vector<800x256xf32>
    %add3A_36 = arith.addf %dot_general3A_30, %dot_general3A_35 : vector<800x256xf32>
    %max3A_37 = arith.maximumf %max3A, %add3A_36 : vector<800x256xf32>
    %get3A_38 = arith.constant 0 : index
    %get3A_39 = arith.constant 768 : index
    %get3A_40 = vector.load %arg5[%get3A_38, %get3A_39] : memref<256x3072xbf16, #tpu.memory_space<vmem>>, vector<128x256xbf16>
    %dot_general3A_41 = arith.constant dense<0.000000e+00> : vector<800x256xf32>
    %dot_general3A_42 = tpu.matmul %convert_element_type3A, %get3A_40, %dot_general3A_41 {dimension_numbers = #tpu.dot_dimension_numbers<[1], [0], [0], [1], [0, 0, 1, 1], [], []>, transpose_lhs_hint = false} : vector<800x128xbf16>, vector<128x256xbf16>, vector<800x256xf32> -> vector<800x256xf32>
    %get3A_43 = arith.constant 128 : index
    %get3A_44 = arith.constant 768 : index
    %get3A_45 = vector.load %arg5[%get3A_43, %get3A_44] : memref<256x3072xbf16, #tpu.memory_space<vmem>>, vector<128x256xbf16>
    %dot_general3A_46 = arith.constant dense<0.000000e+00> : vector<800x256xf32>
    %dot_general3A_47 = tpu.matmul %convert_element_type3A_5, %get3A_45, %dot_general3A_46 {dimension_numbers = #tpu.dot_dimension_numbers<[1], [0], [0], [1], [0, 0, 1, 1], [], []>, transpose_lhs_hint = false} : vector<800x128xbf16>, vector<128x256xbf16>, vector<800x256xf32> -> vector<800x256xf32>
    %add3A_48 = arith.addf %dot_general3A_42, %dot_general3A_47 : vector<800x256xf32>
    %max3A_49 = arith.maximumf %max3A_37, %add3A_48 : vector<800x256xf32>
    %slice3A = vector.extract_strided_slice %max3A_49 {offsets = [0, 0], sizes = [800, 128], strides = [1, 1]} : vector<800x256xf32> to vector<800x128xf32>
    %slice3A_50 = vector.extract_strided_slice %max3A_49 {offsets = [0, 128], sizes = [800, 128], strides = [1, 1]} : vector<800x256xf32> to vector<800x128xf32>
    %max3A_51 = arith.maximumf %slice3A, %slice3A_50 : vector<800x128xf32>
    %slice3A_52 = vector.extract_strided_slice %max3A_51 {offsets = [0, 0], sizes = [800, 64], strides = [1, 1]} : vector<800x128xf32> to vector<800x64xf32>
    %slice3A_53 = vector.extract_strided_slice %max3A_51 {offsets = [0, 64], sizes = [800, 64], strides = [1, 1]} : vector<800x128xf32> to vector<800x64xf32>
    %max3A_54 = arith.maximumf %slice3A_52, %slice3A_53 : vector<800x64xf32>
    %max3A_55 = arith.constant 0.000000e+00 : f32
    %max3A_56 = vector.broadcast %max3A_55 : f32 to vector<800x64xf32>
    %max3A_57 = arith.maximumf %max3A_54, %max3A_56 : vector<800x64xf32>
    %reshape3A = vector.shape_cast %max3A_57 : vector<800x64xf32> to vector<16x50x64xf32>
    %swap3A = arith.constant 0 : index
    %swap3A_58 = arith.constant 0 : index
    %swap3A_59 = arith.constant 128 : index
    %swap3A_60 = vector.load %arg6[%swap3A, %swap3A_58, %swap3A_59] : memref<16x50x320xf32, #tpu.memory_space<vmem>>, vector<16x50x64xf32>
    tpu.vector_store %arg6[%swap3A, %swap3A_58, %swap3A_59], %reshape3A {strides = array<i32>} : memref<16x50x320xf32, #tpu.memory_space<vmem>>, vector<16x50x64xf32>,
    %get3A_61 = arith.constant 0 : index
    %get3A_62 = arith.constant 1024 : index
    %get3A_63 = vector.load %arg5[%get3A_61, %get3A_62] : memref<256x3072xbf16, #tpu.memory_space<vmem>>, vector<128x256xbf16>
    %dot_general3A_64 = arith.constant dense<0.000000e+00> : vector<800x256xf32>
    %dot_general3A_65 = tpu.matmul %convert_element_type3A, %get3A_63, %dot_general3A_64 {dimension_numbers = #tpu.dot_dimension_numbers<[1], [0], [0], [1], [0, 0, 1, 1], [], []>, transpose_lhs_hint = false} : vector<800x128xbf16>, vector<128x256xbf16>, vector<800x256xf32> -> vector<800x256xf32>
    %get3A_66 = arith.constant 128 : index
    %get3A_67 = arith.constant 1024 : index
    %get3A_68 = vector.load %arg5[%get3A_66, %get3A_67] : memref<256x3072xbf16, #tpu.memory_space<vmem>>, vector<128x256xbf16>
    %dot_general3A_69 = arith.constant dense<0.000000e+00> : vector<800x256xf32>
    %dot_general3A_70 = tpu.matmul %convert_element_type3A_5, %get3A_68, %dot_general3A_69 {dimension_numbers = #tpu.dot_dimension_numbers<[1], [0], [0], [1], [0, 0, 1, 1], [], []>, transpose_lhs_hint = false} : vector<800x128xbf16>, vector<128x256xbf16>, vector<800x256xf32> -> vector<800x256xf32>
    %add3A_71 = arith.addf %dot_general3A_65, %dot_general3A_70 : vector<800x256xf32>
    %get3A_72 = arith.constant 0 : index
    %get3A_73 = arith.constant 1280 : index
    %get3A_74 = vector.load %arg5[%get3A_72, %get3A_73] : memref<256x3072xbf16, #tpu.memory_space<vmem>>, vector<128x256xbf16>
    %dot_general3A_75 = arith.constant dense<0.000000e+00> : vector<800x256xf32>
    %dot_general3A_76 = tpu.matmul %convert_element_type3A, %get3A_74, %dot_general3A_75 {dimension_numbers = #tpu.dot_dimension_numbers<[1], [0], [0], [1], [0, 0, 1, 1], [], []>, transpose_lhs_hint = false} : vector<800x128xbf16>, vector<128x256xbf16>, vector<800x256xf32> -> vector<800x256xf32>
    %get3A_77 = arith.constant 128 : index
    %get3A_78 = arith.constant 1280 : index
    %get3A_79 = vector.load %arg5[%get3A_77, %get3A_78] : memref<256x3072xbf16, #tpu.memory_space<vmem>>, vector<128x256xbf16>
    %dot_general3A_80 = arith.constant dense<0.000000e+00> : vector<800x256xf32>
    %dot_general3A_81 = tpu.matmul %convert_element_type3A_5, %get3A_79, %dot_general3A_80 {dimension_numbers = #tpu.dot_dimension_numbers<[1], [0], [0], [1], [0, 0, 1, 1], [], []>, transpose_lhs_hint = false} : vector<800x128xbf16>, vector<128x256xbf16>, vector<800x256xf32> -> vector<800x256xf32>
    %add3A_82 = arith.addf %dot_general3A_76, %dot_general3A_81 : vector<800x256xf32>
    %max3A_83 = arith.maximumf %add3A_71, %add3A_82 : vector<800x256xf32>
    %get3A_84 = arith.constant 0 : index
    %get3A_85 = arith.constant 1536 : index
    %get3A_86 = vector.load %arg5[%get3A_84, %get3A_85] : memref<256x3072xbf16, #tpu.memory_space<vmem>>, vector<128x256xbf16>
    %dot_general3A_87 = arith.constant dense<0.000000e+00> : vector<800x256xf32>
    %dot_general3A_88 = tpu.matmul %convert_element_type3A, %get3A_86, %dot_general3A_87 {dimension_numbers = #tpu.dot_dimension_numbers<[1], [0], [0], [1], [0, 0, 1, 1], [], []>, transpose_lhs_hint = false} : vector<800x128xbf16>, vector<128x256xbf16>, vector<800x256xf32> -> vector<800x256xf32>
    %get3A_89 = arith.constant 128 : index
    %get3A_90 = arith.constant 1536 : index
    %get3A_91 = vector.load %arg5[%get3A_89, %get3A_90] : memref<256x3072xbf16, #tpu.memory_space<vmem>>, vector<128x256xbf16>
    %dot_general3A_92 = arith.constant dense<0.000000e+00> : vector<800x256xf32>
    %dot_general3A_93 = tpu.matmul %convert_element_type3A_5, %get3A_91, %dot_general3A_92 {dimension_numbers = #tpu.dot_dimension_numbers<[1], [0], [0], [1], [0, 0, 1, 1], [], []>, transpose_lhs_hint = false} : vector<800x128xbf16>, vector<128x256xbf16>, vector<800x256xf32> -> vector<800x256xf32>
    %add3A_94 = arith.addf %dot_general3A_88, %dot_general3A_93 : vector<800x256xf32>
    %max3A_95 = arith.maximumf %max3A_83, %add3A_94 : vector<800x256xf32>
    %get3A_96 = arith.constant 0 : index
    %get3A_97 = arith.constant 1792 : index
    %get3A_98 = vector.load %arg5[%get3A_96, %get3A_97] : memref<256x3072xbf16, #tpu.memory_space<vmem>>, vector<128x256xbf16>
    %dot_general3A_99 = arith.constant dense<0.000000e+00> : vector<800x256xf32>
    %dot_general3A_100 = tpu.matmul %convert_element_type3A, %get3A_98, %dot_general3A_99 {dimension_numbers = #tpu.dot_dimension_numbers<[1], [0], [0], [1], [0, 0, 1, 1], [], []>, transpose_lhs_hint = false} : vector<800x128xbf16>, vector<128x256xbf16>, vector<800x256xf32> -> vector<800x256xf32>
    %get3A_101 = arith.constant 128 : index
    %get3A_102 = arith.constant 1792 : index
    %get3A_103 = vector.load %arg5[%get3A_101, %get3A_102] : memref<256x3072xbf16, #tpu.memory_space<vmem>>, vector<128x256xbf16>
    %dot_general3A_104 = arith.constant dense<0.000000e+00> : vector<800x256xf32>
    %dot_general3A_105 = tpu.matmul %convert_element_type3A_5, %get3A_103, %dot_general3A_104 {dimension_numbers = #tpu.dot_dimension_numbers<[1], [0], [0], [1], [0, 0, 1, 1], [], []>, transpose_lhs_hint = false} : vector<800x128xbf16>, vector<128x256xbf16>, vector<800x256xf32> -> vector<800x256xf32>
    %add3A_106 = arith.addf %dot_general3A_100, %dot_general3A_105 : vector<800x256xf32>
    %max3A_107 = arith.maximumf %max3A_95, %add3A_106 : vector<800x256xf32>
    %slice3A_108 = vector.extract_strided_slice %max3A_107 {offsets = [0, 0], sizes = [800, 128], strides = [1, 1]} : vector<800x256xf32> to vector<800x128xf32>
    %slice3A_109 = vector.extract_strided_slice %max3A_107 {offsets = [0, 128], sizes = [800, 128], strides = [1, 1]} : vector<800x256xf32> to vector<800x128xf32>
    %max3A_110 = arith.maximumf %slice3A_108, %slice3A_109 : vector<800x128xf32>
    %slice3A_111 = vector.extract_strided_slice %max3A_110 {offsets = [0, 0], sizes = [800, 64], strides = [1, 1]} : vector<800x128xf32> to vector<800x64xf32>
    %slice3A_112 = vector.extract_strided_slice %max3A_110 {offsets = [0, 64], sizes = [800, 64], strides = [1, 1]} : vector<800x128xf32> to vector<800x64xf32>
    %max3A_113 = arith.maximumf %slice3A_111, %slice3A_112 : vector<800x64xf32>
    %max3A_114 = arith.constant 0.000000e+00 : f32
    %max3A_115 = vector.broadcast %max3A_114 : f32 to vector<800x64xf32>
    %max3A_116 = arith.maximumf %max3A_113, %max3A_115 : vector<800x64xf32>
    %reshape3A_117 = vector.shape_cast %max3A_116 : vector<800x64xf32> to vector<16x50x64xf32>
    %swap3A_118 = arith.constant 0 : index
    %swap3A_119 = arith.constant 0 : index
    %swap3A_120 = arith.constant 192 : index
    %swap3A_121 = vector.load %arg6[%swap3A_118, %swap3A_119, %swap3A_120] : memref<16x50x320xf32, #tpu.memory_space<vmem>>, vector<16x50x64xf32>
    tpu.vector_store %arg6[%swap3A_118, %swap3A_119, %swap3A_120], %reshape3A_117 {strides = array<i32>} : memref<16x50x320xf32, #tpu.memory_space<vmem>>, vector<16x50x64xf32>,
    %get3A_122 = arith.constant 0 : index
    %get3A_123 = arith.constant 2048 : index
    %get3A_124 = vector.load %arg5[%get3A_122, %get3A_123] : memref<256x3072xbf16, #tpu.memory_space<vmem>>, vector<128x256xbf16>
    %dot_general3A_125 = arith.constant dense<0.000000e+00> : vector<800x256xf32>
    %dot_general3A_126 = tpu.matmul %convert_element_type3A, %get3A_124, %dot_general3A_125 {dimension_numbers = #tpu.dot_dimension_numbers<[1], [0], [0], [1], [0, 0, 1, 1], [], []>, transpose_lhs_hint = false} : vector<800x128xbf16>, vector<128x256xbf16>, vector<800x256xf32> -> vector<800x256xf32>
    %get3A_127 = arith.constant 128 : index
    %get3A_128 = arith.constant 2048 : index
    %get3A_129 = vector.load %arg5[%get3A_127, %get3A_128] : memref<256x3072xbf16, #tpu.memory_space<vmem>>, vector<128x256xbf16>
    %dot_general3A_130 = arith.constant dense<0.000000e+00> : vector<800x256xf32>
    %dot_general3A_131 = tpu.matmul %convert_element_type3A_5, %get3A_129, %dot_general3A_130 {dimension_numbers = #tpu.dot_dimension_numbers<[1], [0], [0], [1], [0, 0, 1, 1], [], []>, transpose_lhs_hint = false} : vector<800x128xbf16>, vector<128x256xbf16>, vector<800x256xf32> -> vector<800x256xf32>
    %add3A_132 = arith.addf %dot_general3A_126, %dot_general3A_131 : vector<800x256xf32>
    %get3A_133 = arith.constant 0 : index
    %get3A_134 = arith.constant 2304 : index
    %get3A_135 = vector.load %arg5[%get3A_133, %get3A_134] : memref<256x3072xbf16, #tpu.memory_space<vmem>>, vector<128x256xbf16>
    %dot_general3A_136 = arith.constant dense<0.000000e+00> : vector<800x256xf32>
    %dot_general3A_137 = tpu.matmul %convert_element_type3A, %get3A_135, %dot_general3A_136 {dimension_numbers = #tpu.dot_dimension_numbers<[1], [0], [0], [1], [0, 0, 1, 1], [], []>, transpose_lhs_hint = false} : vector<800x128xbf16>, vector<128x256xbf16>, vector<800x256xf32> -> vector<800x256xf32>
    %get3A_138 = arith.constant 128 : index
    %get3A_139 = arith.constant 2304 : index
    %get3A_140 = vector.load %arg5[%get3A_138, %get3A_139] : memref<256x3072xbf16, #tpu.memory_space<vmem>>, vector<128x256xbf16>
    %dot_general3A_141 = arith.constant dense<0.000000e+00> : vector<800x256xf32>
    %dot_general3A_142 = tpu.matmul %convert_element_type3A_5, %get3A_140, %dot_general3A_141 {dimension_numbers = #tpu.dot_dimension_numbers<[1], [0], [0], [1], [0, 0, 1, 1], [], []>, transpose_lhs_hint = false} : vector<800x128xbf16>, vector<128x256xbf16>, vector<800x256xf32> -> vector<800x256xf32>
    %add3A_143 = arith.addf %dot_general3A_137, %dot_general3A_142 : vector<800x256xf32>
    %max3A_144 = arith.maximumf %add3A_132, %add3A_143 : vector<800x256xf32>
    %get3A_145 = arith.constant 0 : index
    %get3A_146 = arith.constant 2560 : index
    %get3A_147 = vector.load %arg5[%get3A_145, %get3A_146] : memref<256x3072xbf16, #tpu.memory_space<vmem>>, vector<128x256xbf16>
    %dot_general3A_148 = arith.constant dense<0.000000e+00> : vector<800x256xf32>
    %dot_general3A_149 = tpu.matmul %convert_element_type3A, %get3A_147, %dot_general3A_148 {dimension_numbers = #tpu.dot_dimension_numbers<[1], [0], [0], [1], [0, 0, 1, 1], [], []>, transpose_lhs_hint = false} : vector<800x128xbf16>, vector<128x256xbf16>, vector<800x256xf32> -> vector<800x256xf32>
    %get3A_150 = arith.constant 128 : index
    %get3A_151 = arith.constant 2560 : index
    %get3A_152 = vector.load %arg5[%get3A_150, %get3A_151] : memref<256x3072xbf16, #tpu.memory_space<vmem>>, vector<128x256xbf16>
    %dot_general3A_153 = arith.constant dense<0.000000e+00> : vector<800x256xf32>
    %dot_general3A_154 = tpu.matmul %convert_element_type3A_5, %get3A_152, %dot_general3A_153 {dimension_numbers = #tpu.dot_dimension_numbers<[1], [0], [0], [1], [0, 0, 1, 1], [], []>, transpose_lhs_hint = false} : vector<800x128xbf16>, vector<128x256xbf16>, vector<800x256xf32> -> vector<800x256xf32>
    %add3A_155 = arith.addf %dot_general3A_149, %dot_general3A_154 : vector<800x256xf32>
    %max3A_156 = arith.maximumf %max3A_144, %add3A_155 : vector<800x256xf32>
    %get3A_157 = arith.constant 0 : index
    %get3A_158 = arith.constant 2816 : index
    %get3A_159 = vector.load %arg5[%get3A_157, %get3A_158] : memref<256x3072xbf16, #tpu.memory_space<vmem>>, vector<128x256xbf16>
    %dot_general3A_160 = arith.constant dense<0.000000e+00> : vector<800x256xf32>
    %dot_general3A_161 = tpu.matmul %convert_element_type3A, %get3A_159, %dot_general3A_160 {dimension_numbers = #tpu.dot_dimension_numbers<[1], [0], [0], [1], [0, 0, 1, 1], [], []>, transpose_lhs_hint = false} : vector<800x128xbf16>, vector<128x256xbf16>, vector<800x256xf32> -> vector<800x256xf32>
    %get3A_162 = arith.constant 128 : index
    %get3A_163 = arith.constant 2816 : index
    %get3A_164 = vector.load %arg5[%get3A_162, %get3A_163] : memref<256x3072xbf16, #tpu.memory_space<vmem>>, vector<128x256xbf16>
    %dot_general3A_165 = arith.constant dense<0.000000e+00> : vector<800x256xf32>
    %dot_general3A_166 = tpu.matmul %convert_element_type3A_5, %get3A_164, %dot_general3A_165 {dimension_numbers = #tpu.dot_dimension_numbers<[1], [0], [0], [1], [0, 0, 1, 1], [], []>, transpose_lhs_hint = false} : vector<800x128xbf16>, vector<128x256xbf16>, vector<800x256xf32> -> vector<800x256xf32>
    %add3A_167 = arith.addf %dot_general3A_161, %dot_general3A_166 : vector<800x256xf32>
    %max3A_168 = arith.maximumf %max3A_156, %add3A_167 : vector<800x256xf32>
    %slice3A_169 = vector.extract_strided_slice %max3A_168 {offsets = [0, 0], sizes = [800, 128], strides = [1, 1]} : vector<800x256xf32> to vector<800x128xf32>
    %slice3A_170 = vector.extract_strided_slice %max3A_168 {offsets = [0, 128], sizes = [800, 128], strides = [1, 1]} : vector<800x256xf32> to vector<800x128xf32>
    %max3A_171 = arith.maximumf %slice3A_169, %slice3A_170 : vector<800x128xf32>
    %slice3A_172 = vector.extract_strided_slice %max3A_171 {offsets = [0, 0], sizes = [800, 64], strides = [1, 1]} : vector<800x128xf32> to vector<800x64xf32>
    %slice3A_173 = vector.extract_strided_slice %max3A_171 {offsets = [0, 64], sizes = [800, 64], strides = [1, 1]} : vector<800x128xf32> to vector<800x64xf32>
    %max3A_174 = arith.maximumf %slice3A_172, %slice3A_173 : vector<800x64xf32>
    %max3A_175 = arith.constant 0.000000e+00 : f32
    %max3A_176 = vector.broadcast %max3A_175 : f32 to vector<800x64xf32>
    %max3A_177 = arith.maximumf %max3A_174, %max3A_176 : vector<800x64xf32>
    %reshape3A_178 = vector.shape_cast %max3A_177 : vector<800x64xf32> to vector<16x50x64xf32>
    %swap3A_179 = arith.constant 0 : index
    %swap3A_180 = arith.constant 0 : index
    %swap3A_181 = arith.constant 256 : index
    %swap3A_182 = vector.load %arg6[%swap3A_179, %swap3A_180, %swap3A_181] : memref<16x50x320xf32, #tpu.memory_space<vmem>>, vector<16x50x64xf32>
    tpu.vector_store %arg6[%swap3A_179, %swap3A_180, %swap3A_181], %reshape3A_178 {strides = array<i32>} : memref<16x50x320xf32, #tpu.memory_space<vmem>>, vector<16x50x64xf32>,
    %get3A_183 = arith.constant 0 : index
    %get3A_184 = arith.constant 0 : index
    %get3A_185 = vector.load %arg2[%get3A_183, %get3A_184] : memref<800x128xf32, #tpu.memory_space<vmem>>, vector<800x128xf32>
    %reshape3A_186 = vector.shape_cast %get3A_185 : vector<800x128xf32> to vector<16x50x128xf32>
    %swap3A_187 = arith.constant 0 : index
    %swap3A_188 = arith.constant 0 : index
    %swap3A_189 = arith.constant 0 : index
    %swap3A_190 = vector.load %arg6[%swap3A_187, %swap3A_188, %swap3A_189] : memref<16x50x320xf32, #tpu.memory_space<vmem>>, vector<16x50x128xf32>
    tpu.vector_store %arg6[%swap3A_187, %swap3A_188, %swap3A_189], %reshape3A_186 {strides = array<i32>} : memref<16x50x320xf32, #tpu.memory_space<vmem>>, vector<16x50x128xf32>,
    return
  }
  func.func @transform_0(%arg0: i32) -> (i32, i32, i32) {
    %c0_i32 = arith.constant 0 : i32
    %c0_i32_0 = arith.constant 0 : i32
    %c0_i32_1 = arith.constant 0 : i32
    %c0_i32_2 = arith.constant 0 : i32
    return %c0_i32, %c0_i32_0, %c0_i32_1 : i32, i32, i32
  }
  func.func @transform_1(%arg0: i32) -> (i32, i32) {
    %c0_i32 = arith.constant 0 : i32
    %c0_i32_0 = arith.constant 0 : i32
    return %arg0, %c0_i32 : i32, i32
  }
  func.func @transform_2(%arg0: i32) -> (i32, i32) {
    %c0_i32 = arith.constant 0 : i32
    %c0_i32_0 = arith.constant 0 : i32
    return %arg0, %c0_i32 : i32, i32
  }
  func.func @transform_3(%arg0: i32) -> (i32, i32) {
    %add3A = arith.constant 32 : i32
    %add3A_0 = arith.addi %add3A, %arg0 : i32
    %c0_i32 = arith.constant 0 : i32
    %c0_i32_1 = arith.constant 0 : i32
    return %add3A_0, %c0_i32 : i32, i32
  }
  func.func @transform_4(%arg0: i32) -> (i32, i32) {
    %c0_i32 = arith.constant 0 : i32
    %c0_i32_0 = arith.constant 0 : i32
    %c0_i32_1 = arith.constant 0 : i32
    return %c0_i32, %c0_i32_0 : i32, i32
  }
  func.func @transform_5(%arg0: i32) -> (i32, i32, i32) {
    %add3A = arith.constant 32 : i32
    %add3A_0 = arith.addi %add3A, %arg0 : i32
    %c0_i32 = arith.constant 0 : i32
    %c0_i32_1 = arith.constant 0 : i32
    %c0_i32_2 = arith.constant 0 : i32
    return %add3A_0, %c0_i32, %c0_i32_1 : i32, i32, i32
  }
}

</mosaic_0001>

<sc_bundles>
// kernel: kernel.6.cloned.1.call-start
scs
__scs_entry_jumppad:
0x0: {  	(pc) =	sbr.rel $0x88, $3  }
0x1: {  	(tag) =	ssettag $0x0;
	lr =	simm.s32 $0x1  }
0x2: {  	[smem:$0x3F9A] =	sst lr;
	_ =	strace $0xD0000000  }
0x3: {  	_ = 	snop  }
0x4: {  	_ = 	snop  }
0x5: {  	_ = 	snop  }
0x6: {  	_ = 	snop  }
0x7: {  	_ = 	snop  }
__scs_overlays_trampoline_lowered:
0x8: {  	[smem:$0x3FA9] =	sst s0  }
0x9: {  	[smem:$0x3FAA] =	sst s1  }
0xa: {  	[smem:$0x3FAB] =	sst s2  }
0xb: {  	[smem:$0x3FAC] =	sst s3  }
0xc: {  	[smem:$0x3FAD] =	sst s4  }
0xd: {  	[smem:$0x3FAE] =	sst s5  }
0xe: {  	[smem:$0x3FAF] =	sst s6  }
0xf: {  	[smem:$0x3FB0] =	sst s7  }
0x10: {  	[smem:$0x3FB1] =	sst s8  }
0x11: {  	[smem:$0x3FB2] =	sst s9;
	s0 =	simm.s32 @!p0 $0x0  }
0x12: {  	s1 =	sld [smem:$0x3F98];
	s0 =	simm.s32 @p0 $0x1  }
0x13: {  	[smem:$0x3FB3] =	sst s0;
	s0 =	simm.s32 @!p1 $0x0  }
0x14: {  	s2 =	sld [smem:$0x3F97];
	s0 =	simm.s32 @p1 $0x1  }
0x15: {  	[smem:$0x3FB4] =	sst s0;
	s0 =	simm.s32 @!p2 $0x0  }
0x16: {  	s3 =	sld [smem:$0x3FDB];
	s0 =	simm.s32 @p2 $0x1  }
0x17: {  	s4 =	simm.s32 $0x1BF5;
	[smem:$0x3FB6] =	sst s0  }
0x18: {  	s0 =	sld [smem:$0x3F99];
	_ =	swait.ge [sflag:s4], $0x0  }
0x19: {  	s7 =	sld [smem:$0x3F9A]  }
0x1a: {  	s8 =	sadd.s32 $0xFFFFE003, lr  }
0x1b: {  	s9 =	sadd.s32 $0xFFFFFEF7, lr;
	s5 =	simm.s32 $0xFFFFFFFF;
	p2 =	slt.u32 s8, $0xFFFFF086  }
0x1c: {  	p1 =	slt.u32 s9, $0xF7A;
	s5 =	simm.s32 @!p2 $0x0  }
0x1d: {  	s5 =	simm.s32 @p1 $0x1;
	p0 =	seq.s32 s7, s2  }
0x1e: {  	s7 =	smul.u32 @!p0 $0xF7A, s2;
	p2 =	seq.s32 @!p0 s5, $0x0  }
0x1f: {  	s9 =	smul.u32 $0xF7A, s1;
	s8 =	simm.s32 @!p0 $0x1BF5;
	p2 =	por !p2, p0  }
0x20: {  	[sflag:s8] =	ssyncset.s32 @!p0 $0xFFFFF086;
	s6 =	sadd.s32 @!p0 s3, s7;
	s7 =	simm.s32 @!p0 $0x108  }
0x21: {  	s3 =	sadd.s32 s3, s9;
	s6 =	sadd.s32 @!p0 $0x88, s6;
	s7 =	simm.s32 @p2 $0x1082  }
0x22: {  	[simem:s7], [sflag:s8] =	dma.local @!p0 [hbm:s6], $0xF7A  }
0x23: {  	s9 =	sor.u32 $0xD0000000, s2;
	s6 =	simm.s32 $0x108;
	_ =	swait.ge @!p0 [sflag:s8], $0x0  }
0x24: {  	s3 =	sadd.s32 $0x88, s3;
	s6 =	simm.s32 @!p1 $0x1082;
	[sflag:s4] =	ssyncset.s32 $0xFFFFF086  }
0x25: {  	[simem:s6], [sflag:s4] =	dma.local [hbm:s3], $0xF7A  }
0x26: {  	[smem:$0x3F9A] =	sst s1;
	(tag) =	ssettag s2;
	_ =	strace s9  }
0x27: {  	s1 =	sld [smem:$0x3FAA]  }
0x28: {  	s2 =	sld [smem:$0x3FAB]  }
0x29: {  	s4 =	sld [smem:$0x3FAD]  }
0x2a: {  	p0 =	seq.s32 s5, $0x0;
	s5 =	sld [smem:$0x3FAE]  }
0x2b: {  	s6 =	sld [smem:$0x3FAF]  }
0x2c: {  	s7 =	sld [smem:$0x3FB0]  }
0x2d: {  	s3 =	simm.s32 $0x108;
	s8 =	sld [smem:$0x3FB1]  }
0x2e: {  	s3 =	simm.s32 @!p0 $0x1082;
	s9 =	sld [smem:$0x3FB2]  }
0x2f: {  	lr =	sadd.s32 s0, s3;
	s0 =	sld [smem:$0x3FA9]  }
0x30: {  	s3 =	sld [smem:$0x3FAC]  }
0x31: {  	[smem:$0x3FB5] =	sst s10  }
0x32: {  	s10 =	sld [smem:$0x3FB3];
	_ =	sdelay $0x3  }
0x33: {  	p0 =	seq.s32 s10, $0x1;
	s10 =	sld [smem:$0x3FB5];
	_ =	sdelay $0x3  }
0x34: {  	[smem:$0x3FB5] =	sst s10  }
0x35: {  	s10 =	sld [smem:$0x3FB4];
	_ =	sdelay $0x3  }
0x36: {  	p1 =	seq.s32 s10, $0x1;
	s10 =	sld [smem:$0x3FB5];
	_ =	sdelay $0x3  }
0x37: {  	[smem:$0x3FB5] =	sst s10  }
0x38: {  	s10 =	sld [smem:$0x3FB6]  }
0x39: {  	_ = 	snop;
	(pc) =	sbr.ind lr, $3  }
0x3a: {  	_ = 	snop  }
0x3b: {  	_ = 	snop  }
0x3c: {  	p2 =	seq.s32 s10, $0x1;
	s10 =	sld [smem:$0x3FB5]  }
0x3d: {  	_ =	shalt  }
0x3e: {  	_ =	shalt  }
0x3f: {  	_ =	shalt  }
0x40: {  	_ =	shalt  }
0x41: {  	_ =	shalt  }
0x42: {  	_ =	shalt  }
0x43: {  	_ =	shalt  }
0x44: {  	_ =	shalt  }
0x45: {  	_ =	shalt  }
0x46: {  	_ =	shalt  }
0x47: {  	_ =	shalt  }
0x48: {  	_ =	shalt  }
0x49: {  	_ =	shalt  }
0x4a: {  	_ =	shalt  }
0x4b: {  	_ =	shalt  }
0x4c: {  	_ =	shalt  }
0x4d: {  	_ =	shalt  }
0x4e: {  	_ =	shalt  }
0x4f: {  	_ =	shalt  }
0x50: {  	_ =	shalt  }
0x51: {  	_ =	shalt  }
0x52: {  	_ =	shalt  }
0x53: {  	_ =	shalt  }
0x54: {  	_ =	shalt  }
0x55: {  	_ =	shalt  }
0x56: {  	_ =	shalt  }
0x57: {  	_ =	shalt  }
0x58: {  	_ =	shalt  }
0x59: {  	_ =	shalt  }
0x5a: {  	_ =	shalt  }
0x5b: {  	_ =	shalt  }
0x5c: {  	_ =	shalt  }
0x5d: {  	_ =	shalt  }
0x5e: {  	_ =	shalt  }
0x5f: {  	_ =	shalt  }
0x60: {  	_ =	shalt  }
0x61: {  	_ =	shalt  }
0x62: {  	_ =	shalt  }
0x63: {  	_ =	shalt  }
0x64: {  	_ =	shalt  }
0x65: {  	_ =	shalt  }
0x66: {  	_ =	shalt  }
0x67: {  	_ =	shalt  }
0x68: {  	_ =	shalt  }
0x69: {  	_ =	shalt  }
0x6a: {  	_ =	shalt  }
0x6b: {  	_ =	shalt  }
0x6c: {  	_ =	shalt  }
0x6d: {  	_ =	shalt  }
0x6e: {  	_ =	shalt  }
0x6f: {  	_ =	shalt  }
0x70: {  	_ =	shalt  }
0x71: {  	_ =	shalt  }
0x72: {  	_ =	shalt  }
0x73: {  	_ =	shalt  }
0x74: {  	_ =	shalt  }
0x75: {  	_ =	shalt  }
0x76: {  	_ =	shalt  }
0x77: {  	_ =	shalt  }
0x78: {  	_ =	shalt  }
0x79: {  	_ =	shalt  }
0x7a: {  	_ =	shalt  }
0x7b: {  	_ =	shalt  }
0x7c: {  	_ =	shalt  }
0x7d: {  	_ =	shalt  }
0x7e: {  	_ =	shalt  }
0x7f: {  	_ =	shalt  }
0x80: {  	_ =	shalt  }
0x81: {  	_ =	shalt  }
0x82: {  	_ =	shalt  }
0x83: {  	_ =	shalt  }
0x84: {  	_ =	shalt  }
0x85: {  	_ =	shalt  }
0x86: {  	_ =	shalt  }
0x87: {  	_ =	shalt  }
.Lfunc_end0:
.L_simem_size_0:
called_computation_lowered:
.L_overlay_start_0:
0x88: {  	s2 =	sld [smem:$0x3FD9]  }
0x89: {  	s3 =	sld [smem:$0x3FFE];
	_ =	sdelay $0x1  }
0x8a: {  	s1 =	srdreg.scid  }
0x8b: {  	s0 =	sand.u32 $0x1, s1  }
0x8c: {  	s17 =	sshll.u32 s0, $0xA;
	s2 =	sadd.s32 s3, s2  }
0x8d: {  	s2 =	sadd.s32 s2, s17  }
0x8e: {  	[smem:$0x3FC1] =	sst s2  }
0x8f: {  	_ = 	snop  }
0x90: {  	s2 =	sld [smem:$0x3FC7];
	(tm) =	ssettm $0x1  }
0x91: {  	s18 =	sld [smem:$0x3FFB];
	_ =	sdelay $0x3  }
0x92: {  	_ =	strace s18  }
0x93: {  	s3 =	sld [smem:$0x3FFC];
	_ =	sdelay $0x3  }
0x94: {  	_ =	strace s3  }
0x95: {  	s3 =	sld [smem:$0x3FFD];
	_ =	sdelay $0x3  }
0x96: {  	_ =	strace s3  }
0x97: {  	_ =	strace $0x8FFFFFFF  }
0x98: {  	s19 =	sld [smem:$0x3FDB];
	_ =	sdelay $0x1  }
0x99: {  	s4 =	simm.s32 $_scs_section_size  }
0x9a: {  	s5 =	simm.s32 $_size__tile_overlayer_lowered;
	s6 =	simm.s32 $_tile_overlayer_lowered  }
0x9b: {  	s22 =	simm.s32 $0x1BFF;
	s21 =	sshll.u32 s6, $0x1;
	s3 =	sadd.s32 s4, s19  }
0x9c: {  	s7 =	simm.s32 $0x0;
	s20 =	sshll.u32 s5, $0x1;
	s5 =	sadd.s32 s21, s3  }
0x9d: {  	[timem:s7], [sflag:s22] =	dma.local [hbm:s5], s20  }
0x9e: {  	_ =	swait.ge [sflag:s22], s20  }
0x9f: {  	s4 =	ssub.s32 $0x0, s20;
	[sflag:s22] =	ssyncset.done $0x0  }
0xa0: {  	[sflag:s22] =	ssyncadd.s32 s4;
	_ =	sdelay $0x1  }
0xa1: {  	s23 =	simm.s32 $0x1B8B  }
0xa2: {  	_ =	swait.ge [sflag:s23], $0x1  }
0xa3: {  	[sflag:s23] =	ssyncset.done $0x0  }
0xa4: {  	s25 =	simm.s32 $0x1B8E;
	s24 =	sld [smem:$0x3FFE];
	[sflag:s23] =	ssyncadd.s32 $0xFFFFFFFF  }
0xa5: {  	s26 =	simm.s32 $execute0_lowered;
	[smem:$0x3FD2] =	sst s25  }
0xa6: {  	s5 =	sshll.u32 s26, $0x1;
	_ =	strace $0x80000046;
	[dreg:$0x1] =	wrdreg $0xFFFFFFFF  }
0xa7: {  	s28 =	simm.s32 $_size_execute0_lowered;
	s3 =	sadd.s32 s3, s5;
	[dreg:$0x0] =	wrdreg $0x0  }
0xa8: {  	s5 =	sshll.u32 s28, $0x1;
	[dreg:$0x2] =	wrdreg s3  }
0xa9: {  	[dreg:$0x3] =	wrdreg s5  }
0xaa: {  	[dreg:$0x4] =	wrdreg $0xC0  }
0xab: {  	_ =	task [dreg:s7], $0x5FFFF  }
0xac: {  	[dreg:$0x1] =	wrdreg $0xFFFFFFFF  }
0xad: {  	[dreg:$0x0] =	wrdreg $0x60  }
0xae: {  	[dreg:$0x2] =	wrdreg s24  }
0xaf: {  	[dreg:$0x3] =	wrdreg s2  }
0xb0: {  	[dreg:$0x4] =	wrdreg $0x9  }
0xb1: {  	_ =	task.clear_ibuf [dreg:s7], $0x5FFFF;
	_ =	strace $0x90000046  }
0xb2: {  	s29 =	simm.s32 $0x9;
	_ =	strace $0x80000048  }
0xb3: {  	_ =	swait.ge [sflag:s29], $0x1  }
0xb4: {  	[sflag:s29] =	ssyncadd.s32 $0xFFFFFFFF  }
0xb5: {  	_ =	strace $0x90000048  }
0xb6: {  	_ =	sfence  }
0xb7: {  	s30 =	sld [smem:$0x0];
	_ =	sdelay $0x2  }
0xb8: {  	s31 =	sshll.u32 s1, $0xD;
	s1 =	sshrl.u32 s1, $0x2  }
0xb9: {  	s3 =	sand.u32 $0x4000, s31;
	s1 =	sadd.s32 s1, s30  }
0xba: {  	s0 =	sor.u32 s3, s0;
	s1 =	sshll.u32 s1, $0x11  }
0xbb: {  	s0 =	sor.u32 s1, s0  }
0xbc: {  	s0 =	sadd.s32 $0x8F2B, s0  }
0xbd: {  	[sflag:s0] =	ssyncadd.remote.s32 $0x1  }
0xbe: {  	_ =	sfence.sel $0xFFFF  }
0xbf: {  	[dreg:$0x0] =	wrdreg $0xFFFFFFFF;
	(pc) =	sbr.abs _section_cstart, $3  }
0xc0: {  	[dreg:$0x1] =	wrdreg $0xFFFFFFFF  }
0xc1: {  	_ =	task.clear_ibuf [dreg:s7], $0x2FFFF;
	_ =	strace $0x9FFFFFFF  }
0xc2: {  	(tm) =	ssettm $0x7FFFFFFF  }
0xc3: {  	_ =	shalt  }
tec
execute0_lowered:
.L_overlay_start_1:
0x0: {  	(tag) =	ssettag $0x1  }
0x1: {  	s0 =	srdreg.scid  }
0x2: {  	s2 =	stileid.u32;
	s1 =	rddreg [dreg:$0x0]  }
0x3: {  	s21 =	simm.s32 $0x5380;
	s22 =	simm.s32 $0x3;
	s28 =	simm.s32 $0x1  }
0x4: {  	s30 =	simm.s32 $0x2;
	s0 =	sand.u32 $0x1, s0;
	s3 =	sshll.u32 s2, $0x1  }
0x5: {  	s29 =	simm.s32 $0x0;
	s2 =	rddreg [dreg:$0x1];
	s5 =	sor.u32 s0, s3  }
0x6: {  	s23 =	sadd.s32 $0x1E00, s1;
	s3 =	simm.s32 $0x0;
	s4 =	smul.u32 $0x320, s5  }
0x7: {  	s0 =	ssub.s32 $0x2, s0;
	[smem:$0x7FF] =	sst s3;
	s7 =	smul.u32 $0x640, s5  }
0x8: {  	s5 =	smul.u32 $0x3200, s5;
	s9 =	sshrl.u32 s0, $0x1;
	_ =	strace $0x80000047  }
0x9: {  	[dreg:$0x3] =	wrdreg s23;
	s0 =	ssub.s32 s0, s9;
	s9 =	sadd.s32 $0xD7600, s1  }
0xa: {  	s23 =	simm.s32 $0xF980;
	s6 =	sshrl.u32 s4, $0x3;
	s7 =	sadd.s32 s7, s1  }
0xb: {  	s5 =	sadd.s32 s5, s1;
	s0 =	smax.u32 s0, $0x1;
	s8 =	sadd.s32 s6, s1  }
0xc: {  	s6 =	sadd.s32 $0x73600, s1;
	s7 =	sadd.s32 $0x2E00, s7;
	[dreg:$0x6] =	wrdreg s0  }
0xd: {  	s24 =	sadd.s32 $0xF600, s5;
	s25 =	sadd.s32 $0xFB00, s5;
	s26 =	sadd.s32 $0x10000, s5  }
0xe: {  	s31 =	sadd.s32 $0x10500, s5;
	s15 =	sadd.s32 $0x10A00, s5;
	[dreg:$0x5] =	wrdreg s7  }
0xf: {  	s16 =	sadd.s32 $0x10F00, s5;
	s17 =	sadd.s32 $0x11400, s5;
	[dreg:$0x7] =	wrdreg s24  }
0x10: {  	s18 =	sadd.s32 $0x11900, s5;
	s19 =	sadd.s32 $0x11E00, s5;
	[dreg:$0x8] =	wrdreg s25  }
0x11: {  	s20 =	sadd.s32 $0x12300, s5;
	s0 =	simm.s32 $0x9580;
	[dreg:$0x9] =	wrdreg s26  }
0x12: {  	s8 =	sadd.s32 $0x2000, s8;
	[dreg:$0xa] =	wrdreg s31;
	s24 =	simm.s32 $0x50  }
0x13: {  	s25 =	simm.s32 $0x380;
	s26 =	simm.s32 $0x2B80;
	[dreg:$0x4] =	wrdreg s8  }
.LBB2_1:
0x14: {  	s1 =	rddreg [dreg:$0x3]  }
0x15: {  	[tilespmem:s21], [sflag:$0x3] =	stream.linear.gather [hbm4b:s1+s3], $0x1000, $0x38;
	[tilespmem:$0x15D80] =	vst v63  }
0x16: {  	_ =	swait.ge [sflag:s22], $0x1000  }
0x17: {  	[sflag:s22] =	ssyncset.done $0x0  }
0x18: {  	s8 =	rddreg [dreg:$0x4];
	[sflag:s22] =	ssyncadd.s32 $0xFFFFF000  }
0x19: {  	[tilespmem:s3], [sflag:$0x3] =	stream.linear.gather [hbm4b:s8+s3], $0x320, $0x38;
	[tilespmem:$0x15D80] =	vst v63  }
0x1a: {  	_ =	swait.ge [sflag:s22], $0x320  }
0x1b: {  	[sflag:s22] =	ssyncset.done $0x0  }
0x1c: {  	s5 =	simm.s32 $0x6380;
	s10 =	rddreg [dreg:$0x5];
	[sflag:s22] =	ssyncadd.s32 $0xFFFFFCE0  }
0x1d: {  	[tilespmem:s5], [sflag:$0x3] =	stream.linear.gather [hbm4b:s10+s3], $0x3200, $0x38;
	[tilespmem:$0x15D80] =	vst v63  }
0x1e: {  	_ =	swait.ge [sflag:s22], $0x3200  }
0x1f: {  	[sflag:s22] =	ssyncset.done $0x0  }
0x20: {  	[sflag:s22] =	ssyncadd.s32 $0xFFFFCE00  }
0x21: {  	[tilespmem:s25], [sflag:$0x1] =	stream.indirect.gather [hbm4b:s2+s24], $0x80, s3, s24, $0xb8;
	[tilespmem:$0x15D80] =	vst v63  }
0x22: {  	_ = 	snop  }
0x23: {  	[tilespmem:s26], [sflag:$0x2] =	stream.indirect.gather [hbm4b:s2+s24], $0x80, s24, s24, $0xb8;
	[tilespmem:$0x15D80] =	vst v63  }
0x24: {  	_ =	swait.ge [sflag:s28], $0x2800  }
0x25: {  	[sflag:s28] =	ssyncset.done $0x0  }
0x26: {  	s11 =	rddreg [dreg:$0x7];
	[sflag:s28] =	ssyncadd.s32 $0xFFFFD800  }
0x27: {  	[hbm4b:s11+s3] =	stream.linear.scatter [tilespmem:s25], [sflag:$0x3], $0x2800, $0x38;
	[tilespmem:$0x15D80] =	vst v63  }
0x28: {  	_ =	swait.ge [sflag:s22], $0x2800  }
0x29: {  	[sflag:s22] =	ssyncset.done $0x0  }
0x2a: {  	s12 =	simm.s32 $0xA0;
	[sflag:s22] =	ssyncadd.s32 $0xFFFFD800  }
0x2b: {  	[tilespmem:s25], [sflag:$0x1] =	stream.indirect.gather [hbm4b:s2+s24], $0x80, s12, s24, $0xb8;
	[tilespmem:$0x15D80] =	vst v63  }
0x2c: {  	_ =	swait.ge [sflag:s30], $0x2800  }
0x2d: {  	[sflag:s30] =	ssyncset.done $0x0  }
0x2e: {  	s13 =	rddreg [dreg:$0x8];
	[sflag:s30] =	ssyncadd.s32 $0xFFFFD800  }
0x2f: {  	[hbm4b:s13+s3] =	stream.linear.scatter [tilespmem:s26], [sflag:$0x3], $0x2800, $0x38;
	[tilespmem:$0x15D80] =	vst v63  }
0x30: {  	_ =	swait.ge [sflag:s22], $0x2800  }
0x31: {  	[sflag:s22] =	ssyncset.done $0x0  }
0x32: {  	s14 =	simm.s32 $0xF0;
	[sflag:s22] =	ssyncadd.s32 $0xFFFFD800  }
0x33: {  	[tilespmem:s26], [sflag:$0x2] =	stream.indirect.gather [hbm4b:s2+s24], $0x80, s14, s24, $0xb8;
	[tilespmem:$0x15D80] =	vst v63  }
0x34: {  	_ =	swait.ge [sflag:s28], $0x2800  }
0x35: {  	[sflag:s28] =	ssyncset.done $0x0  }
0x36: {  	s5 =	rddreg [dreg:$0x9];
	[sflag:s28] =	ssyncadd.s32 $0xFFFFD800  }
0x37: {  	[hbm4b:s5+s3] =	stream.linear.scatter [tilespmem:s25], [sflag:$0x3], $0x2800, $0x38;
	[tilespmem:$0x15D80] =	vst v63  }
0x38: {  	_ =	swait.ge [sflag:s22], $0x2800  }
0x39: {  	[sflag:s22] =	ssyncset.done $0x0  }
0x3a: {  	s7 =	simm.s32 $0x140;
	[sflag:s22] =	ssyncadd.s32 $0xFFFFD800  }
0x3b: {  	[tilespmem:s25], [sflag:$0x1] =	stream.indirect.gather [hbm4b:s2+s24], $0x80, s7, s24, $0xb8;
	[tilespmem:$0x15D80] =	vst v63  }
0x3c: {  	_ =	swait.ge [sflag:s30], $0x2800  }
0x3d: {  	[sflag:s30] =	ssyncset.done $0x0  }
0x3e: {  	s8 =	rddreg [dreg:$0xa];
	[sflag:s30] =	ssyncadd.s32 $0xFFFFD800  }
0x3f: {  	[hbm4b:s8+s3] =	stream.linear.scatter [tilespmem:s26], [sflag:$0x3], $0x2800, $0x38;
	[tilespmem:$0x15D80] =	vst v63  }
0x40: {  	_ =	swait.ge [sflag:s22], $0x2800  }
0x41: {  	[sflag:s22] =	ssyncset.done $0x0  }
0x42: {  	s10 =	simm.s32 $0x190;
	[sflag:s22] =	ssyncadd.s32 $0xFFFFD800  }
0x43: {  	[tilespmem:s26], [sflag:$0x2] =	stream.indirect.gather [hbm4b:s2+s24], $0x80, s10, s24, $0xb8;
	[tilespmem:$0x15D80] =	vst v63  }
0x44: {  	_ =	swait.ge [sflag:s28], $0x2800  }
0x45: {  	[sflag:s28] =	ssyncset.done $0x0  }
0x46: {  	[sflag:s28] =	ssyncadd.s32 $0xFFFFD800  }
0x47: {  	[hbm4b:s15+s3] =	stream.linear.scatter [tilespmem:s25], [sflag:$0x3], $0x2800, $0x38;
	[tilespmem:$0x15D80] =	vst v63  }
0x48: {  	_ =	swait.ge [sflag:s22], $0x2800  }
0x49: {  	[sflag:s22] =	ssyncset.done $0x0  }
0x4a: {  	s11 =	simm.s32 $0x1E0;
	[sflag:s22] =	ssyncadd.s32 $0xFFFFD800  }
0x4b: {  	[tilespmem:s25], [sflag:$0x1] =	stream.indirect.gather [hbm4b:s2+s24], $0x80, s11, s24, $0xb8;
	[tilespmem:$0x15D80] =	vst v63  }
0x4c: {  	_ =	swait.ge [sflag:s30], $0x2800  }
0x4d: {  	[sflag:s30] =	ssyncset.done $0x0  }
0x4e: {  	[sflag:s30] =	ssyncadd.s32 $0xFFFFD800  }
0x4f: {  	[hbm4b:s16+s3] =	stream.linear.scatter [tilespmem:s26], [sflag:$0x3], $0x2800, $0x38;
	[tilespmem:$0x15D80] =	vst v63  }
0x50: {  	_ =	swait.ge [sflag:s22], $0x2800  }
0x51: {  	[sflag:s22] =	ssyncset.done $0x0  }
0x52: {  	s12 =	simm.s32 $0x230;
	[sflag:s22] =	ssyncadd.s32 $0xFFFFD800  }
0x53: {  	[tilespmem:s26], [sflag:$0x2] =	stream.indirect.gather [hbm4b:s2+s24], $0x80, s12, s24, $0xb8;
	[tilespmem:$0x15D80] =	vst v63  }
0x54: {  	_ =	swait.ge [sflag:s28], $0x2800  }
0x55: {  	[sflag:s28] =	ssyncset.done $0x0  }
0x56: {  	[sflag:s28] =	ssyncadd.s32 $0xFFFFD800  }
0x57: {  	[hbm4b:s17+s3] =	stream.linear.scatter [tilespmem:s25], [sflag:$0x3], $0x2800, $0x38;
	[tilespmem:$0x15D80] =	vst v63  }
0x58: {  	_ =	swait.ge [sflag:s22], $0x2800  }
0x59: {  	[sflag:s22] =	ssyncset.done $0x0  }
0x5a: {  	s13 =	simm.s32 $0x280;
	[sflag:s22] =	ssyncadd.s32 $0xFFFFD800  }
0x5b: {  	[tilespmem:s25], [sflag:$0x1] =	stream.indirect.gather [hbm4b:s2+s24], $0x80, s13, s24, $0xb8;
	[tilespmem:$0x15D80] =	vst v63  }
0x5c: {  	_ =	swait.ge [sflag:s30], $0x2800  }
0x5d: {  	[sflag:s30] =	ssyncset.done $0x0  }
0x5e: {  	[sflag:s30] =	ssyncadd.s32 $0xFFFFD800  }
0x5f: {  	[hbm4b:s18+s3] =	stream.linear.scatter [tilespmem:s26], [sflag:$0x3], $0x2800, $0x38;
	[tilespmem:$0x15D80] =	vst v63  }
0x60: {  	_ =	swait.ge [sflag:s22], $0x2800  }
0x61: {  	[sflag:s22] =	ssyncset.done $0x0  }
0x62: {  	s14 =	simm.s32 $0x2D0;
	[sflag:s22] =	ssyncadd.s32 $0xFFFFD800  }
0x63: {  	[tilespmem:s26], [sflag:$0x2] =	stream.indirect.gather [hbm4b:s2+s24], $0x80, s14, s24, $0xb8;
	[tilespmem:$0x15D80] =	vst v63  }
0x64: {  	_ =	swait.ge [sflag:s28], $0x2800  }
0x65: {  	[sflag:s28] =	ssyncset.done $0x0  }
0x66: {  	[sflag:s28] =	ssyncadd.s32 $0xFFFFD800  }
0x67: {  	[hbm4b:s19+s3] =	stream.linear.scatter [tilespmem:s25], [sflag:$0x3], $0x2800, $0x38;
	[tilespmem:$0x15D80] =	vst v63  }
0x68: {  	_ =	swait.ge [sflag:s22], $0x2800  }
0x69: {  	[sflag:s22] =	ssyncset.done $0x0  }
0x6a: {  	[sflag:s22] =	ssyncadd.s32 $0xFFFFD800  }
0x6b: {  	_ =	swait.ge [sflag:s30], $0x2800  }
0x6c: {  	[sflag:s30] =	ssyncset.done $0x0  }
0x6d: {  	[sflag:s30] =	ssyncadd.s32 $0xFFFFD800  }
0x6e: {  	[hbm4b:s20+s3] =	stream.linear.scatter [tilespmem:s26], [sflag:$0x3], $0x2800, $0x38;
	[tilespmem:$0x15D80] =	vst v63  }
0x6f: {  	_ =	swait.ge [sflag:s22], $0x2800  }
0x70: {  	[sflag:s22] =	ssyncset.done $0x0  }
0x71: {  	s31 =	simm.s32 $0x6390;
	s1 =	simm.s32 $0x0;
	[sflag:s22] =	ssyncadd.s32 $0xFFFFD800  }
.LBB2_2:
0x72: {  	v4 =	vld [tilespmem:s31+$0x0];
	_ =	sdelay $0x3  }
0x73: {  	v3 =	vld [tilespmem:s31+$0xFFFFFFF0];
	_ =	sdelay $0x3  }
0x74: {  	v0 =	vld.idx.msk [tilespmem:v4+s21+$0x0], $0xffff  }
0x75: {  	v1 =	vadd.s32 $0x1, v4;
	_ =	sdelay $0x2  }
0x76: {  	s7 =	simm.s32 $0x9600;
	v2 =	vld.idx.msk [tilespmem:v3+s21+$0x0], $0xffff  }
0x77: {  	v5 =	vadd.s32 $0x1, v3;
	[tilespmem:s7+$0x0] =	vst v0  }
0x78: {  	v0 =	vld.idx.msk [tilespmem:v1+s21+$0x0], $0xffff  }
0x79: {  	v1 =	vadd.s32 $0x2, v4;
	_ =	sdelay $0x1  }
0x7a: {  	[tilespmem:s7+$0xFFFFFF80] =	vst v2  }
0x7b: {  	v2 =	vld.idx.msk [tilespmem:v5+s21+$0x0], $0xffff  }
0x7c: {  	v5 =	vadd.s32 $0x2, v3;
	[tilespmem:s7+$0x10] =	vst v0  }
0x7d: {  	v0 =	vld.idx.msk [tilespmem:v1+s21+$0x0], $0xffff  }
0x7e: {  	v1 =	vadd.s32 $0x3, v4;
	_ =	sdelay $0x1  }
0x7f: {  	[tilespmem:s7+$0xFFFFFF90] =	vst v2  }
0x80: {  	v6 =	vld.idx.msk [tilespmem:v5+s21+$0x0], $0xffff  }
0x81: {  	v7 =	vadd.s32 $0x3, v3;
	[tilespmem:s7+$0x20] =	vst v0  }
0x82: {  	v1 =	vld.idx.msk [tilespmem:v1+s21+$0x0], $0xffff  }
0x83: {  	v2 =	vadd.s32 $0x4, v4  }
0x84: {  	s5 =	sadd.s32 $0x20, s31  }
0x85: {  	v0 =	vld [tilespmem:s5+$0x0];
	[tilespmem:s7+$0xFFFFFFA0] =	vst v6  }
0x86: {  	v6 =	vld.idx.msk [tilespmem:v7+s21+$0x0], $0xffff  }
0x87: {  	v7 =	vadd.s32 $0x4, v3;
	[tilespmem:s7+$0x30] =	vst v1  }
0x88: {  	v1 =	vld.idx.msk [tilespmem:v2+s21+$0x0], $0xffff  }
0x89: {  	v5 =	vld [tilespmem:s5+$0xFFFFFFF0];
	v2 =	vadd.s32 $0x5, v4;
	_ =	sdelay $0x1  }
0x8a: {  	[tilespmem:s7+$0xFFFFFFB0] =	vst v6  }
0x8b: {  	v7 =	vld.idx.msk [tilespmem:v7+s21+$0x0], $0xffff  }
0x8c: {  	v11 =	vadd.s32 $0x5, v3;
	v8 =	vld.idx.msk [tilespmem:v0+s21+$0x0], $0xffff;
	[tilespmem:s7+$0x40] =	vst v1  }
0x8d: {  	v1 =	vld.idx.msk [tilespmem:v2+s21+$0x0], $0xffff;
	v2 =	vadd.s32 $0x1, v0;
	_ =	sdelay $0x1  }
0x8e: {  	v9 =	vadd.s32 $0x6, v4  }
0x8f: {  	s8 =	simm.s32 $0x9700;
	v10 =	vld.idx.msk [tilespmem:v5+s21+$0x0], $0xffff;
	[tilespmem:s7+$0xFFFFFFC0] =	vst v7  }
0x90: {  	v6 =	vadd.s32 $0x1, v5;
	[tilespmem:s8+$0x0] =	vst v8;
	v7 =	vld.idx.msk [tilespmem:v11+s21+$0x0], $0xffff  }
0x91: {  	v11 =	vadd.s32 $0x6, v3;
	v2 =	vld.idx.msk [tilespmem:v2+s21+$0x0], $0xffff  }
0x92: {  	v8 =	vadd.s32 $0x2, v0;
	[tilespmem:s7+$0x50] =	vst v1  }
0x93: {  	v1 =	vld.idx.msk [tilespmem:v9+s21+$0x0], $0xffff  }
0x94: {  	[tilespmem:s8+$0xFFFFFF80] =	vst v10;
	v9 =	vadd.s32 $0x7, v4  }
0x95: {  	v6 =	vld.idx.msk [tilespmem:v6+s21+$0x0], $0xffff;
	[tilespmem:s7+$0xFFFFFFD0] =	vst v7  }
0x96: {  	v10 =	vadd.s32 $0x2, v5;
	v7 =	vld.idx.msk [tilespmem:v11+s21+$0x0], $0xffff;
	[tilespmem:s8+$0x10] =	vst v2  }
0x97: {  	v11 =	vadd.s32 $0x7, v3;
	v2 =	vld.idx.msk [tilespmem:v8+s21+$0x0], $0xffff  }
0x98: {  	[tilespmem:s7+$0x60] =	vst v1;
	v8 =	vadd.s32 $0x3, v0  }
0x99: {  	v1 =	vld.idx.msk [tilespmem:v9+s21+$0x0], $0xffff  }
0x9a: {  	[tilespmem:s8+$0xFFFFFF90] =	vst v6;
	v6 =	vadd.s32 $0x8, v4  }
0x9b: {  	[tilespmem:s7+$0xFFFFFFE0] =	vst v7;
	v9 =	vld.idx.msk [tilespmem:v10+s21+$0x0], $0xffff  }
0x9c: {  	v10 =	vadd.s32 $0x3, v5;
	v11 =	vld.idx.msk [tilespmem:v11+s21+$0x0], $0xffff;
	[tilespmem:s8+$0x20] =	vst v2  }
0x9d: {  	s11 =	sadd.s32 $0x20, s5;
	v2 =	vld.idx.msk [tilespmem:v8+s21+$0x0], $0xffff  }
0x9e: {  	v12 =	vadd.s32 $0x4, v0;
	[tilespmem:s7+$0x70] =	vst v1;
	v1 =	vld [tilespmem:s11+$0x0]  }
0x9f: {  	v13 =	vadd.s32 $0x8, v3;
	v6 =	vld.idx.msk [tilespmem:v6+s21+$0x0], $0xffff  }
0xa0: {  	[tilespmem:s8+$0xFFFFFFA0] =	vst v9;
	v9 =	vadd.s32 $0x9, v4;
	v8 =	vld [tilespmem:s11+$0xFFFFFFF0]  }
0xa1: {  	v10 =	vld.idx.msk [tilespmem:v10+s21+$0x0], $0xffff  }
0xa2: {  	v7 =	vadd.s32 $0x4, v5;
	[tilespmem:s8+$0x30] =	vst v2  }
0xa3: {  	s5 =	simm.s32 $0xFA00;
	[tilespmem:s7+$0xFFFFFFF0] =	vst v11;
	v2 =	vld.idx.msk [tilespmem:v12+s21+$0x0], $0xffff  }
0xa4: {  	[tilespmem:s5+$0x0] =	vst v6;
	v12 =	vld.idx.msk [tilespmem:v13+s21+$0x0], $0xffff  }
0xa5: {  	v6 =	vld.idx.msk [tilespmem:v9+s21+$0x0], $0xffff;
	v9 =	vadd.s32 $0x5, v0  }
0xa6: {  	[tilespmem:s8+$0xFFFFFFB0] =	vst v10;
	v13 =	vadd.s32 $0x9, v3  }
0xa7: {  	v10 =	vadd.s32 $0xA, v4;
	v7 =	vld.idx.msk [tilespmem:v7+s21+$0x0], $0xffff  }
0xa8: {  	v11 =	vadd.s32 $0x5, v5;
	v15 =	vld.idx.msk [tilespmem:v8+s21+$0x0], $0xffff;
	[tilespmem:s8+$0x40] =	vst v2  }
0xa9: {  	v16 =	vadd.s32 $0x1, v8;
	v14 =	vld.idx.msk [tilespmem:v1+s21+$0x0], $0xffff;
	[tilespmem:s5+$0xFFFFFF80] =	vst v12  }
0xaa: {  	v2 =	vld.idx.msk [tilespmem:v9+s21+$0x0], $0xffff;
	[tilespmem:s5+$0x10] =	vst v6;
	v6 =	vadd.s32 $0x1, v1  }
0xab: {  	v13 =	vld.idx.msk [tilespmem:v13+s21+$0x0], $0xffff  }
0xac: {  	s10 =	simm.s32 $0x9800;
	[tilespmem:s8+$0xFFFFFFC0] =	vst v7;
	v9 =	vld.idx.msk [tilespmem:v10+s21+$0x0], $0xffff;
	v10 =	vadd.s32 $0x6, v0  }
0xad: {  	v7 =	vadd.s32 $0xB, v4;
	v11 =	vld.idx.msk [tilespmem:v11+s21+$0x0], $0xffff;
	[tilespmem:s10+$0xFFFFFF80] =	vst v15  }
0xae: {  	v12 =	vadd.s32 $0x6, v5;
	[tilespmem:s10+$0x0] =	vst v14;
	v15 =	vld.idx.msk [tilespmem:v16+s21+$0x0], $0xffff  }
0xaf: {  	s12 =	sadd.s32 $0x20, s11;
	v14 =	vadd.s32 $0xA, v3;
	v6 =	vld.idx.msk [tilespmem:v6+s21+$0x0], $0xffff;
	[tilespmem:s8+$0x50] =	vst v2  }
0xb0: {  	v28 =	vld [tilespmem:s12+$0xFFFFFFF0];
	v16 =	vadd.s32 $0x2, v8;
	[tilespmem:s5+$0xFFFFFF90] =	vst v13  }
0xb1: {  	v2 =	vld.idx.msk [tilespmem:v10+s21+$0x0], $0xffff;
	[tilespmem:s5+$0x20] =	vst v9;
	v9 =	vadd.s32 $0x2, v1  }
0xb2: {  	v10 =	vadd.s32 $0x7, v0;
	[tilespmem:s8+$0xFFFFFFD0] =	vst v11;
	v7 =	vld.idx.msk [tilespmem:v7+s21+$0x0], $0xffff  }
0xb3: {  	v11 =	vadd.s32 $0xC, v4;
	v12 =	vld.idx.msk [tilespmem:v12+s21+$0x0], $0xffff;
	[tilespmem:s10+$0xFFFFFF90] =	vst v15  }
0xb4: {  	v13 =	vadd.s32 $0x7, v5;
	[tilespmem:s10+$0x10] =	vst v6;
	v6 =	vld.idx.msk [tilespmem:v14+s21+$0x0], $0xffff  }
0xb5: {  	v15 =	vld.idx.msk [tilespmem:v16+s21+$0x0], $0xffff;
	v14 =	vadd.s32 $0xB, v3  }
0xb6: {  	v16 =	vadd.s32 $0x3, v8;
	v9 =	vld.idx.msk [tilespmem:v9+s21+$0x0], $0xffff;
	[tilespmem:s8+$0x60] =	vst v2  }
0xb7: {  	v2 =	vld.idx.msk [tilespmem:v10+s21+$0x0], $0xffff;
	[tilespmem:s5+$0x30] =	vst v7;
	v7 =	vadd.s32 $0x3, v1  }
0xb8: {  	[tilespmem:s8+$0xFFFFFFE0] =	vst v12;
	v10 =	vld.idx.msk [tilespmem:v11+s21+$0x0], $0xffff  }
0xb9: {  	v11 =	vadd.s32 $0x8, v0;
	v13 =	vld.idx.msk [tilespmem:v13+s21+$0x0], $0xffff;
	[tilespmem:s5+$0xFFFFFFA0] =	vst v6  }
0xba: {  	v12 =	vadd.s32 $0xD, v4;
	[tilespmem:s10+$0xFFFFFFA0] =	vst v15;
	v6 =	vld.idx.msk [tilespmem:v14+s21+$0x0], $0xffff  }
0xbb: {  	[tilespmem:s10+$0x20] =	vst v9;
	v14 =	vld.idx.msk [tilespmem:v16+s21+$0x0], $0xffff  }
0xbc: {  	v16 =	vadd.s32 $0x8, v5;
	v7 =	vld.idx.msk [tilespmem:v7+s21+$0x0], $0xffff  }
0xbd: {  	v17 =	vadd.s32 $0x4, v8;
	[tilespmem:s8+$0x70] =	vst v2;
	v2 =	vld [tilespmem:s12+$0x0]  }
0xbe: {  	v9 =	vld.idx.msk [tilespmem:v11+s21+$0x0], $0xffff;
	[tilespmem:s5+$0x40] =	vst v10;
	v10 =	vadd.s32 $0x4, v1  }
0xbf: {  	[tilespmem:s8+$0xFFFFFFF0] =	vst v13;
	v11 =	vld.idx.msk [tilespmem:v12+s21+$0x0], $0xffff;
	v12 =	vadd.s32 $0x9, v0  }
0xc0: {  	v15 =	vadd.s32 $0xE, v4;
	[tilespmem:s10+$0xFFFFFFB0] =	vst v14  }
0xc1: {  	v13 =	vld.idx.msk [tilespmem:v16+s21+$0x0], $0xffff;
	[tilespmem:s5+$0xFFFFFFB0] =	vst v6  }
0xc2: {  	s7 =	simm.s32 $0xFB00;
	[tilespmem:s10+$0x30] =	vst v7;
	v6 =	vld.idx.msk [tilespmem:v17+s21+$0x0], $0xffff  }
0xc3: {  	v7 =	vadd.s32 $0xC, v3;
	v10 =	vld.idx.msk [tilespmem:v10+s21+$0x0], $0xffff;
	[tilespmem:s7+$0x0] =	vst v9  }
0xc4: {  	v9 =	vld.idx.msk [tilespmem:v12+s21+$0x0], $0xffff;
	[tilespmem:s5+$0x50] =	vst v11;
	v11 =	vadd.s32 $0x5, v1  }
0xc5: {  	v14 =	vadd.s32 $0xA, v0;
	v12 =	vld.idx.msk [tilespmem:v15+s21+$0x0], $0xffff  }
0xc6: {  	v15 =	vadd.s32 $0x5, v8;
	v16 =	vld.idx.msk [tilespmem:v2+s21+$0x0], $0xffff;
	[tilespmem:s7+$0xFFFFFF80] =	vst v13  }
0xc7: {  	v4 =	vadd.s32 $0xF, v4;
	v13 =	vld.idx.msk [tilespmem:v28+s21+$0x0], $0xffff;
	[tilespmem:s10+$0xFFFFFFC0] =	vst v6  }
0xc8: {  	v7 =	vld.idx.msk [tilespmem:v7+s21+$0x0], $0xffff;
	[tilespmem:s10+$0x40] =	vst v10;
	v10 =	vadd.s32 $0x9, v5  }
0xc9: {  	v17 =	vadd.s32 $0xD, v3;
	v11 =	vld.idx.msk [tilespmem:v11+s21+$0x0], $0xffff;
	[tilespmem:s7+$0x10] =	vst v9  }
0xca: {  	s11 =	simm.s32 $0x9900;
	v9 =	vadd.s32 $0x1, v2;
	v14 =	vld.idx.msk [tilespmem:v14+s21+$0x0], $0xffff;
	[tilespmem:s5+$0x60] =	vst v12  }
0xcb: {  	v12 =	vadd.s32 $0x6, v1;
	v15 =	vld.idx.msk [tilespmem:v15+s21+$0x0], $0xffff;
	[tilespmem:s11+$0x0] =	vst v16  }
0xcc: {  	v6 =	vadd.s32 $0xB, v0;
	v4 =	vld.idx.msk [tilespmem:v4+s21+$0x0], $0xffff;
	[tilespmem:s11+$0xFFFFFF80] =	vst v13  }
0xcd: {  	v16 =	vadd.s32 $0x6, v8;
	[tilespmem:s5+$0xFFFFFFC0] =	vst v7;
	v10 =	vld.idx.msk [tilespmem:v10+s21+$0x0], $0xffff  }
0xce: {  	v7 =	vadd.s32 $0x1, v28;
	v13 =	vld.idx.msk [tilespmem:v17+s21+$0x0], $0xffff;
	[tilespmem:s10+$0x50] =	vst v11  }
0xcf: {  	v9 =	vld.idx.msk [tilespmem:v9+s21+$0x0], $0xffff;
	v11 =	vadd.s32 $0xA, v5;
	[tilespmem:s7+$0x20] =	vst v14  }
0xd0: {  	v17 =	vadd.s32 $0xE, v3;
	v12 =	vld.idx.msk [tilespmem:v12+s21+$0x0], $0xffff;
	[tilespmem:s10+$0xFFFFFFD0] =	vst v15  }
0xd1: {  	v14 =	vadd.s32 $0x2, v2;
	v6 =	vld.idx.msk [tilespmem:v6+s21+$0x0], $0xffff;
	[tilespmem:s5+$0x70] =	vst v4  }
0xd2: {  	v4 =	vadd.s32 $0x7, v1;
	v16 =	vld.idx.msk [tilespmem:v16+s21+$0x0], $0xffff;
	[tilespmem:s7+$0xFFFFFF90] =	vst v10  }
0xd3: {  	v15 =	vadd.s32 $0xC, v0;
	v7 =	vld.idx.msk [tilespmem:v7+s21+$0x0], $0xffff;
	[tilespmem:s5+$0xFFFFFFD0] =	vst v13  }
0xd4: {  	v30 =	vadd.s32 $0xF, v3;
	v37 =	vadd.s32 $0x3, v28;
	v10 =	vadd.s32 $0x2, v28;
	[tilespmem:s11+$0x10] =	vst v9;
	v11 =	vld.idx.msk [tilespmem:v11+s21+$0x0], $0xffff  }
0xd5: {  	v26 =	vadd.s32 $0x4, v28;
	v24 =	vadd.s32 $0x5, v28;
	v18 =	vadd.s32 $0x7, v8;
	v32 =	vld.idx.msk [tilespmem:v17+s21+$0x0], $0xffff;
	[tilespmem:s10+$0x60] =	vst v12  }
0xd6: {  	v23 =	vadd.s32 $0x6, v28;
	v21 =	vadd.s32 $0xB, v5;
	v35 =	vadd.s32 $0xD, v0;
	v20 =	vld.idx.msk [tilespmem:v14+s21+$0x0], $0xffff;
	[tilespmem:s7+$0x30] =	vst v6  }
0xd7: {  	v19 =	vadd.s32 $0x8, v8;
	v25 =	vadd.s32 $0x3, v2;
	v3 =	vadd.s32 $0xF, v5;
	v22 =	vld.idx.msk [tilespmem:v4+s21+$0x0], $0xffff;
	[tilespmem:s10+$0xFFFFFFE0] =	vst v16  }
0xd8: {  	v13 =	vadd.s32 $0x8, v1;
	v9 =	vadd.s32 $0xC, v5;
	v17 =	vadd.s32 $0x9, v8;
	v29 =	vld.idx.msk [tilespmem:v15+s21+$0x0], $0xffff;
	[tilespmem:s11+$0xFFFFFF90] =	vst v7  }
0xd9: {  	v14 =	vadd.s32 $0xB, v8;
	v12 =	vadd.s32 $0xC, v8;
	v6 =	vadd.s32 $0xD, v5;
	v34 =	vld.idx.msk [tilespmem:v10+s21+$0x0], $0xffff;
	[tilespmem:s7+$0xFFFFFFA0] =	vst v11  }
0xda: {  	v4 =	vadd.s32 $0xE, v5;
	v5 =	vadd.s32 $0xF, v8;
	v16 =	vadd.s32 $0xC, v28;
	v36 =	vld.idx.msk [tilespmem:v18+s21+$0x0], $0xffff;
	[tilespmem:s5+$0xFFFFFFE0] =	vst v32  }
0xdb: {  	v15 =	vadd.s32 $0xA, v8;
	v7 =	vadd.s32 $0xE, v8;
	v18 =	vadd.s32 $0xB, v28;
	[tilespmem:s11+$0x20] =	vst v20;
	v27 =	vld.idx.msk [tilespmem:v21+s21+$0x0], $0xffff  }
0xdc: {  	v10 =	vadd.s32 $0xD, v8;
	v8 =	vadd.s32 $0xF, v28;
	v11 =	vadd.s32 $0xE, v28;
	v33 =	vld.idx.msk [tilespmem:v25+s21+$0x0], $0xffff;
	[tilespmem:s10+$0x70] =	vst v22  }
0xdd: {  	v21 =	vadd.s32 $0x9, v28;
	v20 =	vadd.s32 $0xA, v28;
	v22 =	vadd.s32 $0x7, v28;
	v31 =	vld.idx.msk [tilespmem:v13+s21+$0x0], $0xffff;
	[tilespmem:s7+$0x40] =	vst v29  }
0xde: {  	v25 =	vadd.s32 $0x8, v28;
	v13 =	vadd.s32 $0xD, v28;
	v28 =	vld.idx.msk [tilespmem:v30+s21+$0x0], $0xffff;
	[tilespmem:s11+$0xFFFFFFA0] =	vst v34;
	v34 =	vadd.s32 $0x4, v2  }
0xdf: {  	s13 =	simm.s32 $0x6;
	s14 =	sadd.s32 $0x20, s12;
	v32 =	vadd.s32 $0x9, v1;
	v29 =	vld.idx.msk [tilespmem:v35+s21+$0x0], $0xffff  }
0xe0: {  	s12 =	simm.s32 $0x9900;
	s8 =	smul.u32 $0xC8, s1;
	[tilespmem:s10+$0xFFFFFFF0] =	vst v36;
	v30 =	vadd.s32 $0xE, v0;
	s10 =	simm.s32 $0xFB00;
	v35 =	vld.idx.msk [tilespmem:v37+s21+$0x0], $0xffff  }
.LBB2_3:
0xe1: {  	v36 =	vld [tilespmem:s14+$0x0];
	s13 =	sadd.s32 $0x2, s13;
	[tilespmem:s7+$0xFFFFFFB0] =	vst v27  }
0xe2: {  	s7 =	sadd.s32 $0x100, s7;
	v27 =	vld [tilespmem:s14+$0xFFFFFFF0];
	p0 =	slt.u32 s13, $0xC6;
	[tilespmem:s11+$0x30] =	vst v33  }
0xe3: {  	v33 =	vld.idx.msk [tilespmem:v34+s21+$0x0], $0xffff;
	[tilespmem:s7+$0x0] =	vst v31  }
0xe4: {  	v31 =	vld.idx.msk [tilespmem:v32+s21+$0x0], $0xffff;
	[tilespmem:s10+$0x50] =	vst v29  }
0xe5: {  	v29 =	vadd.s32 $0x5, v2;
	v30 =	vld.idx.msk [tilespmem:v30+s21+$0x0], $0xffff;
	[tilespmem:s5+$0xFFFFFFF0] =	vst v28;
	s5 =	smov.u32 s10;
	s10 =	smov.u32 s7  }
0xe6: {  	v32 =	vadd.s32 $0xA, v1;
	[tilespmem:s11+$0xFFFFFFB0] =	vst v35;
	v28 =	vld.idx.msk [tilespmem:v19+s21+$0x0], $0xffff;
	v19 =	vmov v25  }
0xe7: {  	v38 =	vadd.s32 $0xF, v0;
	v0 =	vmovc v1;
	v1 =	vmovc v2;
	v34 =	vadd.s32 $0x1, v27;
	v35 =	vadd.s32 $0x2, v27;
	v37 =	vld.idx.msk [tilespmem:v26+s21+$0x0], $0xffff  }
0xe8: {  	v2 =	vmovc v36;
	v39 =	vadd.s32 $0x3, v27;
	v26 =	vadd.s32 $0x4, v27;
	v40 =	vadd.s32 $0x5, v27;
	v41 =	vld.idx.msk [tilespmem:v9+s21+$0x0], $0xffff;
	v9 =	vmovc v12  }
0xe9: {  	v42 =	vadd.s32 $0x6, v27;
	v43 =	vadd.s32 $0x7, v27;
	v25 =	vadd.s32 $0x8, v27;
	v12 =	vmovc v16;
	v36 =	vld.idx.msk [tilespmem:v36+s21+$0x0], $0xffff;
	[tilespmem:s11+$0x40] =	vst v33  }
0xea: {  	v44 =	vadd.s32 $0xA, v27;
	v45 =	vadd.s32 $0xB, v27;
	v33 =	vadd.s32 $0x9, v27;
	v29 =	vld.idx.msk [tilespmem:v29+s21+$0x0], $0xffff;
	[tilespmem:s7+$0x10] =	vst v31  }
0xeb: {  	v46 =	vadd.s32 $0x1, v2;
	v16 =	vadd.s32 $0xC, v27;
	v31 =	vadd.s32 $0xD, v27;
	v32 =	vld.idx.msk [tilespmem:v32+s21+$0x0], $0xffff;
	[tilespmem:s5+$0x60] =	vst v30  }
0xec: {  	v48 =	vadd.s32 $0x6, v1;
	v47 =	vadd.s32 $0xF, v27;
	v30 =	vadd.s32 $0xE, v27;
	[tilespmem:s7+$0xFFFFFF80] =	vst v28;
	v28 =	vld.idx.msk [tilespmem:v38+s21+$0x0], $0xffff  }
0xed: {  	v27 =	vld.idx.msk [tilespmem:v27+s21+$0x0], $0xffff;
	[tilespmem:s11+$0xFFFFFFC0] =	vst v37;
	v37 =	vadd.s32 $0xB, v0  }
0xee: {  	s11 =	sadd.s32 $0x100, s11;
	v38 =	vld.idx.msk [tilespmem:v24+s21+$0x0], $0xffff;
	[tilespmem:s5+$0xFFFFFFC0] =	vst v41;
	v24 =	vmov v40  }
0xef: {  	[tilespmem:s11+$0x0] =	vst v36;
	v36 =	vld.idx.msk [tilespmem:v17+s21+$0x0], $0xffff;
	v17 =	vmov v21;
	v21 =	vmov v33  }
0xf0: {  	v33 =	vld.idx.msk [tilespmem:v46+s21+$0x0], $0xffff;
	[tilespmem:s12+$0x50] =	vst v29  }
0xf1: {  	v29 =	vld.idx.msk [tilespmem:v48+s21+$0x0], $0xffff;
	[tilespmem:s7+$0x20] =	vst v32  }
0xf2: {  	v32 =	vadd.s32 $0x2, v2;
	v37 =	vld.idx.msk [tilespmem:v37+s21+$0x0], $0xffff;
	[tilespmem:s5+$0x70] =	vst v28  }
0xf3: {  	[tilespmem:s11+$0xFFFFFF80] =	vst v27;
	v27 =	vadd.s32 $0x7, v1;
	v28 =	vld.idx.msk [tilespmem:v6+s21+$0x0], $0xffff;
	v6 =	vmovc v10;
	v10 =	vmov v13;
	v13 =	vmov v31  }
0xf4: {  	v31 =	vld.idx.msk [tilespmem:v34+s21+$0x0], $0xffff;
	[tilespmem:s12+$0xFFFFFFD0] =	vst v38;
	v34 =	vadd.s32 $0xC, v0  }
0xf5: {  	v38 =	vld.idx.msk [tilespmem:v23+s21+$0x0], $0xffff;
	[tilespmem:s7+$0xFFFFFF90] =	vst v36;
	v23 =	vmov v42  }
0xf6: {  	[tilespmem:s11+$0x10] =	vst v33;
	v33 =	vld.idx.msk [tilespmem:v15+s21+$0x0], $0xffff;
	v15 =	vmov v20;
	v20 =	vmov v44  }
0xf7: {  	v32 =	vld.idx.msk [tilespmem:v32+s21+$0x0], $0xffff;
	[tilespmem:s12+$0x60] =	vst v29  }
0xf8: {  	v29 =	vld.idx.msk [tilespmem:v27+s21+$0x0], $0xffff;
	[tilespmem:s7+$0x30] =	vst v37  }
0xf9: {  	v36 =	vadd.s32 $0x3, v2;
	v34 =	vld.idx.msk [tilespmem:v34+s21+$0x0], $0xffff;
	[tilespmem:s5+$0xFFFFFFD0] =	vst v28  }
0xfa: {  	v28 =	vadd.s32 $0x8, v1;
	[tilespmem:s11+$0xFFFFFF90] =	vst v31;
	v37 =	vld.idx.msk [tilespmem:v4+s21+$0x0], $0xffff;
	v4 =	vmovc v7;
	v7 =	vmov v11;
	v11 =	vmov v30  }
0xfb: {  	v30 =	vld.idx.msk [tilespmem:v35+s21+$0x0], $0xffff;
	[tilespmem:s12+$0xFFFFFFE0] =	vst v38;
	v35 =	vadd.s32 $0xD, v0  }
0xfc: {  	v38 =	vld.idx.msk [tilespmem:v22+s21+$0x0], $0xffff;
	[tilespmem:s7+$0xFFFFFFA0] =	vst v33;
	v22 =	vmov v43  }
0xfd: {  	[tilespmem:s11+$0x20] =	vst v32;
	v27 =	vld.idx.msk [tilespmem:v14+s21+$0x0], $0xffff;
	v14 =	vmov v18;
	v18 =	vmov v45  }
.Ltmp0:
0xfe: {  	v33 =	vld.idx.msk [tilespmem:v36+s21+$0x0], $0xffff;
	[tilespmem:s12+$0x70] =	vst v29;
	(pc) =	sbr.rel @p0 .LBB2_3-.Ltmp0, $4  }
0xff: {  	v31 =	vld.idx.msk [tilespmem:v28+s21+$0x0], $0xffff;
	[tilespmem:s7+$0x40] =	vst v34  }
0x100: {  	v34 =	vadd.s32 $0x4, v2;
	v29 =	vld.idx.msk [tilespmem:v35+s21+$0x0], $0xffff;
	[tilespmem:s5+$0xFFFFFFE0] =	vst v37  }
0x101: {  	v32 =	vadd.s32 $0x9, v1;
	[tilespmem:s11+$0xFFFFFFA0] =	vst v30;
	v28 =	vld.idx.msk [tilespmem:v3+s21+$0x0], $0xffff;
	v3 =	vmovc v5;
	v5 =	vmov v8;
	v8 =	vmov v47  }
0x102: {  	s14 =	sadd.s32 $0x20, s14;
	v30 =	vadd.s32 $0xE, v0;
	v35 =	vld.idx.msk [tilespmem:v39+s21+$0x0], $0xffff;
	[tilespmem:s12+$0xFFFFFFF0] =	vst v38;
	s12 =	smov.u32 s11  }
0x103: {  	_ =	sdelay $0x2  }
0x104: {  	[tilespmem:s11+$0x30] =	vst v33  }
0x105: {  	v33 =	vld.idx.msk [tilespmem:v34+s21+$0x0], $0xffff;
	[tilespmem:s11+$0xFFFFFFB0] =	vst v35  }
0x106: {  	v63 =	vadd.s32 $0x5, v2;
	v26 =	vld.idx.msk [tilespmem:v26+s21+$0x0], $0xffff;
	_ =	sdelay $0x3  }
0x107: {  	[tilespmem:s11+$0x40] =	vst v33  }
0x108: {  	v33 =	vld.idx.msk [tilespmem:v63+s21+$0x0], $0xffff;
	[tilespmem:s11+$0xFFFFFFC0] =	vst v26  }
0x109: {  	v36 =	vadd.s32 $0x6, v2;
	v24 =	vld.idx.msk [tilespmem:v24+s21+$0x0], $0xffff;
	_ =	sdelay $0x3  }
0x10a: {  	[tilespmem:s12+$0x50] =	vst v33  }
0x10b: {  	v26 =	vld.idx.msk [tilespmem:v36+s21+$0x0], $0xffff;
	[tilespmem:s12+$0xFFFFFFD0] =	vst v24  }
0x10c: {  	v37 =	vadd.s32 $0x7, v2;
	v23 =	vld.idx.msk [tilespmem:v23+s21+$0x0], $0xffff;
	_ =	sdelay $0x3  }
0x10d: {  	[tilespmem:s12+$0x60] =	vst v26  }
0x10e: {  	v24 =	vld.idx.msk [tilespmem:v37+s21+$0x0], $0xffff;
	[tilespmem:s12+$0xFFFFFFE0] =	vst v23  }
0x10f: {  	v38 =	vadd.s32 $0x8, v2;
	v22 =	vld.idx.msk [tilespmem:v22+s21+$0x0], $0xffff;
	_ =	sdelay $0x3  }
0x110: {  	v19 =	vld.idx.msk [tilespmem:v19+s21+$0x0], $0xffff;
	[tilespmem:s12+$0x70] =	vst v24  }
0x111: {  	v23 =	vld.idx.msk [tilespmem:v38+s21+$0x0], $0xffff;
	[tilespmem:s12+$0xFFFFFFF0] =	vst v22  }
0x112: {  	v39 =	vadd.s32 $0x9, v2;
	v40 =	vld.idx.msk [tilespmem:v25+s21+$0x0], $0xffff  }
0x113: {  	s13 =	sadd.s32 $0x100, s7  }
0x114: {  	[tilespmem:s13+$0x0] =	vst v31  }
0x115: {  	s14 =	sadd.s32 $0x100, s13;
	v41 =	vld.idx.msk [tilespmem:v32+s21+$0x0], $0xffff;
	[tilespmem:s13+$0xFFFFFF80] =	vst v19  }
0x116: {  	v42 =	vadd.s32 $0xA, v1;
	v17 =	vld.idx.msk [tilespmem:v17+s21+$0x0], $0xffff;
	[tilespmem:s14+$0x0] =	vst v23  }
0x117: {  	v22 =	vld.idx.msk [tilespmem:v39+s21+$0x0], $0xffff;
	[tilespmem:s14+$0xFFFFFF80] =	vst v40  }
0x118: {  	v43 =	vadd.s32 $0xA, v2;
	v21 =	vld.idx.msk [tilespmem:v21+s21+$0x0], $0xffff;
	_ =	sdelay $0x1  }
0x119: {  	[tilespmem:s13+$0x10] =	vst v41  }
0x11a: {  	v19 =	vld.idx.msk [tilespmem:v42+s21+$0x0], $0xffff;
	[tilespmem:s13+$0xFFFFFF90] =	vst v17  }
0x11b: {  	v44 =	vadd.s32 $0xB, v1;
	v15 =	vld.idx.msk [tilespmem:v15+s21+$0x0], $0xffff;
	[tilespmem:s14+$0x10] =	vst v22  }
0x11c: {  	v22 =	vld.idx.msk [tilespmem:v43+s21+$0x0], $0xffff;
	[tilespmem:s14+$0xFFFFFF90] =	vst v21  }
0x11d: {  	v45 =	vadd.s32 $0xB, v2;
	v20 =	vld.idx.msk [tilespmem:v20+s21+$0x0], $0xffff;
	_ =	sdelay $0x1  }
0x11e: {  	[tilespmem:s13+$0x20] =	vst v19  }
0x11f: {  	v17 =	vld.idx.msk [tilespmem:v44+s21+$0x0], $0xffff;
	[tilespmem:s13+$0xFFFFFFA0] =	vst v15  }
0x120: {  	v46 =	vadd.s32 $0xC, v1;
	v14 =	vld.idx.msk [tilespmem:v14+s21+$0x0], $0xffff;
	[tilespmem:s14+$0x20] =	vst v22  }
0x121: {  	v47 =	vld.idx.msk [tilespmem:v45+s21+$0x0], $0xffff;
	[tilespmem:s14+$0xFFFFFFA0] =	vst v20  }
0x122: {  	v48 =	vadd.s32 $0xC, v2;
	v18 =	vld.idx.msk [tilespmem:v18+s21+$0x0], $0xffff  }
0x123: {  	[tilespmem:s7+$0xFFFFFFB0] =	vst v27  }
0x124: {  	v9 =	vld.idx.msk [tilespmem:v9+s21+$0x0], $0xffff;
	[tilespmem:s13+$0x30] =	vst v17  }
0x125: {  	v15 =	vld.idx.msk [tilespmem:v46+s21+$0x0], $0xffff;
	[tilespmem:s13+$0xFFFFFFB0] =	vst v14  }
0x126: {  	v49 =	vadd.s32 $0xD, v1;
	v12 =	vld.idx.msk [tilespmem:v12+s21+$0x0], $0xffff;
	[tilespmem:s14+$0x30] =	vst v47  }
0x127: {  	v50 =	vld.idx.msk [tilespmem:v48+s21+$0x0], $0xffff;
	[tilespmem:s14+$0xFFFFFFB0] =	vst v18  }
0x128: {  	v51 =	vadd.s32 $0xD, v2;
	[tilespmem:s10+$0x50] =	vst v29;
	v16 =	vld.idx.msk [tilespmem:v16+s21+$0x0], $0xffff  }
0x129: {  	[tilespmem:s10+$0xFFFFFFC0] =	vst v9  }
0x12a: {  	v6 =	vld.idx.msk [tilespmem:v6+s21+$0x0], $0xffff;
	[tilespmem:s13+$0x40] =	vst v15  }
0x12b: {  	v52 =	vld.idx.msk [tilespmem:v49+s21+$0x0], $0xffff;
	[tilespmem:s13+$0xFFFFFFC0] =	vst v12  }
0x12c: {  	v53 =	vadd.s32 $0xE, v1;
	v10 =	vld.idx.msk [tilespmem:v10+s21+$0x0], $0xffff;
	[tilespmem:s14+$0x40] =	vst v50  }
0x12d: {  	v54 =	vld.idx.msk [tilespmem:v51+s21+$0x0], $0xffff;
	[tilespmem:s14+$0xFFFFFFC0] =	vst v16  }
0x12e: {  	v55 =	vadd.s32 $0xE, v2;
	[tilespmem:s5+$0xFFFFFFF0] =	vst v28;
	v13 =	vld.idx.msk [tilespmem:v13+s21+$0x0], $0xffff  }
0x12f: {  	v56 =	vld.idx.msk [tilespmem:v30+s21+$0x0], $0xffff;
	[tilespmem:s10+$0xFFFFFFD0] =	vst v6  }
0x130: {  	v0 =	vadd.s32 $0xF, v0;
	v4 =	vld.idx.msk [tilespmem:v4+s21+$0x0], $0xffff;
	[tilespmem:s13+$0x50] =	vst v52  }
0x131: {  	v57 =	vld.idx.msk [tilespmem:v53+s21+$0x0], $0xffff;
	[tilespmem:s13+$0xFFFFFFD0] =	vst v10  }
0x132: {  	v58 =	vadd.s32 $0xF, v1;
	v7 =	vld.idx.msk [tilespmem:v7+s21+$0x0], $0xffff;
	[tilespmem:s14+$0x50] =	vst v54  }
0x133: {  	v59 =	vld.idx.msk [tilespmem:v55+s21+$0x0], $0xffff;
	[tilespmem:s14+$0xFFFFFFD0] =	vst v13  }
0x134: {  	v60 =	vadd.s32 $0xF, v2;
	[tilespmem:s10+$0x60] =	vst v56;
	v61 =	vld.idx.msk [tilespmem:v11+s21+$0x0], $0xffff  }
0x135: {  	v0 =	vld.idx.msk [tilespmem:v0+s21+$0x0], $0xffff;
	[tilespmem:s10+$0xFFFFFFE0] =	vst v4  }
0x136: {  	v3 =	vld.idx.msk [tilespmem:v3+s21+$0x0], $0xffff;
	[tilespmem:s13+$0x60] =	vst v57  }
0x137: {  	v1 =	vld.idx.msk [tilespmem:v58+s21+$0x0], $0xffff;
	[tilespmem:s13+$0xFFFFFFE0] =	vst v7  }
0x138: {  	v62 =	vld.idx.msk [tilespmem:v5+s21+$0x0], $0xffff;
	[tilespmem:s14+$0x60] =	vst v59  }
0x139: {  	v2 =	vld.idx.msk [tilespmem:v60+s21+$0x0], $0xffff;
	[tilespmem:s14+$0xFFFFFFE0] =	vst v61  }
0x13a: {  	[tilespmem:s10+$0x70] =	vst v0;
	v63 =	vld.idx.msk [tilespmem:v8+s21+$0x0], $0xffff  }
0x13b: {  	[tilespmem:s10+$0xFFFFFFF0] =	vst v3  }
0x13c: {  	[tilespmem:s13+$0x70] =	vst v1  }
0x13d: {  	[tilespmem:s13+$0xFFFFFFF0] =	vst v62;
	s13 =	sadd.s32 s4, s8  }
0x13e: {  	s5 =	sshll.u32 s13, $0x4;
	[tilespmem:s14+$0x70] =	vst v2  }
0x13f: {  	[tilespmem:s14+$0xFFFFFFF0] =	vst v63;
	s14 =	sadd.s32 s6, s5  }
0x140: {  	[hbm4b:s14+s3] =	stream.linear.scatter [tilespmem:s0], [sflag:$0x3], $0x6400, $0x38;
	[tilespmem:$0x15D80] =	vst v63  }
0x141: {  	s1 =	sadd.s32 $0x1, s1;
	_ =	swait.ge [sflag:s22], $0x6400  }
0x142: {  	p0 =	sne.s32 s1, $0x4;
	[sflag:s22] =	ssyncset.done $0x0  }
.Ltmp1:
0x143: {  	s5 =	sadd.s32 s5, s9;
	[sflag:s22] =	ssyncadd.s32 $0xFFFF9C00;
	(pc) =	sbr.rel @p0 .LBB2_2-.Ltmp1, $4  }
0x144: {  	[hbm4b:s5+s3] =	stream.linear.scatter [tilespmem:s23], [sflag:$0x3], $0x6400, $0x38;
	[tilespmem:$0x15D80] =	vst v63  }
0x145: {  	_ =	swait.ge [sflag:s22], $0x6400  }
0x146: {  	[sflag:s22] =	ssyncset.done $0x0  }
0x147: {  	s31 =	sadd.s32 $0xC80, s31;
	[sflag:s22] =	ssyncadd.s32 $0xFFFF9C00  }
0x148: {  	s29 =	sadd.s32 $0x1, s29;
	s1 =	rddreg [dreg:$0x6]  }
0x149: {  	p0 =	sne.s32 s29, s1  }
.Ltmp2:
0x14a: {  	_ = 	snop;
	(pc) =	sbr.rel @p0 .LBB2_1-.Ltmp2, $1  }
0x14b: {  	_ =	sdelay $0x3  }
0x14c: {  	_ =	sfence.sel $0x180000  }
0x14d: {  	[bflag:$0x0] =	sbarrier.arrive $0xFFFF  }
0x14e: {  	_ =	strace $0x90000047  }
0x14f: {  	s0 =	stileid.u32;
	[bflag:$0x2] =	sbarrier.arrive $0xFFFF  }
0x150: {  	p0 =	sne.s32 s0, $0x0;
	s0 =	rddreg [dreg:$0x2]  }
0x151: {  	s0 =	sadd.s32 @!p0 $0x100000, s0  }
0x152: {  	[sflag:s0] =	ssyncadd.tile.s32 @!p0 $0x1;
	_ =	shalt  }
.Lfunc_end2:
_tile_overlayer_lowered:
.L_overlay_start_2:
0x153: {  	(tag) =	ssettag $0x2  }
0x154: {  	s0 =	rddreg [dreg:$0x0];
	s2 =	stileid.u32  }
0x155: {  	s1 =	rddreg [dreg:$0x1];
	p0 =	sne.s32 s2, $0x0  }
0x156: {  	s3 =	rddreg [dreg:$0x2];
	[bflag:$0x3] =	sbarrier.arrive $0xFFFF;
	s2 =	simm.s32 @!p0 $0x1C03  }
0x157: {  	[timem:s3], [sflag:s2] =	dma.local @!p0 [hbm:s0], s1  }
0x158: {  	s0 =	simm.s32 @!p0 $0x3  }
0x159: {  	_ =	swait.ge @!p0 [sflag:s0], s1  }
0x15a: {  	s1 =	ssub.s32 @!p0 $0x0, s1;
	[sflag:s0] =	ssyncset.done @!p0 $0x0  }
0x15b: {  	[sflag:s0] =	ssyncadd.s32 @!p0 s1  }
0x15c: {  	[bflag:$0x3] =	sbarrier.arrive $0xFFFF  }
0x15d: {  	_ =	shalt  }

// kernel: kernel.9.cloned.1.call-start
scs
__scs_entry_jumppad:
0x0: {  	(pc) =	sbr.rel $0x88, $3  }
0x1: {  	(tag) =	ssettag $0x0;
	lr =	simm.s32 $0x1  }
0x2: {  	[smem:$0x3F9A] =	sst lr;
	_ =	strace $0xD0000000  }
0x3: {  	_ = 	snop  }
0x4: {  	_ = 	snop  }
0x5: {  	_ = 	snop  }
0x6: {  	_ = 	snop  }
0x7: {  	_ = 	snop  }
__scs_overlays_trampoline_lowered:
0x8: {  	[smem:$0x3FA9] =	sst s0  }
0x9: {  	[smem:$0x3FAA] =	sst s1  }
0xa: {  	[smem:$0x3FAB] =	sst s2  }
0xb: {  	[smem:$0x3FAC] =	sst s3  }
0xc: {  	[smem:$0x3FAD] =	sst s4  }
0xd: {  	[smem:$0x3FAE] =	sst s5  }
0xe: {  	[smem:$0x3FAF] =	sst s6  }
0xf: {  	[smem:$0x3FB0] =	sst s7  }
0x10: {  	[smem:$0x3FB1] =	sst s8  }
0x11: {  	[smem:$0x3FB2] =	sst s9;
	s0 =	simm.s32 @!p0 $0x0  }
0x12: {  	s1 =	sld [smem:$0x3F98];
	s0 =	simm.s32 @p0 $0x1  }
0x13: {  	[smem:$0x3FB3] =	sst s0;
	s0 =	simm.s32 @!p1 $0x0  }
0x14: {  	s2 =	sld [smem:$0x3F97];
	s0 =	simm.s32 @p1 $0x1  }
0x15: {  	[smem:$0x3FB4] =	sst s0;
	s0 =	simm.s32 @!p2 $0x0  }
0x16: {  	s3 =	sld [smem:$0x3FDB];
	s0 =	simm.s32 @p2 $0x1  }
0x17: {  	s4 =	simm.s32 $0x1BF5;
	[smem:$0x3FB6] =	sst s0  }
0x18: {  	s0 =	sld [smem:$0x3F99];
	_ =	swait.ge [sflag:s4], $0x0  }
0x19: {  	s7 =	sld [smem:$0x3F9A]  }
0x1a: {  	s8 =	sadd.s32 $0xFFFFE003, lr  }
0x1b: {  	s9 =	sadd.s32 $0xFFFFFEF7, lr;
	s5 =	simm.s32 $0xFFFFFFFF;
	p2 =	slt.u32 s8, $0xFFFFF086  }
0x1c: {  	p1 =	slt.u32 s9, $0xF7A;
	s5 =	simm.s32 @!p2 $0x0  }
0x1d: {  	s5 =	simm.s32 @p1 $0x1;
	p0 =	seq.s32 s7, s2  }
0x1e: {  	s7 =	smul.u32 @!p0 $0xF7A, s2;
	p2 =	seq.s32 @!p0 s5, $0x0  }
0x1f: {  	s9 =	smul.u32 $0xF7A, s1;
	s8 =	simm.s32 @!p0 $0x1BF5;
	p2 =	por !p2, p0  }
0x20: {  	[sflag:s8] =	ssyncset.s32 @!p0 $0xFFFFF086;
	s6 =	sadd.s32 @!p0 s3, s7;
	s7 =	simm.s32 @!p0 $0x108  }
0x21: {  	s3 =	sadd.s32 s3, s9;
	s6 =	sadd.s32 @!p0 $0x88, s6;
	s7 =	simm.s32 @p2 $0x1082  }
0x22: {  	[simem:s7], [sflag:s8] =	dma.local @!p0 [hbm:s6], $0xF7A  }
0x23: {  	s9 =	sor.u32 $0xD0000000, s2;
	s6 =	simm.s32 $0x108;
	_ =	swait.ge @!p0 [sflag:s8], $0x0  }
0x24: {  	s3 =	sadd.s32 $0x88, s3;
	s6 =	simm.s32 @!p1 $0x1082;
	[sflag:s4] =	ssyncset.s32 $0xFFFFF086  }
0x25: {  	[simem:s6], [sflag:s4] =	dma.local [hbm:s3], $0xF7A  }
0x26: {  	[smem:$0x3F9A] =	sst s1;
	(tag) =	ssettag s2;
	_ =	strace s9  }
0x27: {  	s1 =	sld [smem:$0x3FAA]  }
0x28: {  	s2 =	sld [smem:$0x3FAB]  }
0x29: {  	s4 =	sld [smem:$0x3FAD]  }
0x2a: {  	p0 =	seq.s32 s5, $0x0;
	s5 =	sld [smem:$0x3FAE]  }
0x2b: {  	s6 =	sld [smem:$0x3FAF]  }
0x2c: {  	s7 =	sld [smem:$0x3FB0]  }
0x2d: {  	s3 =	simm.s32 $0x108;
	s8 =	sld [smem:$0x3FB1]  }
0x2e: {  	s3 =	simm.s32 @!p0 $0x1082;
	s9 =	sld [smem:$0x3FB2]  }
0x2f: {  	lr =	sadd.s32 s0, s3;
	s0 =	sld [smem:$0x3FA9]  }
0x30: {  	s3 =	sld [smem:$0x3FAC]  }
0x31: {  	[smem:$0x3FB5] =	sst s10  }
0x32: {  	s10 =	sld [smem:$0x3FB3];
	_ =	sdelay $0x3  }
0x33: {  	p0 =	seq.s32 s10, $0x1;
	s10 =	sld [smem:$0x3FB5];
	_ =	sdelay $0x3  }
0x34: {  	[smem:$0x3FB5] =	sst s10  }
0x35: {  	s10 =	sld [smem:$0x3FB4];
	_ =	sdelay $0x3  }
0x36: {  	p1 =	seq.s32 s10, $0x1;
	s10 =	sld [smem:$0x3FB5];
	_ =	sdelay $0x3  }
0x37: {  	[smem:$0x3FB5] =	sst s10  }
0x38: {  	s10 =	sld [smem:$0x3FB6]  }
0x39: {  	_ = 	snop;
	(pc) =	sbr.ind lr, $3  }
0x3a: {  	_ = 	snop  }
0x3b: {  	_ = 	snop  }
0x3c: {  	p2 =	seq.s32 s10, $0x1;
	s10 =	sld [smem:$0x3FB5]  }
0x3d: {  	_ =	shalt  }
0x3e: {  	_ =	shalt  }
0x3f: {  	_ =	shalt  }
0x40: {  	_ =	shalt  }
0x41: {  	_ =	shalt  }
0x42: {  	_ =	shalt  }
0x43: {  	_ =	shalt  }
0x44: {  	_ =	shalt  }
0x45: {  	_ =	shalt  }
0x46: {  	_ =	shalt  }
0x47: {  	_ =	shalt  }
0x48: {  	_ =	shalt  }
0x49: {  	_ =	shalt  }
0x4a: {  	_ =	shalt  }
0x4b: {  	_ =	shalt  }
0x4c: {  	_ =	shalt  }
0x4d: {  	_ =	shalt  }
0x4e: {  	_ =	shalt  }
0x4f: {  	_ =	shalt  }
0x50: {  	_ =	shalt  }
0x51: {  	_ =	shalt  }
0x52: {  	_ =	shalt  }
0x53: {  	_ =	shalt  }
0x54: {  	_ =	shalt  }
0x55: {  	_ =	shalt  }
0x56: {  	_ =	shalt  }
0x57: {  	_ =	shalt  }
0x58: {  	_ =	shalt  }
0x59: {  	_ =	shalt  }
0x5a: {  	_ =	shalt  }
0x5b: {  	_ =	shalt  }
0x5c: {  	_ =	shalt  }
0x5d: {  	_ =	shalt  }
0x5e: {  	_ =	shalt  }
0x5f: {  	_ =	shalt  }
0x60: {  	_ =	shalt  }
0x61: {  	_ =	shalt  }
0x62: {  	_ =	shalt  }
0x63: {  	_ =	shalt  }
0x64: {  	_ =	shalt  }
0x65: {  	_ =	shalt  }
0x66: {  	_ =	shalt  }
0x67: {  	_ =	shalt  }
0x68: {  	_ =	shalt  }
0x69: {  	_ =	shalt  }
0x6a: {  	_ =	shalt  }
0x6b: {  	_ =	shalt  }
0x6c: {  	_ =	shalt  }
0x6d: {  	_ =	shalt  }
0x6e: {  	_ =	shalt  }
0x6f: {  	_ =	shalt  }
0x70: {  	_ =	shalt  }
0x71: {  	_ =	shalt  }
0x72: {  	_ =	shalt  }
0x73: {  	_ =	shalt  }
0x74: {  	_ =	shalt  }
0x75: {  	_ =	shalt  }
0x76: {  	_ =	shalt  }
0x77: {  	_ =	shalt  }
0x78: {  	_ =	shalt  }
0x79: {  	_ =	shalt  }
0x7a: {  	_ =	shalt  }
0x7b: {  	_ =	shalt  }
0x7c: {  	_ =	shalt  }
0x7d: {  	_ =	shalt  }
0x7e: {  	_ =	shalt  }
0x7f: {  	_ =	shalt  }
0x80: {  	_ =	shalt  }
0x81: {  	_ =	shalt  }
0x82: {  	_ =	shalt  }
0x83: {  	_ =	shalt  }
0x84: {  	_ =	shalt  }
0x85: {  	_ =	shalt  }
0x86: {  	_ =	shalt  }
0x87: {  	_ =	shalt  }
.Lfunc_end0:
.L_simem_size_0:
called_computation.1_lowered:
.L_overlay_start_0:
0x88: {  	s2 =	sld [smem:$0x3FD9]  }
0x89: {  	s3 =	sld [smem:$0x3FFE];
	_ =	sdelay $0x1  }
0x8a: {  	s1 =	srdreg.scid  }
0x8b: {  	s0 =	sand.u32 $0x1, s1  }
0x8c: {  	s17 =	sshll.u32 s0, $0xA;
	s2 =	sadd.s32 s3, s2  }
0x8d: {  	s2 =	sadd.s32 s2, s17  }
0x8e: {  	[smem:$0x3FC1] =	sst s2  }
0x8f: {  	_ = 	snop  }
0x90: {  	s18 =	sld [smem:$0x3FC7]  }
0x91: {  	s4 =	sld [smem:$0x3FD0];
	(tm) =	ssettm $0x1  }
0x92: {  	s19 =	sld [smem:$0x3FFB];
	_ =	sdelay $0x3  }
0x93: {  	_ =	strace s19  }
0x94: {  	s2 =	sld [smem:$0x3FFC];
	_ =	sdelay $0x3  }
0x95: {  	_ =	strace s2  }
0x96: {  	s2 =	sld [smem:$0x3FFD];
	_ =	sdelay $0x3  }
0x97: {  	_ =	strace s2  }
0x98: {  	_ =	strace $0x8FFFFFFF  }
0x99: {  	s20 =	sld [smem:$0x3FDB];
	_ =	sdelay $0x1  }
0x9a: {  	s5 =	simm.s32 $_scs_section_size  }
0x9b: {  	s6 =	simm.s32 $_size__tile_overlayer_lowered;
	s7 =	simm.s32 $_tile_overlayer_lowered  }
0x9c: {  	s8 =	simm.s32 $0x1BFF;
	s21 =	sshll.u32 s7, $0x1;
	s5 =	sadd.s32 s5, s20  }
0x9d: {  	s22 =	simm.s32 $0x0;
	s6 =	sshll.u32 s6, $0x1;
	s7 =	sadd.s32 s21, s5  }
0x9e: {  	[timem:s22], [sflag:s8] =	dma.local [hbm:s7], s6  }
0x9f: {  	_ =	swait.ge [sflag:s8], s6  }
0xa0: {  	s6 =	ssub.s32 $0x0, s6;
	[sflag:s8] =	ssyncset.done $0x0  }
0xa1: {  	[sflag:s8] =	ssyncadd.s32 s6;
	_ =	sdelay $0x1  }
0xa2: {  	s23 =	simm.s32 $0x1B8B  }
0xa3: {  	_ =	swait.ge [sflag:s23], $0x1  }
0xa4: {  	[sflag:s23] =	ssyncset.done $0x0  }
0xa5: {  	[sflag:s23] =	ssyncadd.s32 $0xFFFFFFFF  }
0xa6: {  	s6 =	sld [smem:$0x0]  }
0xa7: {  	s7 =	sand.u32 $0xFFFFFFFE, s1  }
0xa8: {  	p0 =	sne.s32 s1, s7  }
0xa9: {  	s7 =	sshll.u32 @p0 s7, $0xE  }
0xaa: {  	s7 =	sadd.s32 @p0 $0x11B8D, s7;
	s8 =	sshll.u32 @p0 s6, $0x11  }
0xab: {  	s7 =	sor.u32 @p0 s8, s7  }
0xac: {  	[sflag:s7] =	ssyncadd.remote.s32 @p0 $0x1;
	_ =	sdelay $0x1  }
0xad: {  	s7 =	simm.s32 @p0 $0x1B8D  }
0xae: {  	_ =	swait.eq @p0 [sflag:s7], $0x1  }
0xaf: {  	[sflag:s7] =	ssyncadd.s32 @p0 $0xFFFFFFFF  }
0xb0: {  	s8 =	sshll.u32 @!p0 s1, $0xE  }
0xb1: {  	s8 =	sor.u32 @!p0 $0x4000, s8;
	s7 =	simm.s32 @!p0 $0x1B8D  }
0xb2: {  	s6 =	sshll.u32 @!p0 s6, $0x11;
	s8 =	sadd.s32 @!p0 $0x11B8D, s8;
	_ =	swait.eq @!p0 [sflag:s7], $0x1  }
0xb3: {  	s6 =	sor.u32 @!p0 s6, s8;
	[sflag:s7] =	ssyncadd.s32 @!p0 $0xFFFFFFFF  }
0xb4: {  	s25 =	simm.s32 $0x1B8E;
	s24 =	sld [smem:$0x3FFE];
	[sflag:s6] =	ssyncadd.remote.s32 @!p0 $0x1  }
0xb5: {  	s26 =	simm.s32 $execute0_lowered;
	[smem:$0x3FD2] =	sst s25  }
0xb6: {  	s7 =	sshll.u32 s26, $0x1;
	_ =	strace $0x80000049;
	[dreg:$0x1] =	wrdreg $0xFFFFFFFF  }
0xb7: {  	s28 =	simm.s32 $_size_execute0_lowered;
	s5 =	sadd.s32 s5, s7;
	[dreg:$0x0] =	wrdreg $0x0  }
0xb8: {  	s7 =	sshll.u32 s28, $0x1;
	[dreg:$0x2] =	wrdreg s5  }
0xb9: {  	[dreg:$0x3] =	wrdreg s7  }
0xba: {  	[dreg:$0x4] =	wrdreg $0xC0  }
0xbb: {  	_ =	task [dreg:s22], $0x5FFFF  }
0xbc: {  	[dreg:$0x1] =	wrdreg $0xFFFFFFFF  }
0xbd: {  	[dreg:$0x0] =	wrdreg $0x60  }
0xbe: {  	[dreg:$0x2] =	wrdreg s24  }
0xbf: {  	[dreg:$0x3] =	wrdreg s18  }
0xc0: {  	[dreg:$0x4] =	wrdreg s4  }
0xc1: {  	[dreg:$0x5] =	wrdreg $0xA  }
0xc2: {  	_ =	task.clear_ibuf [dreg:s22], $0x6FFFF;
	_ =	strace $0x90000049  }
0xc3: {  	s29 =	simm.s32 $0xA;
	_ =	strace $0x8000004B  }
0xc4: {  	_ =	swait.ge [sflag:s29], $0x1  }
0xc5: {  	[sflag:s29] =	ssyncadd.s32 $0xFFFFFFFF  }
0xc6: {  	_ =	strace $0x9000004B  }
0xc7: {  	_ =	sfence  }
0xc8: {  	s30 =	sld [smem:$0x0];
	_ =	sdelay $0x2  }
0xc9: {  	s31 =	sshll.u32 s1, $0xD;
	s1 =	sshrl.u32 s1, $0x2  }
0xca: {  	s4 =	sand.u32 $0x4000, s31;
	s1 =	sadd.s32 s1, s30  }
0xcb: {  	s0 =	sor.u32 s4, s0;
	s1 =	sshll.u32 s1, $0x11  }
0xcc: {  	s0 =	sor.u32 s1, s0  }
0xcd: {  	s0 =	sadd.s32 $0x8F2B, s0  }
0xce: {  	[sflag:s0] =	ssyncadd.remote.s32 $0x1  }
0xcf: {  	_ =	sfence.sel $0xFFFF  }
0xd0: {  	[dreg:$0x0] =	wrdreg $0xFFFFFFFF;
	(pc) =	sbr.abs _section_cstart, $3  }
0xd1: {  	[dreg:$0x1] =	wrdreg $0xFFFFFFFF  }
0xd2: {  	_ =	task.clear_ibuf [dreg:s22], $0x2FFFF;
	_ =	strace $0x9FFFFFFF  }
0xd3: {  	(tm) =	ssettm $0x7FFFFFFF  }
tec
execute0_lowered:
.L_overlay_start_1:
0x0: {  	(tag) =	ssettag $0x1  }
0x1: {  	s0 =	srdreg.scid  }
0x2: {  	s2 =	stileid.u32;
	s1 =	rddreg [dreg:$0x0]  }
0x3: {  	s5 =	simm.s32 $0x0;
	s28 =	simm.s32 $0x1;
	s30 =	simm.s32 $0x2  }
0x4: {  	s0 =	sand.u32 $0x1, s0;
	s3 =	sshll.u32 s2, $0x1;
	s2 =	rddreg [dreg:$0x1]  }
0x5: {  	s29 =	simm.s32 $0x0;
	[smem:$0x7FF] =	sst s5;
	s6 =	sor.u32 s0, s3  }
0x6: {  	s9 =	sadd.s32 $0x1E00, s1;
	s3 =	rddreg [dreg:$0x2];
	s4 =	smul.u32 $0x320, s6  }
0x7: {  	_ =	strace $0x8000004A;
	s0 =	ssub.s32 $0x2, s0;
	s8 =	smul.u32 $0x640, s6  }
0x8: {  	[dreg:$0x4] =	wrdreg s9;
	s6 =	smul.u32 $0x3200, s6;
	s24 =	sshrl.u32 s0, $0x1  }
0x9: {  	s9 =	sadd.s32 $0x64000, s3;
	s0 =	ssub.s32 s0, s24;
	s24 =	simm.s32 $0x50  }
0xa: {  	s7 =	sshrl.u32 s4, $0x3;
	s8 =	sadd.s32 s8, s1;
	s16 =	smax.u32 s0, $0x1  }
0xb: {  	s0 =	simm.s32 $0x9580;
	s7 =	sadd.s32 s7, s1;
	s21 =	sadd.s32 $0x13C400, s8  }
0xc: {  	s1 =	sadd.s32 s6, s1;
	s7 =	sadd.s32 $0x13B600, s7;
	[dreg:$0x6] =	wrdreg s21  }
0xd: {  	s22 =	sadd.s32 $0x148C00, s1;
	s23 =	sadd.s32 $0x149100, s1;
	[dreg:$0x5] =	wrdreg s7  }
0xe: {  	s25 =	sadd.s32 $0x149600, s1;
	s26 =	sadd.s32 $0x149B00, s1;
	[dreg:$0x7] =	wrdreg s22  }
0xf: {  	s31 =	sadd.s32 $0x14A500, s1;
	s15 =	sadd.s32 $0x14AA00, s1;
	[dreg:$0x8] =	wrdreg s23  }
0x10: {  	s17 =	sadd.s32 $0x14AF00, s1;
	s18 =	sadd.s32 $0x14B400, s1;
	[dreg:$0x9] =	wrdreg s25  }
0x11: {  	s19 =	sadd.s32 $0x14A000, s1;
	s20 =	sadd.s32 $0x14B900, s1;
	[dreg:$0xa] =	wrdreg s26  }
0x12: {  	s21 =	simm.s32 $0x5380;
	[dreg:$0xb] =	wrdreg s31;
	s22 =	simm.s32 $0x3  }
0x13: {  	s25 =	simm.s32 $0x380;
	s26 =	simm.s32 $0x2B80;
	s23 =	simm.s32 $0xF980  }
.LBB2_1:
0x14: {  	s1 =	rddreg [dreg:$0x4]  }
0x15: {  	[tilespmem:s21], [sflag:$0x3] =	stream.linear.gather [hbm4b:s1+s5], $0x1000, $0x38;
	[tilespmem:$0x15D80] =	vst v63  }
0x16: {  	_ =	swait.ge [sflag:s22], $0x1000  }
0x17: {  	[sflag:s22] =	ssyncset.done $0x0  }
0x18: {  	s7 =	rddreg [dreg:$0x5];
	[sflag:s22] =	ssyncadd.s32 $0xFFFFF000  }
0x19: {  	[tilespmem:s5], [sflag:$0x3] =	stream.linear.gather [hbm4b:s7+s5], $0x320, $0x38;
	[tilespmem:$0x15D80] =	vst v63  }
0x1a: {  	_ =	swait.ge [sflag:s22], $0x320  }
0x1b: {  	[sflag:s22] =	ssyncset.done $0x0  }
0x1c: {  	s6 =	simm.s32 $0x6380;
	s8 =	rddreg [dreg:$0x6];
	[sflag:s22] =	ssyncadd.s32 $0xFFFFFCE0  }
0x1d: {  	[tilespmem:s6], [sflag:$0x3] =	stream.linear.gather [hbm4b:s8+s5], $0x3200, $0x38;
	[tilespmem:$0x15D80] =	vst v63  }
0x1e: {  	_ =	swait.ge [sflag:s22], $0x3200  }
0x1f: {  	[sflag:s22] =	ssyncset.done $0x0  }
0x20: {  	[sflag:s22] =	ssyncadd.s32 $0xFFFFCE00  }
0x21: {  	[tilespmem:s25], [sflag:$0x1] =	stream.indirect.gather [hbm4b:s2+s24], $0x80, s5, s24, $0xb8;
	[tilespmem:$0x15D80] =	vst v63  }
0x22: {  	_ = 	snop  }
0x23: {  	[tilespmem:s26], [sflag:$0x2] =	stream.indirect.gather [hbm4b:s2+s24], $0x80, s24, s24, $0xb8;
	[tilespmem:$0x15D80] =	vst v63  }
0x24: {  	_ =	swait.ge [sflag:s28], $0x2800  }
0x25: {  	[sflag:s28] =	ssyncset.done $0x0  }
0x26: {  	s10 =	rddreg [dreg:$0x7];
	[sflag:s28] =	ssyncadd.s32 $0xFFFFD800  }
0x27: {  	[hbm4b:s10+s5] =	stream.linear.scatter [tilespmem:s25], [sflag:$0x3], $0x2800, $0x38;
	[tilespmem:$0x15D80] =	vst v63  }
0x28: {  	_ =	swait.ge [sflag:s22], $0x2800  }
0x29: {  	[sflag:s22] =	ssyncset.done $0x0  }
0x2a: {  	s11 =	simm.s32 $0xA0;
	[sflag:s22] =	ssyncadd.s32 $0xFFFFD800  }
0x2b: {  	[tilespmem:s25], [sflag:$0x1] =	stream.indirect.gather [hbm4b:s2+s24], $0x80, s11, s24, $0xb8;
	[tilespmem:$0x15D80] =	vst v63  }
0x2c: {  	_ =	swait.ge [sflag:s30], $0x2800  }
0x2d: {  	[sflag:s30] =	ssyncset.done $0x0  }
0x2e: {  	s12 =	rddreg [dreg:$0x8];
	[sflag:s30] =	ssyncadd.s32 $0xFFFFD800  }
0x2f: {  	[hbm4b:s12+s5] =	stream.linear.scatter [tilespmem:s26], [sflag:$0x3], $0x2800, $0x38;
	[tilespmem:$0x15D80] =	vst v63  }
0x30: {  	_ =	swait.ge [sflag:s22], $0x2800  }
0x31: {  	[sflag:s22] =	ssyncset.done $0x0  }
0x32: {  	s13 =	simm.s32 $0xF0;
	[sflag:s22] =	ssyncadd.s32 $0xFFFFD800  }
0x33: {  	[tilespmem:s26], [sflag:$0x2] =	stream.indirect.gather [hbm4b:s2+s24], $0x80, s13, s24, $0xb8;
	[tilespmem:$0x15D80] =	vst v63  }
0x34: {  	_ =	swait.ge [sflag:s28], $0x2800  }
0x35: {  	[sflag:s28] =	ssyncset.done $0x0  }
0x36: {  	s14 =	rddreg [dreg:$0x9];
	[sflag:s28] =	ssyncadd.s32 $0xFFFFD800  }
0x37: {  	[hbm4b:s14+s5] =	stream.linear.scatter [tilespmem:s25], [sflag:$0x3], $0x2800, $0x38;
	[tilespmem:$0x15D80] =	vst v63  }
0x38: {  	_ =	swait.ge [sflag:s22], $0x2800  }
0x39: {  	[sflag:s22] =	ssyncset.done $0x0  }
0x3a: {  	s6 =	simm.s32 $0x140;
	[sflag:s22] =	ssyncadd.s32 $0xFFFFD800  }
0x3b: {  	[tilespmem:s25], [sflag:$0x1] =	stream.indirect.gather [hbm4b:s2+s24], $0x80, s6, s24, $0xb8;
	[tilespmem:$0x15D80] =	vst v63  }
0x3c: {  	_ =	swait.ge [sflag:s30], $0x2800  }
0x3d: {  	[sflag:s30] =	ssyncset.done $0x0  }
0x3e: {  	s7 =	rddreg [dreg:$0xa];
	[sflag:s30] =	ssyncadd.s32 $0xFFFFD800  }
0x3f: {  	[hbm4b:s7+s5] =	stream.linear.scatter [tilespmem:s26], [sflag:$0x3], $0x2800, $0x38;
	[tilespmem:$0x15D80] =	vst v63  }
0x40: {  	_ =	swait.ge [sflag:s22], $0x2800  }
0x41: {  	[sflag:s22] =	ssyncset.done $0x0  }
0x42: {  	s8 =	simm.s32 $0x190;
	[sflag:s22] =	ssyncadd.s32 $0xFFFFD800  }
0x43: {  	[tilespmem:s26], [sflag:$0x2] =	stream.indirect.gather [hbm4b:s2+s24], $0x80, s8, s24, $0xb8;
	[tilespmem:$0x15D80] =	vst v63  }
0x44: {  	_ =	swait.ge [sflag:s28], $0x2800  }
0x45: {  	[sflag:s28] =	ssyncset.done $0x0  }
0x46: {  	[sflag:s28] =	ssyncadd.s32 $0xFFFFD800  }
0x47: {  	[hbm4b:s19+s5] =	stream.linear.scatter [tilespmem:s25], [sflag:$0x3], $0x2800, $0x38;
	[tilespmem:$0x15D80] =	vst v63  }
0x48: {  	_ =	swait.ge [sflag:s22], $0x2800  }
0x49: {  	[sflag:s22] =	ssyncset.done $0x0  }
0x4a: {  	s10 =	simm.s32 $0x1E0;
	[sflag:s22] =	ssyncadd.s32 $0xFFFFD800  }
0x4b: {  	[tilespmem:s25], [sflag:$0x1] =	stream.indirect.gather [hbm4b:s2+s24], $0x80, s10, s24, $0xb8;
	[tilespmem:$0x15D80] =	vst v63  }
0x4c: {  	_ =	swait.ge [sflag:s30], $0x2800  }
0x4d: {  	[sflag:s30] =	ssyncset.done $0x0  }
0x4e: {  	s11 =	rddreg [dreg:$0xb];
	[sflag:s30] =	ssyncadd.s32 $0xFFFFD800  }
0x4f: {  	[hbm4b:s11+s5] =	stream.linear.scatter [tilespmem:s26], [sflag:$0x3], $0x2800, $0x38;
	[tilespmem:$0x15D80] =	vst v63  }
0x50: {  	_ =	swait.ge [sflag:s22], $0x2800  }
0x51: {  	[sflag:s22] =	ssyncset.done $0x0  }
0x52: {  	s12 =	simm.s32 $0x230;
	[sflag:s22] =	ssyncadd.s32 $0xFFFFD800  }
0x53: {  	[tilespmem:s26], [sflag:$0x2] =	stream.indirect.gather [hbm4b:s2+s24], $0x80, s12, s24, $0xb8;
	[tilespmem:$0x15D80] =	vst v63  }
0x54: {  	_ =	swait.ge [sflag:s28], $0x2800  }
0x55: {  	[sflag:s28] =	ssyncset.done $0x0  }
0x56: {  	[sflag:s28] =	ssyncadd.s32 $0xFFFFD800  }
0x57: {  	[hbm4b:s15+s5] =	stream.linear.scatter [tilespmem:s25], [sflag:$0x3], $0x2800, $0x38;
	[tilespmem:$0x15D80] =	vst v63  }
0x58: {  	_ =	swait.ge [sflag:s22], $0x2800  }
0x59: {  	[sflag:s22] =	ssyncset.done $0x0  }
0x5a: {  	s13 =	simm.s32 $0x280;
	[sflag:s22] =	ssyncadd.s32 $0xFFFFD800  }
0x5b: {  	[tilespmem:s25], [sflag:$0x1] =	stream.indirect.gather [hbm4b:s2+s24], $0x80, s13, s24, $0xb8;
	[tilespmem:$0x15D80] =	vst v63  }
0x5c: {  	_ =	swait.ge [sflag:s30], $0x2800  }
0x5d: {  	[sflag:s30] =	ssyncset.done $0x0  }
0x5e: {  	[sflag:s30] =	ssyncadd.s32 $0xFFFFD800  }
0x5f: {  	[hbm4b:s17+s5] =	stream.linear.scatter [tilespmem:s26], [sflag:$0x3], $0x2800, $0x38;
	[tilespmem:$0x15D80] =	vst v63  }
0x60: {  	_ =	swait.ge [sflag:s22], $0x2800  }
0x61: {  	[sflag:s22] =	ssyncset.done $0x0  }
0x62: {  	s14 =	simm.s32 $0x2D0;
	[sflag:s22] =	ssyncadd.s32 $0xFFFFD800  }
0x63: {  	[tilespmem:s26], [sflag:$0x2] =	stream.indirect.gather [hbm4b:s2+s24], $0x80, s14, s24, $0xb8;
	[tilespmem:$0x15D80] =	vst v63  }
0x64: {  	_ =	swait.ge [sflag:s28], $0x2800  }
0x65: {  	[sflag:s28] =	ssyncset.done $0x0  }
0x66: {  	[sflag:s28] =	ssyncadd.s32 $0xFFFFD800  }
0x67: {  	[hbm4b:s18+s5] =	stream.linear.scatter [tilespmem:s25], [sflag:$0x3], $0x2800, $0x38;
	[tilespmem:$0x15D80] =	vst v63  }
0x68: {  	_ =	swait.ge [sflag:s22], $0x2800  }
0x69: {  	[sflag:s22] =	ssyncset.done $0x0  }
0x6a: {  	[sflag:s22] =	ssyncadd.s32 $0xFFFFD800  }
0x6b: {  	_ =	swait.ge [sflag:s30], $0x2800  }
0x6c: {  	[sflag:s30] =	ssyncset.done $0x0  }
0x6d: {  	[sflag:s30] =	ssyncadd.s32 $0xFFFFD800  }
0x6e: {  	[hbm4b:s20+s5] =	stream.linear.scatter [tilespmem:s26], [sflag:$0x3], $0x2800, $0x38;
	[tilespmem:$0x15D80] =	vst v63  }
0x6f: {  	_ =	swait.ge [sflag:s22], $0x2800  }
0x70: {  	[sflag:s22] =	ssyncset.done $0x0  }
0x71: {  	s31 =	simm.s32 $0x6390;
	s1 =	simm.s32 $0x0;
	[sflag:s22] =	ssyncadd.s32 $0xFFFFD800  }
.LBB2_2:
0x72: {  	v4 =	vld [tilespmem:s31+$0x0];
	_ =	sdelay $0x3  }
0x73: {  	v3 =	vld [tilespmem:s31+$0xFFFFFFF0];
	_ =	sdelay $0x3  }
0x74: {  	v0 =	vld.idx.msk [tilespmem:v4+s21+$0x0], $0xffff  }
0x75: {  	v1 =	vadd.s32 $0x1, v4;
	_ =	sdelay $0x2  }
0x76: {  	s7 =	simm.s32 $0x9600;
	v2 =	vld.idx.msk [tilespmem:v3+s21+$0x0], $0xffff  }
0x77: {  	v5 =	vadd.s32 $0x1, v3;
	[tilespmem:s7+$0x0] =	vst v0  }
0x78: {  	v0 =	vld.idx.msk [tilespmem:v1+s21+$0x0], $0xffff  }
0x79: {  	v1 =	vadd.s32 $0x2, v4;
	_ =	sdelay $0x1  }
0x7a: {  	[tilespmem:s7+$0xFFFFFF80] =	vst v2  }
0x7b: {  	v2 =	vld.idx.msk [tilespmem:v5+s21+$0x0], $0xffff  }
0x7c: {  	v5 =	vadd.s32 $0x2, v3;
	[tilespmem:s7+$0x10] =	vst v0  }
0x7d: {  	v0 =	vld.idx.msk [tilespmem:v1+s21+$0x0], $0xffff  }
0x7e: {  	v1 =	vadd.s32 $0x3, v4;
	_ =	sdelay $0x1  }
0x7f: {  	[tilespmem:s7+$0xFFFFFF90] =	vst v2  }
0x80: {  	v6 =	vld.idx.msk [tilespmem:v5+s21+$0x0], $0xffff  }
0x81: {  	v7 =	vadd.s32 $0x3, v3;
	[tilespmem:s7+$0x20] =	vst v0  }
0x82: {  	v1 =	vld.idx.msk [tilespmem:v1+s21+$0x0], $0xffff  }
0x83: {  	v2 =	vadd.s32 $0x4, v4  }
0x84: {  	s6 =	sadd.s32 $0x20, s31  }
0x85: {  	v0 =	vld [tilespmem:s6+$0x0];
	[tilespmem:s7+$0xFFFFFFA0] =	vst v6  }
0x86: {  	v6 =	vld.idx.msk [tilespmem:v7+s21+$0x0], $0xffff  }
0x87: {  	v7 =	vadd.s32 $0x4, v3;
	[tilespmem:s7+$0x30] =	vst v1  }
0x88: {  	v1 =	vld.idx.msk [tilespmem:v2+s21+$0x0], $0xffff  }
0x89: {  	v5 =	vld [tilespmem:s6+$0xFFFFFFF0];
	v2 =	vadd.s32 $0x5, v4;
	_ =	sdelay $0x1  }
0x8a: {  	[tilespmem:s7+$0xFFFFFFB0] =	vst v6  }
0x8b: {  	v7 =	vld.idx.msk [tilespmem:v7+s21+$0x0], $0xffff  }
0x8c: {  	v11 =	vadd.s32 $0x5, v3;
	v8 =	vld.idx.msk [tilespmem:v0+s21+$0x0], $0xffff;
	[tilespmem:s7+$0x40] =	vst v1  }
0x8d: {  	v1 =	vld.idx.msk [tilespmem:v2+s21+$0x0], $0xffff;
	v2 =	vadd.s32 $0x1, v0;
	_ =	sdelay $0x1  }
0x8e: {  	v9 =	vadd.s32 $0x6, v4  }
0x8f: {  	s8 =	simm.s32 $0x9700;
	v10 =	vld.idx.msk [tilespmem:v5+s21+$0x0], $0xffff;
	[tilespmem:s7+$0xFFFFFFC0] =	vst v7  }
0x90: {  	v6 =	vadd.s32 $0x1, v5;
	[tilespmem:s8+$0x0] =	vst v8;
	v7 =	vld.idx.msk [tilespmem:v11+s21+$0x0], $0xffff  }
0x91: {  	v11 =	vadd.s32 $0x6, v3;
	v2 =	vld.idx.msk [tilespmem:v2+s21+$0x0], $0xffff  }
0x92: {  	v8 =	vadd.s32 $0x2, v0;
	[tilespmem:s7+$0x50] =	vst v1  }
0x93: {  	v1 =	vld.idx.msk [tilespmem:v9+s21+$0x0], $0xffff  }
0x94: {  	[tilespmem:s8+$0xFFFFFF80] =	vst v10;
	v9 =	vadd.s32 $0x7, v4  }
0x95: {  	v6 =	vld.idx.msk [tilespmem:v6+s21+$0x0], $0xffff;
	[tilespmem:s7+$0xFFFFFFD0] =	vst v7  }
0x96: {  	v10 =	vadd.s32 $0x2, v5;
	v7 =	vld.idx.msk [tilespmem:v11+s21+$0x0], $0xffff;
	[tilespmem:s8+$0x10] =	vst v2  }
0x97: {  	v11 =	vadd.s32 $0x7, v3;
	v2 =	vld.idx.msk [tilespmem:v8+s21+$0x0], $0xffff  }
0x98: {  	[tilespmem:s7+$0x60] =	vst v1;
	v8 =	vadd.s32 $0x3, v0  }
0x99: {  	v1 =	vld.idx.msk [tilespmem:v9+s21+$0x0], $0xffff  }
0x9a: {  	[tilespmem:s8+$0xFFFFFF90] =	vst v6;
	v6 =	vadd.s32 $0x8, v4  }
0x9b: {  	[tilespmem:s7+$0xFFFFFFE0] =	vst v7;
	v9 =	vld.idx.msk [tilespmem:v10+s21+$0x0], $0xffff  }
0x9c: {  	v10 =	vadd.s32 $0x3, v5;
	v11 =	vld.idx.msk [tilespmem:v11+s21+$0x0], $0xffff;
	[tilespmem:s8+$0x20] =	vst v2  }
0x9d: {  	s11 =	sadd.s32 $0x20, s6;
	v2 =	vld.idx.msk [tilespmem:v8+s21+$0x0], $0xffff  }
0x9e: {  	v12 =	vadd.s32 $0x4, v0;
	[tilespmem:s7+$0x70] =	vst v1;
	v1 =	vld [tilespmem:s11+$0x0]  }
0x9f: {  	v13 =	vadd.s32 $0x8, v3;
	v6 =	vld.idx.msk [tilespmem:v6+s21+$0x0], $0xffff  }
0xa0: {  	[tilespmem:s8+$0xFFFFFFA0] =	vst v9;
	v9 =	vadd.s32 $0x9, v4;
	v8 =	vld [tilespmem:s11+$0xFFFFFFF0]  }
0xa1: {  	v10 =	vld.idx.msk [tilespmem:v10+s21+$0x0], $0xffff  }
0xa2: {  	v7 =	vadd.s32 $0x4, v5;
	[tilespmem:s8+$0x30] =	vst v2  }
0xa3: {  	s6 =	simm.s32 $0xFA00;
	[tilespmem:s7+$0xFFFFFFF0] =	vst v11;
	v2 =	vld.idx.msk [tilespmem:v12+s21+$0x0], $0xffff  }
0xa4: {  	[tilespmem:s6+$0x0] =	vst v6;
	v12 =	vld.idx.msk [tilespmem:v13+s21+$0x0], $0xffff  }
0xa5: {  	v6 =	vld.idx.msk [tilespmem:v9+s21+$0x0], $0xffff;
	v9 =	vadd.s32 $0x5, v0  }
0xa6: {  	[tilespmem:s8+$0xFFFFFFB0] =	vst v10;
	v13 =	vadd.s32 $0x9, v3  }
0xa7: {  	v10 =	vadd.s32 $0xA, v4;
	v7 =	vld.idx.msk [tilespmem:v7+s21+$0x0], $0xffff  }
0xa8: {  	v11 =	vadd.s32 $0x5, v5;
	v15 =	vld.idx.msk [tilespmem:v8+s21+$0x0], $0xffff;
	[tilespmem:s8+$0x40] =	vst v2  }
0xa9: {  	v16 =	vadd.s32 $0x1, v8;
	v14 =	vld.idx.msk [tilespmem:v1+s21+$0x0], $0xffff;
	[tilespmem:s6+$0xFFFFFF80] =	vst v12  }
0xaa: {  	v2 =	vld.idx.msk [tilespmem:v9+s21+$0x0], $0xffff;
	[tilespmem:s6+$0x10] =	vst v6;
	v6 =	vadd.s32 $0x1, v1  }
0xab: {  	v13 =	vld.idx.msk [tilespmem:v13+s21+$0x0], $0xffff  }
0xac: {  	s10 =	simm.s32 $0x9800;
	[tilespmem:s8+$0xFFFFFFC0] =	vst v7;
	v9 =	vld.idx.msk [tilespmem:v10+s21+$0x0], $0xffff;
	v10 =	vadd.s32 $0x6, v0  }
0xad: {  	v7 =	vadd.s32 $0xB, v4;
	v11 =	vld.idx.msk [tilespmem:v11+s21+$0x0], $0xffff;
	[tilespmem:s10+$0xFFFFFF80] =	vst v15  }
0xae: {  	v12 =	vadd.s32 $0x6, v5;
	[tilespmem:s10+$0x0] =	vst v14;
	v15 =	vld.idx.msk [tilespmem:v16+s21+$0x0], $0xffff  }
0xaf: {  	s12 =	sadd.s32 $0x20, s11;
	v14 =	vadd.s32 $0xA, v3;
	v6 =	vld.idx.msk [tilespmem:v6+s21+$0x0], $0xffff;
	[tilespmem:s8+$0x50] =	vst v2  }
0xb0: {  	v28 =	vld [tilespmem:s12+$0xFFFFFFF0];
	v16 =	vadd.s32 $0x2, v8;
	[tilespmem:s6+$0xFFFFFF90] =	vst v13  }
0xb1: {  	v2 =	vld.idx.msk [tilespmem:v10+s21+$0x0], $0xffff;
	[tilespmem:s6+$0x20] =	vst v9;
	v9 =	vadd.s32 $0x2, v1  }
0xb2: {  	v10 =	vadd.s32 $0x7, v0;
	[tilespmem:s8+$0xFFFFFFD0] =	vst v11;
	v7 =	vld.idx.msk [tilespmem:v7+s21+$0x0], $0xffff  }
0xb3: {  	v11 =	vadd.s32 $0xC, v4;
	v12 =	vld.idx.msk [tilespmem:v12+s21+$0x0], $0xffff;
	[tilespmem:s10+$0xFFFFFF90] =	vst v15  }
0xb4: {  	v13 =	vadd.s32 $0x7, v5;
	[tilespmem:s10+$0x10] =	vst v6;
	v6 =	vld.idx.msk [tilespmem:v14+s21+$0x0], $0xffff  }
0xb5: {  	v15 =	vld.idx.msk [tilespmem:v16+s21+$0x0], $0xffff;
	v14 =	vadd.s32 $0xB, v3  }
0xb6: {  	v16 =	vadd.s32 $0x3, v8;
	v9 =	vld.idx.msk [tilespmem:v9+s21+$0x0], $0xffff;
	[tilespmem:s8+$0x60] =	vst v2  }
0xb7: {  	v2 =	vld.idx.msk [tilespmem:v10+s21+$0x0], $0xffff;
	[tilespmem:s6+$0x30] =	vst v7;
	v7 =	vadd.s32 $0x3, v1  }
0xb8: {  	[tilespmem:s8+$0xFFFFFFE0] =	vst v12;
	v10 =	vld.idx.msk [tilespmem:v11+s21+$0x0], $0xffff  }
0xb9: {  	v11 =	vadd.s32 $0x8, v0;
	v13 =	vld.idx.msk [tilespmem:v13+s21+$0x0], $0xffff;
	[tilespmem:s6+$0xFFFFFFA0] =	vst v6  }
0xba: {  	v12 =	vadd.s32 $0xD, v4;
	[tilespmem:s10+$0xFFFFFFA0] =	vst v15;
	v6 =	vld.idx.msk [tilespmem:v14+s21+$0x0], $0xffff  }
0xbb: {  	[tilespmem:s10+$0x20] =	vst v9;
	v14 =	vld.idx.msk [tilespmem:v16+s21+$0x0], $0xffff  }
0xbc: {  	v16 =	vadd.s32 $0x8, v5;
	v7 =	vld.idx.msk [tilespmem:v7+s21+$0x0], $0xffff  }
0xbd: {  	v17 =	vadd.s32 $0x4, v8;
	[tilespmem:s8+$0x70] =	vst v2;
	v2 =	vld [tilespmem:s12+$0x0]  }
0xbe: {  	v9 =	vld.idx.msk [tilespmem:v11+s21+$0x0], $0xffff;
	[tilespmem:s6+$0x40] =	vst v10;
	v10 =	vadd.s32 $0x4, v1  }
0xbf: {  	[tilespmem:s8+$0xFFFFFFF0] =	vst v13;
	v11 =	vld.idx.msk [tilespmem:v12+s21+$0x0], $0xffff;
	v12 =	vadd.s32 $0x9, v0  }
0xc0: {  	v15 =	vadd.s32 $0xE, v4;
	[tilespmem:s10+$0xFFFFFFB0] =	vst v14  }
0xc1: {  	v13 =	vld.idx.msk [tilespmem:v16+s21+$0x0], $0xffff;
	[tilespmem:s6+$0xFFFFFFB0] =	vst v6  }
0xc2: {  	s7 =	simm.s32 $0xFB00;
	[tilespmem:s10+$0x30] =	vst v7;
	v6 =	vld.idx.msk [tilespmem:v17+s21+$0x0], $0xffff  }
0xc3: {  	v7 =	vadd.s32 $0xC, v3;
	v10 =	vld.idx.msk [tilespmem:v10+s21+$0x0], $0xffff;
	[tilespmem:s7+$0x0] =	vst v9  }
0xc4: {  	v9 =	vld.idx.msk [tilespmem:v12+s21+$0x0], $0xffff;
	[tilespmem:s6+$0x50] =	vst v11;
	v11 =	vadd.s32 $0x5, v1  }
0xc5: {  	v14 =	vadd.s32 $0xA, v0;
	v12 =	vld.idx.msk [tilespmem:v15+s21+$0x0], $0xffff  }
0xc6: {  	v15 =	vadd.s32 $0x5, v8;
	v16 =	vld.idx.msk [tilespmem:v2+s21+$0x0], $0xffff;
	[tilespmem:s7+$0xFFFFFF80] =	vst v13  }
0xc7: {  	v4 =	vadd.s32 $0xF, v4;
	v13 =	vld.idx.msk [tilespmem:v28+s21+$0x0], $0xffff;
	[tilespmem:s10+$0xFFFFFFC0] =	vst v6  }
0xc8: {  	v7 =	vld.idx.msk [tilespmem:v7+s21+$0x0], $0xffff;
	[tilespmem:s10+$0x40] =	vst v10;
	v10 =	vadd.s32 $0x9, v5  }
0xc9: {  	v17 =	vadd.s32 $0xD, v3;
	v11 =	vld.idx.msk [tilespmem:v11+s21+$0x0], $0xffff;
	[tilespmem:s7+$0x10] =	vst v9  }
0xca: {  	s11 =	simm.s32 $0x9900;
	v9 =	vadd.s32 $0x1, v2;
	v14 =	vld.idx.msk [tilespmem:v14+s21+$0x0], $0xffff;
	[tilespmem:s6+$0x60] =	vst v12  }
0xcb: {  	v12 =	vadd.s32 $0x6, v1;
	v15 =	vld.idx.msk [tilespmem:v15+s21+$0x0], $0xffff;
	[tilespmem:s11+$0x0] =	vst v16  }
0xcc: {  	v6 =	vadd.s32 $0xB, v0;
	v4 =	vld.idx.msk [tilespmem:v4+s21+$0x0], $0xffff;
	[tilespmem:s11+$0xFFFFFF80] =	vst v13  }
0xcd: {  	v16 =	vadd.s32 $0x6, v8;
	[tilespmem:s6+$0xFFFFFFC0] =	vst v7;
	v10 =	vld.idx.msk [tilespmem:v10+s21+$0x0], $0xffff  }
0xce: {  	v7 =	vadd.s32 $0x1, v28;
	v13 =	vld.idx.msk [tilespmem:v17+s21+$0x0], $0xffff;
	[tilespmem:s10+$0x50] =	vst v11  }
0xcf: {  	v9 =	vld.idx.msk [tilespmem:v9+s21+$0x0], $0xffff;
	v11 =	vadd.s32 $0xA, v5;
	[tilespmem:s7+$0x20] =	vst v14  }
0xd0: {  	v17 =	vadd.s32 $0xE, v3;
	v12 =	vld.idx.msk [tilespmem:v12+s21+$0x0], $0xffff;
	[tilespmem:s10+$0xFFFFFFD0] =	vst v15  }
0xd1: {  	v14 =	vadd.s32 $0x2, v2;
	v6 =	vld.idx.msk [tilespmem:v6+s21+$0x0], $0xffff;
	[tilespmem:s6+$0x70] =	vst v4  }
0xd2: {  	v4 =	vadd.s32 $0x7, v1;
	v16 =	vld.idx.msk [tilespmem:v16+s21+$0x0], $0xffff;
	[tilespmem:s7+$0xFFFFFF90] =	vst v10  }
0xd3: {  	v15 =	vadd.s32 $0xC, v0;
	v7 =	vld.idx.msk [tilespmem:v7+s21+$0x0], $0xffff;
	[tilespmem:s6+$0xFFFFFFD0] =	vst v13  }
0xd4: {  	v30 =	vadd.s32 $0xF, v3;
	v37 =	vadd.s32 $0x3, v28;
	v10 =	vadd.s32 $0x2, v28;
	[tilespmem:s11+$0x10] =	vst v9;
	v11 =	vld.idx.msk [tilespmem:v11+s21+$0x0], $0xffff  }
0xd5: {  	v26 =	vadd.s32 $0x4, v28;
	v24 =	vadd.s32 $0x5, v28;
	v18 =	vadd.s32 $0x7, v8;
	v32 =	vld.idx.msk [tilespmem:v17+s21+$0x0], $0xffff;
	[tilespmem:s10+$0x60] =	vst v12  }
0xd6: {  	v23 =	vadd.s32 $0x6, v28;
	v21 =	vadd.s32 $0xB, v5;
	v35 =	vadd.s32 $0xD, v0;
	v20 =	vld.idx.msk [tilespmem:v14+s21+$0x0], $0xffff;
	[tilespmem:s7+$0x30] =	vst v6  }
0xd7: {  	v19 =	vadd.s32 $0x8, v8;
	v25 =	vadd.s32 $0x3, v2;
	v3 =	vadd.s32 $0xF, v5;
	v22 =	vld.idx.msk [tilespmem:v4+s21+$0x0], $0xffff;
	[tilespmem:s10+$0xFFFFFFE0] =	vst v16  }
0xd8: {  	v13 =	vadd.s32 $0x8, v1;
	v9 =	vadd.s32 $0xC, v5;
	v17 =	vadd.s32 $0x9, v8;
	v29 =	vld.idx.msk [tilespmem:v15+s21+$0x0], $0xffff;
	[tilespmem:s11+$0xFFFFFF90] =	vst v7  }
0xd9: {  	v14 =	vadd.s32 $0xB, v8;
	v12 =	vadd.s32 $0xC, v8;
	v6 =	vadd.s32 $0xD, v5;
	v34 =	vld.idx.msk [tilespmem:v10+s21+$0x0], $0xffff;
	[tilespmem:s7+$0xFFFFFFA0] =	vst v11  }
0xda: {  	v4 =	vadd.s32 $0xE, v5;
	v5 =	vadd.s32 $0xF, v8;
	v16 =	vadd.s32 $0xC, v28;
	v36 =	vld.idx.msk [tilespmem:v18+s21+$0x0], $0xffff;
	[tilespmem:s6+$0xFFFFFFE0] =	vst v32  }
0xdb: {  	v15 =	vadd.s32 $0xA, v8;
	v7 =	vadd.s32 $0xE, v8;
	v18 =	vadd.s32 $0xB, v28;
	[tilespmem:s11+$0x20] =	vst v20;
	v27 =	vld.idx.msk [tilespmem:v21+s21+$0x0], $0xffff  }
0xdc: {  	v10 =	vadd.s32 $0xD, v8;
	v8 =	vadd.s32 $0xF, v28;
	v11 =	vadd.s32 $0xE, v28;
	v33 =	vld.idx.msk [tilespmem:v25+s21+$0x0], $0xffff;
	[tilespmem:s10+$0x70] =	vst v22  }
0xdd: {  	v21 =	vadd.s32 $0x9, v28;
	v20 =	vadd.s32 $0xA, v28;
	v22 =	vadd.s32 $0x7, v28;
	v31 =	vld.idx.msk [tilespmem:v13+s21+$0x0], $0xffff;
	[tilespmem:s7+$0x40] =	vst v29  }
0xde: {  	v25 =	vadd.s32 $0x8, v28;
	v13 =	vadd.s32 $0xD, v28;
	v28 =	vld.idx.msk [tilespmem:v30+s21+$0x0], $0xffff;
	[tilespmem:s11+$0xFFFFFFA0] =	vst v34;
	v34 =	vadd.s32 $0x4, v2  }
0xdf: {  	s13 =	simm.s32 $0x6;
	s14 =	sadd.s32 $0x20, s12;
	v32 =	vadd.s32 $0x9, v1;
	v29 =	vld.idx.msk [tilespmem:v35+s21+$0x0], $0xffff  }
0xe0: {  	s12 =	simm.s32 $0x9900;
	s8 =	smul.u32 $0xC8, s1;
	[tilespmem:s10+$0xFFFFFFF0] =	vst v36;
	v30 =	vadd.s32 $0xE, v0;
	s10 =	simm.s32 $0xFB00;
	v35 =	vld.idx.msk [tilespmem:v37+s21+$0x0], $0xffff  }
.LBB2_3:
0xe1: {  	v36 =	vld [tilespmem:s14+$0x0];
	s13 =	sadd.s32 $0x2, s13;
	[tilespmem:s7+$0xFFFFFFB0] =	vst v27  }
0xe2: {  	s7 =	sadd.s32 $0x100, s7;
	v27 =	vld [tilespmem:s14+$0xFFFFFFF0];
	p0 =	slt.u32 s13, $0xC6;
	[tilespmem:s11+$0x30] =	vst v33  }
0xe3: {  	v33 =	vld.idx.msk [tilespmem:v34+s21+$0x0], $0xffff;
	[tilespmem:s7+$0x0] =	vst v31  }
0xe4: {  	v31 =	vld.idx.msk [tilespmem:v32+s21+$0x0], $0xffff;
	[tilespmem:s10+$0x50] =	vst v29  }
0xe5: {  	v29 =	vadd.s32 $0x5, v2;
	v30 =	vld.idx.msk [tilespmem:v30+s21+$0x0], $0xffff;
	[tilespmem:s6+$0xFFFFFFF0] =	vst v28;
	s6 =	smov.u32 s10;
	s10 =	smov.u32 s7  }
0xe6: {  	v32 =	vadd.s32 $0xA, v1;
	[tilespmem:s11+$0xFFFFFFB0] =	vst v35;
	v28 =	vld.idx.msk [tilespmem:v19+s21+$0x0], $0xffff;
	v19 =	vmov v25  }
0xe7: {  	v38 =	vadd.s32 $0xF, v0;
	v0 =	vmovc v1;
	v1 =	vmovc v2;
	v34 =	vadd.s32 $0x1, v27;
	v35 =	vadd.s32 $0x2, v27;
	v37 =	vld.idx.msk [tilespmem:v26+s21+$0x0], $0xffff  }
0xe8: {  	v2 =	vmovc v36;
	v39 =	vadd.s32 $0x3, v27;
	v26 =	vadd.s32 $0x4, v27;
	v40 =	vadd.s32 $0x5, v27;
	v41 =	vld.idx.msk [tilespmem:v9+s21+$0x0], $0xffff;
	v9 =	vmovc v12  }
0xe9: {  	v42 =	vadd.s32 $0x6, v27;
	v43 =	vadd.s32 $0x7, v27;
	v25 =	vadd.s32 $0x8, v27;
	v12 =	vmovc v16;
	v36 =	vld.idx.msk [tilespmem:v36+s21+$0x0], $0xffff;
	[tilespmem:s11+$0x40] =	vst v33  }
0xea: {  	v44 =	vadd.s32 $0xA, v27;
	v45 =	vadd.s32 $0xB, v27;
	v33 =	vadd.s32 $0x9, v27;
	v29 =	vld.idx.msk [tilespmem:v29+s21+$0x0], $0xffff;
	[tilespmem:s7+$0x10] =	vst v31  }
0xeb: {  	v46 =	vadd.s32 $0x1, v2;
	v16 =	vadd.s32 $0xC, v27;
	v31 =	vadd.s32 $0xD, v27;
	v32 =	vld.idx.msk [tilespmem:v32+s21+$0x0], $0xffff;
	[tilespmem:s6+$0x60] =	vst v30  }
0xec: {  	v48 =	vadd.s32 $0x6, v1;
	v47 =	vadd.s32 $0xF, v27;
	v30 =	vadd.s32 $0xE, v27;
	[tilespmem:s7+$0xFFFFFF80] =	vst v28;
	v28 =	vld.idx.msk [tilespmem:v38+s21+$0x0], $0xffff  }
0xed: {  	v27 =	vld.idx.msk [tilespmem:v27+s21+$0x0], $0xffff;
	[tilespmem:s11+$0xFFFFFFC0] =	vst v37;
	v37 =	vadd.s32 $0xB, v0  }
0xee: {  	s11 =	sadd.s32 $0x100, s11;
	v38 =	vld.idx.msk [tilespmem:v24+s21+$0x0], $0xffff;
	[tilespmem:s6+$0xFFFFFFC0] =	vst v41;
	v24 =	vmov v40  }
0xef: {  	[tilespmem:s11+$0x0] =	vst v36;
	v36 =	vld.idx.msk [tilespmem:v17+s21+$0x0], $0xffff;
	v17 =	vmov v21;
	v21 =	vmov v33  }
0xf0: {  	v33 =	vld.idx.msk [tilespmem:v46+s21+$0x0], $0xffff;
	[tilespmem:s12+$0x50] =	vst v29  }
0xf1: {  	v29 =	vld.idx.msk [tilespmem:v48+s21+$0x0], $0xffff;
	[tilespmem:s7+$0x20] =	vst v32  }
0xf2: {  	v32 =	vadd.s32 $0x2, v2;
	v37 =	vld.idx.msk [tilespmem:v37+s21+$0x0], $0xffff;
	[tilespmem:s6+$0x70] =	vst v28  }
0xf3: {  	[tilespmem:s11+$0xFFFFFF80] =	vst v27;
	v27 =	vadd.s32 $0x7, v1;
	v28 =	vld.idx.msk [tilespmem:v6+s21+$0x0], $0xffff;
	v6 =	vmovc v10;
	v10 =	vmov v13;
	v13 =	vmov v31  }
0xf4: {  	v31 =	vld.idx.msk [tilespmem:v34+s21+$0x0], $0xffff;
	[tilespmem:s12+$0xFFFFFFD0] =	vst v38;
	v34 =	vadd.s32 $0xC, v0  }
0xf5: {  	v38 =	vld.idx.msk [tilespmem:v23+s21+$0x0], $0xffff;
	[tilespmem:s7+$0xFFFFFF90] =	vst v36;
	v23 =	vmov v42  }
0xf6: {  	[tilespmem:s11+$0x10] =	vst v33;
	v33 =	vld.idx.msk [tilespmem:v15+s21+$0x0], $0xffff;
	v15 =	vmov v20;
	v20 =	vmov v44  }
0xf7: {  	v32 =	vld.idx.msk [tilespmem:v32+s21+$0x0], $0xffff;
	[tilespmem:s12+$0x60] =	vst v29  }
0xf8: {  	v29 =	vld.idx.msk [tilespmem:v27+s21+$0x0], $0xffff;
	[tilespmem:s7+$0x30] =	vst v37  }
0xf9: {  	v36 =	vadd.s32 $0x3, v2;
	v34 =	vld.idx.msk [tilespmem:v34+s21+$0x0], $0xffff;
	[tilespmem:s6+$0xFFFFFFD0] =	vst v28  }
0xfa: {  	v28 =	vadd.s32 $0x8, v1;
	[tilespmem:s11+$0xFFFFFF90] =	vst v31;
	v37 =	vld.idx.msk [tilespmem:v4+s21+$0x0], $0xffff;
	v4 =	vmovc v7;
	v7 =	vmov v11;
	v11 =	vmov v30  }
0xfb: {  	v30 =	vld.idx.msk [tilespmem:v35+s21+$0x0], $0xffff;
	[tilespmem:s12+$0xFFFFFFE0] =	vst v38;
	v35 =	vadd.s32 $0xD, v0  }
0xfc: {  	v38 =	vld.idx.msk [tilespmem:v22+s21+$0x0], $0xffff;
	[tilespmem:s7+$0xFFFFFFA0] =	vst v33;
	v22 =	vmov v43  }
0xfd: {  	[tilespmem:s11+$0x20] =	vst v32;
	v27 =	vld.idx.msk [tilespmem:v14+s21+$0x0], $0xffff;
	v14 =	vmov v18;
	v18 =	vmov v45  }
.Ltmp0:
0xfe: {  	v33 =	vld.idx.msk [tilespmem:v36+s21+$0x0], $0xffff;
	[tilespmem:s12+$0x70] =	vst v29;
	(pc) =	sbr.rel @p0 .LBB2_3-.Ltmp0, $4  }
0xff: {  	v31 =	vld.idx.msk [tilespmem:v28+s21+$0x0], $0xffff;
	[tilespmem:s7+$0x40] =	vst v34  }
0x100: {  	v34 =	vadd.s32 $0x4, v2;
	v29 =	vld.idx.msk [tilespmem:v35+s21+$0x0], $0xffff;
	[tilespmem:s6+$0xFFFFFFE0] =	vst v37  }
0x101: {  	v32 =	vadd.s32 $0x9, v1;
	[tilespmem:s11+$0xFFFFFFA0] =	vst v30;
	v28 =	vld.idx.msk [tilespmem:v3+s21+$0x0], $0xffff;
	v3 =	vmovc v5;
	v5 =	vmov v8;
	v8 =	vmov v47  }
0x102: {  	s14 =	sadd.s32 $0x20, s14;
	v30 =	vadd.s32 $0xE, v0;
	v35 =	vld.idx.msk [tilespmem:v39+s21+$0x0], $0xffff;
	[tilespmem:s12+$0xFFFFFFF0] =	vst v38;
	s12 =	smov.u32 s11  }
0x103: {  	_ =	sdelay $0x2  }
0x104: {  	[tilespmem:s11+$0x30] =	vst v33  }
0x105: {  	v33 =	vld.idx.msk [tilespmem:v34+s21+$0x0], $0xffff;
	[tilespmem:s11+$0xFFFFFFB0] =	vst v35  }
0x106: {  	v63 =	vadd.s32 $0x5, v2;
	v26 =	vld.idx.msk [tilespmem:v26+s21+$0x0], $0xffff;
	_ =	sdelay $0x3  }
0x107: {  	[tilespmem:s11+$0x40] =	vst v33  }
0x108: {  	v33 =	vld.idx.msk [tilespmem:v63+s21+$0x0], $0xffff;
	[tilespmem:s11+$0xFFFFFFC0] =	vst v26  }
0x109: {  	v36 =	vadd.s32 $0x6, v2;
	v24 =	vld.idx.msk [tilespmem:v24+s21+$0x0], $0xffff;
	_ =	sdelay $0x3  }
0x10a: {  	[tilespmem:s12+$0x50] =	vst v33  }
0x10b: {  	v26 =	vld.idx.msk [tilespmem:v36+s21+$0x0], $0xffff;
	[tilespmem:s12+$0xFFFFFFD0] =	vst v24  }
0x10c: {  	v37 =	vadd.s32 $0x7, v2;
	v23 =	vld.idx.msk [tilespmem:v23+s21+$0x0], $0xffff;
	_ =	sdelay $0x3  }
0x10d: {  	[tilespmem:s12+$0x60] =	vst v26  }
0x10e: {  	v24 =	vld.idx.msk [tilespmem:v37+s21+$0x0], $0xffff;
	[tilespmem:s12+$0xFFFFFFE0] =	vst v23  }
0x10f: {  	v38 =	vadd.s32 $0x8, v2;
	v22 =	vld.idx.msk [tilespmem:v22+s21+$0x0], $0xffff;
	_ =	sdelay $0x3  }
0x110: {  	v19 =	vld.idx.msk [tilespmem:v19+s21+$0x0], $0xffff;
	[tilespmem:s12+$0x70] =	vst v24  }
0x111: {  	v23 =	vld.idx.msk [tilespmem:v38+s21+$0x0], $0xffff;
	[tilespmem:s12+$0xFFFFFFF0] =	vst v22  }
0x112: {  	v39 =	vadd.s32 $0x9, v2;
	v40 =	vld.idx.msk [tilespmem:v25+s21+$0x0], $0xffff  }
0x113: {  	s13 =	sadd.s32 $0x100, s7  }
0x114: {  	[tilespmem:s13+$0x0] =	vst v31  }
0x115: {  	s14 =	sadd.s32 $0x100, s13;
	v41 =	vld.idx.msk [tilespmem:v32+s21+$0x0], $0xffff;
	[tilespmem:s13+$0xFFFFFF80] =	vst v19  }
0x116: {  	v42 =	vadd.s32 $0xA, v1;
	v17 =	vld.idx.msk [tilespmem:v17+s21+$0x0], $0xffff;
	[tilespmem:s14+$0x0] =	vst v23  }
0x117: {  	v22 =	vld.idx.msk [tilespmem:v39+s21+$0x0], $0xffff;
	[tilespmem:s14+$0xFFFFFF80] =	vst v40  }
0x118: {  	v43 =	vadd.s32 $0xA, v2;
	v21 =	vld.idx.msk [tilespmem:v21+s21+$0x0], $0xffff;
	_ =	sdelay $0x1  }
0x119: {  	[tilespmem:s13+$0x10] =	vst v41  }
0x11a: {  	v19 =	vld.idx.msk [tilespmem:v42+s21+$0x0], $0xffff;
	[tilespmem:s13+$0xFFFFFF90] =	vst v17  }
0x11b: {  	v44 =	vadd.s32 $0xB, v1;
	v15 =	vld.idx.msk [tilespmem:v15+s21+$0x0], $0xffff;
	[tilespmem:s14+$0x10] =	vst v22  }
0x11c: {  	v22 =	vld.idx.msk [tilespmem:v43+s21+$0x0], $0xffff;
	[tilespmem:s14+$0xFFFFFF90] =	vst v21  }
0x11d: {  	v45 =	vadd.s32 $0xB, v2;
	v20 =	vld.idx.msk [tilespmem:v20+s21+$0x0], $0xffff;
	_ =	sdelay $0x1  }
0x11e: {  	[tilespmem:s13+$0x20] =	vst v19  }
0x11f: {  	v17 =	vld.idx.msk [tilespmem:v44+s21+$0x0], $0xffff;
	[tilespmem:s13+$0xFFFFFFA0] =	vst v15  }
0x120: {  	v46 =	vadd.s32 $0xC, v1;
	v14 =	vld.idx.msk [tilespmem:v14+s21+$0x0], $0xffff;
	[tilespmem:s14+$0x20] =	vst v22  }
0x121: {  	v47 =	vld.idx.msk [tilespmem:v45+s21+$0x0], $0xffff;
	[tilespmem:s14+$0xFFFFFFA0] =	vst v20  }
0x122: {  	v48 =	vadd.s32 $0xC, v2;
	v18 =	vld.idx.msk [tilespmem:v18+s21+$0x0], $0xffff  }
0x123: {  	[tilespmem:s7+$0xFFFFFFB0] =	vst v27  }
0x124: {  	v9 =	vld.idx.msk [tilespmem:v9+s21+$0x0], $0xffff;
	[tilespmem:s13+$0x30] =	vst v17  }
0x125: {  	v15 =	vld.idx.msk [tilespmem:v46+s21+$0x0], $0xffff;
	[tilespmem:s13+$0xFFFFFFB0] =	vst v14  }
0x126: {  	v49 =	vadd.s32 $0xD, v1;
	v12 =	vld.idx.msk [tilespmem:v12+s21+$0x0], $0xffff;
	[tilespmem:s14+$0x30] =	vst v47  }
0x127: {  	v50 =	vld.idx.msk [tilespmem:v48+s21+$0x0], $0xffff;
	[tilespmem:s14+$0xFFFFFFB0] =	vst v18  }
0x128: {  	v51 =	vadd.s32 $0xD, v2;
	[tilespmem:s10+$0x50] =	vst v29;
	v16 =	vld.idx.msk [tilespmem:v16+s21+$0x0], $0xffff  }
0x129: {  	[tilespmem:s10+$0xFFFFFFC0] =	vst v9  }
0x12a: {  	v6 =	vld.idx.msk [tilespmem:v6+s21+$0x0], $0xffff;
	[tilespmem:s13+$0x40] =	vst v15  }
0x12b: {  	v52 =	vld.idx.msk [tilespmem:v49+s21+$0x0], $0xffff;
	[tilespmem:s13+$0xFFFFFFC0] =	vst v12  }
0x12c: {  	v53 =	vadd.s32 $0xE, v1;
	v10 =	vld.idx.msk [tilespmem:v10+s21+$0x0], $0xffff;
	[tilespmem:s14+$0x40] =	vst v50  }
0x12d: {  	v54 =	vld.idx.msk [tilespmem:v51+s21+$0x0], $0xffff;
	[tilespmem:s14+$0xFFFFFFC0] =	vst v16  }
0x12e: {  	v55 =	vadd.s32 $0xE, v2;
	[tilespmem:s6+$0xFFFFFFF0] =	vst v28;
	v13 =	vld.idx.msk [tilespmem:v13+s21+$0x0], $0xffff  }
0x12f: {  	v56 =	vld.idx.msk [tilespmem:v30+s21+$0x0], $0xffff;
	[tilespmem:s10+$0xFFFFFFD0] =	vst v6  }
0x130: {  	v0 =	vadd.s32 $0xF, v0;
	v4 =	vld.idx.msk [tilespmem:v4+s21+$0x0], $0xffff;
	[tilespmem:s13+$0x50] =	vst v52  }
0x131: {  	v57 =	vld.idx.msk [tilespmem:v53+s21+$0x0], $0xffff;
	[tilespmem:s13+$0xFFFFFFD0] =	vst v10  }
0x132: {  	v58 =	vadd.s32 $0xF, v1;
	v7 =	vld.idx.msk [tilespmem:v7+s21+$0x0], $0xffff;
	[tilespmem:s14+$0x50] =	vst v54  }
0x133: {  	v59 =	vld.idx.msk [tilespmem:v55+s21+$0x0], $0xffff;
	[tilespmem:s14+$0xFFFFFFD0] =	vst v13  }
0x134: {  	v60 =	vadd.s32 $0xF, v2;
	[tilespmem:s10+$0x60] =	vst v56;
	v61 =	vld.idx.msk [tilespmem:v11+s21+$0x0], $0xffff  }
0x135: {  	v0 =	vld.idx.msk [tilespmem:v0+s21+$0x0], $0xffff;
	[tilespmem:s10+$0xFFFFFFE0] =	vst v4  }
0x136: {  	v3 =	vld.idx.msk [tilespmem:v3+s21+$0x0], $0xffff;
	[tilespmem:s13+$0x60] =	vst v57  }
0x137: {  	v1 =	vld.idx.msk [tilespmem:v58+s21+$0x0], $0xffff;
	[tilespmem:s13+$0xFFFFFFE0] =	vst v7  }
0x138: {  	v62 =	vld.idx.msk [tilespmem:v5+s21+$0x0], $0xffff;
	[tilespmem:s14+$0x60] =	vst v59  }
0x139: {  	v2 =	vld.idx.msk [tilespmem:v60+s21+$0x0], $0xffff;
	[tilespmem:s14+$0xFFFFFFE0] =	vst v61  }
0x13a: {  	[tilespmem:s10+$0x70] =	vst v0;
	v63 =	vld.idx.msk [tilespmem:v8+s21+$0x0], $0xffff  }
0x13b: {  	[tilespmem:s10+$0xFFFFFFF0] =	vst v3  }
0x13c: {  	[tilespmem:s13+$0x70] =	vst v1  }
0x13d: {  	[tilespmem:s13+$0xFFFFFFF0] =	vst v62;
	s13 =	sadd.s32 s4, s8  }
0x13e: {  	s6 =	sshll.u32 s13, $0x4;
	[tilespmem:s14+$0x70] =	vst v2  }
0x13f: {  	[tilespmem:s14+$0xFFFFFFF0] =	vst v63;
	s14 =	sadd.s32 s3, s6  }
0x140: {  	[hbm4b:s14+s5] =	stream.linear.scatter [tilespmem:s0], [sflag:$0x3], $0x6400, $0x38;
	[tilespmem:$0x15D80] =	vst v63  }
0x141: {  	s1 =	sadd.s32 $0x1, s1;
	_ =	swait.ge [sflag:s22], $0x6400  }
0x142: {  	p0 =	sne.s32 s1, $0x4;
	[sflag:s22] =	ssyncset.done $0x0  }
.Ltmp1:
0x143: {  	s6 =	sadd.s32 s6, s9;
	[sflag:s22] =	ssyncadd.s32 $0xFFFF9C00;
	(pc) =	sbr.rel @p0 .LBB2_2-.Ltmp1, $4  }
0x144: {  	[hbm4b:s6+s5] =	stream.linear.scatter [tilespmem:s23], [sflag:$0x3], $0x6400, $0x38;
	[tilespmem:$0x15D80] =	vst v63  }
0x145: {  	_ =	swait.ge [sflag:s22], $0x6400  }
0x146: {  	[sflag:s22] =	ssyncset.done $0x0  }
0x147: {  	s31 =	sadd.s32 $0xC80, s31;
	[sflag:s22] =	ssyncadd.s32 $0xFFFF9C00  }
0x148: {  	s29 =	sadd.s32 $0x1, s29  }
0x149: {  	p0 =	sne.s32 s29, s16  }
.Ltmp2:
0x14a: {  	_ = 	snop;
	(pc) =	sbr.rel @p0 .LBB2_1-.Ltmp2, $1  }
0x14b: {  	_ =	sdelay $0x3  }
0x14c: {  	_ =	sfence.sel $0x180000  }
0x14d: {  	[bflag:$0x0] =	sbarrier.arrive $0xFFFF  }
0x14e: {  	_ =	strace $0x9000004A  }
0x14f: {  	s0 =	stileid.u32;
	[bflag:$0x2] =	sbarrier.arrive $0xFFFF  }
0x150: {  	p0 =	sne.s32 s0, $0x0;
	s0 =	rddreg [dreg:$0x3]  }
0x151: {  	s0 =	sadd.s32 @!p0 $0x100000, s0  }
0x152: {  	[sflag:s0] =	ssyncadd.tile.s32 @!p0 $0x1;
	_ =	shalt  }
.Lfunc_end2:
_tile_overlayer_lowered:
.L_overlay_start_2:
0x153: {  	(tag) =	ssettag $0x2  }
0x154: {  	s0 =	rddreg [dreg:$0x0];
	s2 =	stileid.u32  }
0x155: {  	s1 =	rddreg [dreg:$0x1];
	p0 =	sne.s32 s2, $0x0  }
0x156: {  	s3 =	rddreg [dreg:$0x2];
	[bflag:$0x3] =	sbarrier.arrive $0xFFFF;
	s2 =	simm.s32 @!p0 $0x1C03  }
0x157: {  	[timem:s3], [sflag:s2] =	dma.local @!p0 [hbm:s0], s1  }
0x158: {  	s0 =	simm.s32 @!p0 $0x3  }
0x159: {  	_ =	swait.ge @!p0 [sflag:s0], s1  }
0x15a: {  	s1 =	ssub.s32 @!p0 $0x0, s1;
	[sflag:s0] =	ssyncset.done @!p0 $0x0  }
0x15b: {  	[sflag:s0] =	ssyncadd.s32 @!p0 s1  }
0x15c: {  	[bflag:$0x3] =	sbarrier.arrive $0xFFFF  }
0x15d: {  	_ =	shalt  }

</sc_bundles>
